<compile_context>
chip_gen: v7x
topology: tpu7x:2x2x1
jax: 0.10.2.dev20260603
libtpu: 0.0.44.dev20260713+nightly
codegen_flags: <defaults>
</compile_context>

<pallas_src>
import functools

import jax
import jax.numpy as jnp
from jax import lax
from jax.experimental import pallas as pl
from jax.experimental.pallas import tpu as pltpu
from jax.experimental.pallas import tpu_sc as plsc

_N = 10000
_D = 128
_G = 64
_NCLS = 10

_LANES = 16
_NSUB = 16
_NCORE = 2
_NW = _NSUB * _NCORE

_CHUNK = 128
_ACC_ROWS = 10240
_TRASH = _N
_ZROWS = _ACC_ROWS // _NSUB

_ROWBLK = 2000

_K = 1


def _fix_dst(src2d, dst2d):
    chunks = src2d.shape[0]

    def body(s_ref, d_ref, o_ref):
        o_ref[...] = jnp.where(s_ref[...] == d_ref[...], _TRASH, d_ref[...])

    return pl.pallas_call(
        body,
        out_shape=jax.ShapeDtypeStruct((chunks, _CHUNK), jnp.int32),
    )(src2d, dst2d)


_CPT0_FRAC = 0.41


def _sc_propagate(xl, src2d, dst2d, zeros_init):
    chunks = src2d.shape[0]
    per_pair = chunks // _NSUB
    cpt0 = int(per_pair * _CPT0_FRAC)
    cpt1 = per_pair - cpt0
    mesh = plsc.VectorSubcoreMesh(core_axis_name="c", subcore_axis_name="s")

    @functools.partial(
        pl.kernel,
        out_type=jax.ShapeDtypeStruct((_NCORE * _ACC_ROWS, _D), jnp.float32),
        mesh=mesh,
        scratch_types=[
            pltpu.VMEM((_CHUNK,), jnp.int32),
            pltpu.VMEM((_CHUNK,), jnp.int32),
            pltpu.VMEM((_CHUNK, _D), jnp.float32),
            pltpu.SemaphoreType.DMA,
            pltpu.VMEM_SHARED((_ACC_ROWS, _D), jnp.float32),
        ],
    )
    def k(xl_hbm, src_hbm, dst_hbm, z_hbm, out_hbm, src_v, dst_v, rows_v,
          gsem, acc):
        c = lax.axis_index("c")
        s = lax.axis_index("s")
        pltpu.sync_copy(z_hbm, acc.at[pl.ds(s * _ZROWS, _ZROWS)])
        plsc.subcore_barrier()
        base = jnp.where(c == 0, s * cpt0, _NSUB * cpt0 + s * cpt1)
        trip = jnp.where(c == 0, cpt0, cpt1)

        def body(j, carry):
            row = base + j
            pltpu.sync_copy(src_hbm.at[row], src_v)
            pltpu.sync_copy(dst_hbm.at[row], dst_v)
            for u in range(_CHUNK // _LANES):
                sl = pl.ds(u * _LANES, _LANES)
                sv = src_v[sl]
                dv = dst_v[sl]
                dst_v[sl] = jnp.where(sv == dv, _TRASH, dv)
            pltpu.async_copy(xl_hbm.at[src_v], rows_v, gsem).wait()
            pltpu.sync_copy(rows_v, acc.at[dst_v], add=True)
            return carry

        lax.fori_loop(0, trip, body, 0)
        plsc.subcore_barrier()
        pltpu.sync_copy(
            acc.at[pl.ds(s * _ZROWS, _ZROWS)],
            out_hbm.at[pl.ds(c * _ACC_ROWS + s * _ZROWS, _ZROWS)])

    return k(xl, src2d, dst2d, zeros_init)


def _first_lin(x, wl, bl):
    def body(x_ref, w_ref, b_ref, o_ref):
        o_ref[...] = (
            jnp.dot(x_ref[...], w_ref[...], preferred_element_type=jnp.float32)
            + b_ref[...])

    return pl.pallas_call(
        body,
        grid=(_N // _ROWBLK,),
        in_specs=[
            pl.BlockSpec((_ROWBLK, _D), lambda i: (i, 0)),
            pl.BlockSpec((_D, _D), lambda i: (0, 0)),
            pl.BlockSpec((1, _D), lambda i: (0, 0)),
        ],
        out_specs=pl.BlockSpec((_ROWBLK, _D), lambda i: (i, 0)),
        out_shape=jax.ShapeDtypeStruct((_N, _D), jnp.float32),
    )(x, wl, bl)


def _mid_layer(h, p0, p1, ws, bs, g, be, wl, bl):
    def body(h_ref, p0_ref, p1_ref, ws_ref, bs_ref, g_ref, be_ref,
             wl_ref, bl_ref, ho_ref, xo_ref):
        z = (jnp.dot(h_ref[...], ws_ref[...], preferred_element_type=jnp.float32)
             + bs_ref[...] + p0_ref[...] + p1_ref[...])
        z = jnp.maximum(z, 0.0)
        m = jnp.mean(z, axis=-1, keepdims=True)
        v = jnp.mean((z - m) ** 2, axis=-1, keepdims=True)
        zn = (z - m) * lax.rsqrt(v + 1e-5) * g_ref[...] + be_ref[...]
        ho_ref[...] = zn
        xo_ref[...] = (
            jnp.dot(zn, wl_ref[...], preferred_element_type=jnp.float32)
            + bl_ref[...])

    row = pl.BlockSpec((_ROWBLK, _D), lambda i: (i, 0))
    full = pl.BlockSpec((_D, _D), lambda i: (0, 0))
    vec = pl.BlockSpec((1, _D), lambda i: (0, 0))
    return pl.pallas_call(
        body,
        grid=(_N // _ROWBLK,),
        in_specs=[row, row, row, full, vec, vec, vec, full, vec],
        out_specs=[row, row],
        out_shape=[jax.ShapeDtypeStruct((_N, _D), jnp.float32),
                   jax.ShapeDtypeStruct((_N, _D), jnp.float32)],
    )(h, p0, p1, ws, bs, g, be, wl, bl)


def _final_stage(h, p0, p1, ws, bs, batch2d, w1, b1, w2p, b2p):
    steps = _N // _ROWBLK

    def body(h_ref, p0_ref, p1_ref, ws_ref, bs_ref, bt_ref, w1_ref, b1_ref,
             w2_ref, b2_ref, o_ref, pool_acc, cnt_acc):
        i = pl.program_id(0)

        @pl.when(i == 0)
        def _():
            pool_acc[...] = jnp.zeros_like(pool_acc)
            cnt_acc[...] = jnp.zeros_like(cnt_acc)

        z = (jnp.dot(h_ref[...], ws_ref[...], preferred_element_type=jnp.float32)
             + bs_ref[...] + p0_ref[...] + p1_ref[...])
        z = jnp.maximum(z, 0.0)
        onehot = (bt_ref[...] ==
                  lax.broadcasted_iota(jnp.int32, (_ROWBLK, _G), 1)
                  ).astype(jnp.float32)
        dn = (((0,), (0,)), ((), ()))
        pool_acc[...] += lax.dot_general(
            onehot, z, dn, preferred_element_type=jnp.float32)
        cnt_acc[...] += lax.dot_general(
            onehot, jnp.ones((_ROWBLK, _D), jnp.float32), dn,
            preferred_element_type=jnp.float32)

        @pl.when(i == steps - 1)
        def _():
            pooled = pool_acc[...] / jnp.maximum(cnt_acc[...], 1.0)
            z1 = (jnp.dot(pooled, w1_ref[...],
                          preferred_element_type=jnp.float32) + b1_ref[...])
            logits = (jnp.dot(z1, w2_ref[...],
                              preferred_element_type=jnp.float32) + b2_ref[...])
            colmask = lax.broadcasted_iota(jnp.int32, (_G, _D), 1) < _NCLS
            mlog = jnp.where(colmask, logits, -1e30)
            mx = jnp.max(mlog, axis=1, keepdims=True)
            ex = jnp.where(colmask, jnp.exp(logits - mx), 0.0)
            lse = jnp.log(jnp.sum(ex, axis=1, keepdims=True)) + mx
            o_ref[...] = logits - lse

    row = pl.BlockSpec((_ROWBLK, _D), lambda i: (i, 0))
    full = pl.BlockSpec((_D, _D), lambda i: (0, 0))
    vec = pl.BlockSpec((1, _D), lambda i: (0, 0))
    return pl.pallas_call(
        body,
        grid=(steps,),
        in_specs=[row, row, row, full, vec,
                  pl.BlockSpec((_ROWBLK, 1), lambda i: (i, 0)),
                  full, vec, full, vec],
        out_specs=pl.BlockSpec((_G, _D), lambda i: (0, 0)),
        out_shape=jax.ShapeDtypeStruct((_G, _D), jnp.float32),
        scratch_shapes=[pltpu.VMEM((_G, _D), jnp.float32),
                        pltpu.VMEM((_G, _D), jnp.float32)],
    )(h, p0, p1, ws, bs, batch2d, w1, b1, w2p, b2p)


def kernel(x, edge_index, batch, Wl0, bl0, Ws0, bs0, Wl1, bl1, Ws1, bs1,
           Wl2, bl2, Ws2, bs2, g0, be0, g1, be1, W1, b1, W2, b2):
    src = edge_index[0]
    dst = edge_index[1]
    e = src.shape[0]
    chunks = -(-e // _CHUNK)
    chunks = -(-chunks // _NSUB) * _NSUB
    pad = chunks * _CHUNK - e
    src2d = jnp.concatenate([src, jnp.zeros((pad,), jnp.int32)]).reshape(
        chunks, _CHUNK)
    dst2d = jnp.concatenate([dst, jnp.zeros((pad,), jnp.int32)]).reshape(
        chunks, _CHUNK)
    zeros_init = jnp.zeros((_ZROWS, _D), jnp.float32)
    batch2d = batch.reshape(_N, 1)

    r = lambda v: v.reshape(1, _D)
    w2p = jnp.concatenate([W2, jnp.zeros((_D, _D - _NCLS), jnp.float32)], axis=1)
    b2p = jnp.concatenate([b2, jnp.zeros((_D - _NCLS,), jnp.float32)]).reshape(1, _D)

    xl0 = _first_lin(x, Wl0, r(bl0))
    parts = _sc_propagate(xl0, src2d, dst2d, zeros_init)
    h1, xl1 = _mid_layer(x, parts[:_N], parts[_ACC_ROWS:_ACC_ROWS + _N], Ws0,
                         r(bs0), r(g0), r(be0), Wl1, r(bl1))
    parts = _sc_propagate(xl1, src2d, dst2d, zeros_init)
    h2, xl2 = _mid_layer(h1, parts[:_N], parts[_ACC_ROWS:_ACC_ROWS + _N], Ws1,
                         r(bs1), r(g1), r(be1), Wl2, r(bl2))
    parts = _sc_propagate(xl2, src2d, dst2d, zeros_init)
    out = _final_stage(h2, parts[:_N], parts[_ACC_ROWS:_ACC_ROWS + _N], Ws2,
                       r(bs2), batch2d, W1, r(b1), w2p, b2p)
    return out[:, :_NCLS]

# --- scband reference (transcript-rebuilt; emitter-appended) ---
"""Pipeline reference for scband-gnnstack-39479339384941 (READ-ONLY COPY).

The authoritative reference and input builder live on the scoring server;
editing this copy changes nothing except your own understanding.
"""

import jax, jax.numpy as jnp
import numpy as np

N = 10000
E = 320000
D_IN = 128
D_H = 128
D_OUT = 10
G = 64


def setup_inputs(seed: int = 0) -> dict:
    key = jax.random.key(seed)
    ks = jax.random.split(key, 32)
    inp = {}
    inp['x'] = jax.random.normal(ks[0], (N, D_IN), dtype=jnp.float32)
    inp['edge_index'] = jax.random.randint(ks[1], (2, E), 0, N, dtype=jnp.int32)
    inp['batch'] = jnp.sort(jax.random.randint(ks[2], (N,), 0, G, dtype=jnp.int32))
    dims = [(D_IN, D_H), (D_H, D_H), (D_H, D_H)]
    k = 3
    for i, (din, dout) in enumerate(dims):
        s = 1.0 / np.sqrt(din)
        inp['Wl%d' % i] = jax.random.uniform(ks[k], (din, dout), minval=-s, maxval=s, dtype=jnp.float32); k += 1
        inp['bl%d' % i] = jax.random.uniform(ks[k], (dout,), minval=-s, maxval=s, dtype=jnp.float32); k += 1
        inp['Ws%d' % i] = jax.random.uniform(ks[k], (din, dout), minval=-s, maxval=s, dtype=jnp.float32); k += 1
        inp['bs%d' % i] = jax.random.uniform(ks[k], (dout,), minval=-s, maxval=s, dtype=jnp.float32); k += 1
    for i in range(2):
        inp['g%d' % i] = jnp.ones((D_H,), jnp.float32)
        inp['be%d' % i] = jnp.zeros((D_H,), jnp.float32)
    s = 1.0 / np.sqrt(D_H)
    inp['W1'] = jax.random.uniform(ks[k], (D_H, D_H), minval=-s, maxval=s, dtype=jnp.float32); k += 1
    inp['b1'] = jax.random.uniform(ks[k], (D_H,), minval=-s, maxval=s, dtype=jnp.float32); k += 1
    inp['W2'] = jax.random.uniform(ks[k], (D_H, D_OUT), minval=-s, maxval=s, dtype=jnp.float32); k += 1
    inp['b2'] = jax.random.uniform(ks[k], (D_OUT,), minval=-s, maxval=s, dtype=jnp.float32); k += 1
    return inp


def _conv(x, edge_index, Wl, bl, Ws, bs):
    # CustomConv (CS224W style): lin_self(x) + add-aggregation of lin(x)[src] into dst,
    # with self-loops removed before propagation.
    src = edge_index[0]
    dst = edge_index[1]
    mask = (src != dst)
    xl = x @ Wl + bl
    msgs = jnp.where(mask[:, None], jnp.take(xl, src, axis=0), 0.0)
    agg = jnp.zeros((x.shape[0], Wl.shape[1]), x.dtype).at[dst].add(msgs)
    return x @ Ws + bs + agg


def _layernorm(x, g, b):
    m = jnp.mean(x, axis=-1, keepdims=True)
    v = jnp.var(x, axis=-1, keepdims=True)
    return (x - m) / jnp.sqrt(v + 1e-5) * g + b


def reference(x, edge_index, batch, Wl0, bl0, Ws0, bs0, Wl1, bl1, Ws1, bs1, Wl2, bl2, Ws2, bs2, g0, be0, g1, be1, W1, b1, W2, b2):
    convs = [(Wl0, bl0, Ws0, bs0), (Wl1, bl1, Ws1, bs1), (Wl2, bl2, Ws2, bs2)]
    lns = [(g0, be0), (g1, be1)]
    h = x
    for i in range(3):
        Wl, bl, Ws, bs = convs[i]
        h = _conv(h, edge_index, Wl, bl, Ws, bs)
        h = jax.nn.relu(h)
        # dropout p=0.25 is identity in eval mode
        if i != 2:
            g, b = lns[i]
            h = _layernorm(h, g, b)
    sums = jax.ops.segment_sum(h, batch, num_segments=G)
    counts = jax.ops.segment_sum(jnp.ones((h.shape[0],), h.dtype), batch, num_segments=G)
    pooled = sums / jnp.maximum(counts, 1.0)[:, None]
    out = pooled @ W1 + b1
    # dropout p=0.25 is identity in eval mode
    out = out @ W2 + b2
    return jax.nn.log_softmax(out, axis=1)

if __name__ == "__main__":
    import jax
    _d = setup_inputs()
    print(jax.jit(kernel)(*tuple(_d.values())))

</pallas_src>

<mosaic_0001>
#map = affine_map<(d0, d1) -> (0, 0)>
module attributes {stable_mosaic.version = 14 : i64} {
  func.func @k(%arg0: i32, %arg1: i32, %arg2: memref<10000x128xf32, #tpu.memory_space<hbm>>, %arg3: memref<2512x128xi32, #tpu.memory_space<hbm>>, %arg4: memref<2512x128xi32, #tpu.memory_space<hbm>>, %arg5: memref<640x128xf32, #tpu.memory_space<hbm>>, %arg6: memref<20480x128xf32, #tpu.memory_space<hbm>>, %arg7: memref<128xi32, #tpu.memory_space<vmem>>, %arg8: memref<128xi32, #tpu.memory_space<vmem>>, %arg9: memref<128x128xf32, #tpu.memory_space<vmem>>, %arg10: memref<!tpu.dma_semaphore, #tpu.memory_space<semaphore_mem>>, %arg11: memref<10240x128xf32, #tpu.memory_space<vmem_shared>>) attributes {dimension_semantics = [#tpu.dimension_semantics<core_parallel>, #tpu.dimension_semantics<subcore_parallel>], iteration_bounds = array<i64: 2, 16>, scalar_prefetch = 0 : i64, scratch_operands = 5 : i64, tpu.core_type = #tpu.core_type<sc_vector_subcore>, window_params = [{transform_indices = #map}, {transform_indices = #map}, {transform_indices = #map}, {transform_indices = #map}, {transform_indices = #map}]} {
    %mul3A = arith.constant 640 : i32
    %mul3A_0 = arith.muli %arg1, %mul3A : i32
    "tpu.region"() ({
      %run_scoped3A = tpu.sem_alloc : memref<!tpu.dma_semaphore, #tpu.memory_space<semaphore_mem>>
      %dma_start3A = arith.constant 0 : i32
      %dma_start3A_28 = tpu.memref_slice %arg11[%mul3A_0, %dma_start3A] : memref<10240x128xf32, #tpu.memory_space<vmem_shared>> -> memref<640x128xf32, #tpu.memory_space<vmem_shared>>
      tpu.enqueue_dma source(%arg5 : memref<640x128xf32, #tpu.memory_space<hbm>>) target(%dma_start3A_28 : memref<640x128xf32, #tpu.memory_space<vmem_shared>>) target_semaphore(%run_scoped3A : memref<!tpu.dma_semaphore, #tpu.memory_space<semaphore_mem>>)
      %dma_wait3A = arith.constant 0 : i32
      %dma_wait3A_29 = tpu.memref_slice %arg11[%mul3A_0, %dma_wait3A] : memref<10240x128xf32, #tpu.memory_space<vmem_shared>> -> memref<640x128xf32, #tpu.memory_space<vmem_shared>>
      tpu.wait_dma2 semaphore(%run_scoped3A : memref<!tpu.dma_semaphore, #tpu.memory_space<semaphore_mem>>) src(%arg5 : memref<640x128xf32, #tpu.memory_space<hbm>>) dst(%dma_wait3A_29 : memref<640x128xf32, #tpu.memory_space<vmem_shared>>)
      tpu.yield
    }) : () -> ()
    %barrier3A = arith.constant 0 : index
    tpu.barrier barrier_id(%barrier3A)
    %eq3A = arith.constant 0 : i32
    %eq3A_1 = arith.cmpi eq, %arg0, %eq3A : i32
    %mul3A_2 = arith.constant 64 : i32
    %mul3A_3 = arith.muli %arg1, %mul3A_2 : i32
    %mul3A_4 = arith.constant 93 : i32
    %mul3A_5 = arith.muli %arg1, %mul3A_4 : i32
    %add3A = arith.constant 1024 : i32
    %add3A_6 = arith.addi %add3A, %mul3A_5 : i32
    %select_n3A = arith.select %eq3A_1, %mul3A_3, %add3A_6 : i32
    %eq3A_7 = arith.constant 0 : i32
    %eq3A_8 = arith.cmpi eq, %arg0, %eq3A_7 : i32
    %jit3A = arith.constant 64 : i32
    %jit3A_9 = arith.constant 93 : i32
    %select_n3A_10 = arith.select %eq3A_8, %jit3A, %jit3A_9 : i32
    %while3A = arith.constant 0 : i32
    %while3A_11 = arith.constant 0 : i32
    %while3A_12 = arith.subi %select_n3A_10, %while3A_11 : i32
    %while3A_13 = arith.addi %while3A_11, %while3A_12 : i32
    %while3A_14 = arith.constant 1 : i32
    %while3A_15 = arith.divsi %while3A_12, %while3A_14 : i32
    %while3A_16 = arith.muli %while3A_15, %while3A_14 : i32
    %while3A_17 = arith.addi %while3A_11, %while3A_16 : i32
    %while3A_18 = arith.constant 1 : i32
    scf.for %while3A_28 = %while3A_11 to %while3A_17 step %while3A_18  : i32 {
      %add3A_29 = arith.addi %select_n3A, %while3A_28 : i32
      "tpu.region"() ({
        %run_scoped3A = tpu.sem_alloc : memref<!tpu.dma_semaphore, #tpu.memory_space<semaphore_mem>>
        %dma_start3A_143 = arith.constant 0 : i32
        %dma_start3A_144 = tpu.memref_slice %arg3[%add3A_29, %dma_start3A_143] : memref<2512x128xi32, #tpu.memory_space<hbm>> -> memref<1x128xi32, #tpu.memory_space<hbm>>
        %dma_start3A_145 = tpu.memref_squeeze %dma_start3A_144 : memref<1x128xi32, #tpu.memory_space<hbm>> -> memref<128xi32, #tpu.memory_space<hbm>>
        %dma_start3A_146 = arith.constant 0 : i32
        %dma_start3A_147 = tpu.memref_slice %arg3[%add3A_29, %dma_start3A_146] : memref<2512x128xi32, #tpu.memory_space<hbm>> -> memref<1x128xi32, #tpu.memory_space<hbm>>
        %dma_start3A_148 = tpu.memref_squeeze %dma_start3A_147 : memref<1x128xi32, #tpu.memory_space<hbm>> -> memref<128xi32, #tpu.memory_space<hbm>>
        tpu.enqueue_dma source(%dma_start3A_148 : memref<128xi32, #tpu.memory_space<hbm>>) target(%arg7 : memref<128xi32, #tpu.memory_space<vmem>>) target_semaphore(%run_scoped3A : memref<!tpu.dma_semaphore, #tpu.memory_space<semaphore_mem>>)
        %dma_wait3A_149 = arith.constant 0 : i32
        %dma_wait3A_150 = tpu.memref_slice %arg3[%add3A_29, %dma_wait3A_149] : memref<2512x128xi32, #tpu.memory_space<hbm>> -> memref<1x128xi32, #tpu.memory_space<hbm>>
        %dma_wait3A_151 = tpu.memref_squeeze %dma_wait3A_150 : memref<1x128xi32, #tpu.memory_space<hbm>> -> memref<128xi32, #tpu.memory_space<hbm>>
        %dma_wait3A_152 = arith.constant 0 : i32
        %dma_wait3A_153 = tpu.memref_slice %arg3[%add3A_29, %dma_wait3A_152] : memref<2512x128xi32, #tpu.memory_space<hbm>> -> memref<1x128xi32, #tpu.memory_space<hbm>>
        %dma_wait3A_154 = tpu.memref_squeeze %dma_wait3A_153 : memref<1x128xi32, #tpu.memory_space<hbm>> -> memref<128xi32, #tpu.memory_space<hbm>>
        tpu.wait_dma2 semaphore(%run_scoped3A : memref<!tpu.dma_semaphore, #tpu.memory_space<semaphore_mem>>) src(%dma_wait3A_154 : memref<128xi32, #tpu.memory_space<hbm>>) dst(%arg7 : memref<128xi32, #tpu.memory_space<vmem>>)
        tpu.yield
      }) : () -> ()
      "tpu.region"() ({
        %run_scoped3A = tpu.sem_alloc : memref<!tpu.dma_semaphore, #tpu.memory_space<semaphore_mem>>
        %dma_start3A_143 = arith.constant 0 : i32
        %dma_start3A_144 = tpu.memref_slice %arg4[%add3A_29, %dma_start3A_143] : memref<2512x128xi32, #tpu.memory_space<hbm>> -> memref<1x128xi32, #tpu.memory_space<hbm>>
        %dma_start3A_145 = tpu.memref_squeeze %dma_start3A_144 : memref<1x128xi32, #tpu.memory_space<hbm>> -> memref<128xi32, #tpu.memory_space<hbm>>
        %dma_start3A_146 = arith.constant 0 : i32
        %dma_start3A_147 = tpu.memref_slice %arg4[%add3A_29, %dma_start3A_146] : memref<2512x128xi32, #tpu.memory_space<hbm>> -> memref<1x128xi32, #tpu.memory_space<hbm>>
        %dma_start3A_148 = tpu.memref_squeeze %dma_start3A_147 : memref<1x128xi32, #tpu.memory_space<hbm>> -> memref<128xi32, #tpu.memory_space<hbm>>
        tpu.enqueue_dma source(%dma_start3A_148 : memref<128xi32, #tpu.memory_space<hbm>>) target(%arg8 : memref<128xi32, #tpu.memory_space<vmem>>) target_semaphore(%run_scoped3A : memref<!tpu.dma_semaphore, #tpu.memory_space<semaphore_mem>>)
        %dma_wait3A_149 = arith.constant 0 : i32
        %dma_wait3A_150 = tpu.memref_slice %arg4[%add3A_29, %dma_wait3A_149] : memref<2512x128xi32, #tpu.memory_space<hbm>> -> memref<1x128xi32, #tpu.memory_space<hbm>>
        %dma_wait3A_151 = tpu.memref_squeeze %dma_wait3A_150 : memref<1x128xi32, #tpu.memory_space<hbm>> -> memref<128xi32, #tpu.memory_space<hbm>>
        %dma_wait3A_152 = arith.constant 0 : i32
        %dma_wait3A_153 = tpu.memref_slice %arg4[%add3A_29, %dma_wait3A_152] : memref<2512x128xi32, #tpu.memory_space<hbm>> -> memref<1x128xi32, #tpu.memory_space<hbm>>
        %dma_wait3A_154 = tpu.memref_squeeze %dma_wait3A_153 : memref<1x128xi32, #tpu.memory_space<hbm>> -> memref<128xi32, #tpu.memory_space<hbm>>
        tpu.wait_dma2 semaphore(%run_scoped3A : memref<!tpu.dma_semaphore, #tpu.memory_space<semaphore_mem>>) src(%dma_wait3A_154 : memref<128xi32, #tpu.memory_space<hbm>>) dst(%arg8 : memref<128xi32, #tpu.memory_space<vmem>>)
        tpu.yield
      }) : () -> ()
      %get3A = arith.constant 0 : index
      %get3A_30 = tpu.vector_load %arg7[%get3A] {strides = array<i32>} : memref<128xi32, #tpu.memory_space<vmem>>, vector<16xi32>,
      %get3A_31 = vector.shape_cast %get3A_30 : vector<16xi32> to vector<16xi32>
      %get3A_32 = arith.constant 0 : index
      %get3A_33 = tpu.vector_load %arg8[%get3A_32] {strides = array<i32>} : memref<128xi32, #tpu.memory_space<vmem>>, vector<16xi32>,
      %get3A_34 = vector.shape_cast %get3A_33 : vector<16xi32> to vector<16xi32>
      %eq3A_35 = arith.cmpi eq, %get3A_31, %get3A_34 : vector<16xi32>
      %jit3A_36 = arith.constant 10000 : i32
      %broadcast_in_dim3A = vector.broadcast %jit3A_36 : i32 to vector<16xi32>
      %select_n3A_37 = arith.select %eq3A_35, %broadcast_in_dim3A, %get3A_34 : vector<16xi1>, vector<16xi32>
      %swap3A = arith.constant 0 : index
      %swap3A_38 = tpu.vector_load %arg8[%swap3A] {strides = array<i32>} : memref<128xi32, #tpu.memory_space<vmem>>, vector<16xi32>,
      %swap3A_39 = vector.shape_cast %swap3A_38 : vector<16xi32> to vector<16xi32>
      %swap3A_40 = vector.shape_cast %select_n3A_37 : vector<16xi32> to vector<16xi32>
      tpu.vector_store %arg8[%swap3A], %swap3A_40 {strides = array<i32>} : memref<128xi32, #tpu.memory_space<vmem>>, vector<16xi32>,
      %get3A_41 = arith.constant 16 : index
      %get3A_42 = tpu.vector_load %arg7[%get3A_41] {strides = array<i32>} : memref<128xi32, #tpu.memory_space<vmem>>, vector<16xi32>,
      %get3A_43 = vector.shape_cast %get3A_42 : vector<16xi32> to vector<16xi32>
      %get3A_44 = arith.constant 16 : index
      %get3A_45 = tpu.vector_load %arg8[%get3A_44] {strides = array<i32>} : memref<128xi32, #tpu.memory_space<vmem>>, vector<16xi32>,
      %get3A_46 = vector.shape_cast %get3A_45 : vector<16xi32> to vector<16xi32>
      %eq3A_47 = arith.cmpi eq, %get3A_43, %get3A_46 : vector<16xi32>
      %jit3A_48 = arith.constant 10000 : i32
      %broadcast_in_dim3A_49 = vector.broadcast %jit3A_48 : i32 to vector<16xi32>
      %select_n3A_50 = arith.select %eq3A_47, %broadcast_in_dim3A_49, %get3A_46 : vector<16xi1>, vector<16xi32>
      %swap3A_51 = arith.constant 16 : index
      %swap3A_52 = tpu.vector_load %arg8[%swap3A_51] {strides = array<i32>} : memref<128xi32, #tpu.memory_space<vmem>>, vector<16xi32>,
      %swap3A_53 = vector.shape_cast %swap3A_52 : vector<16xi32> to vector<16xi32>
      %swap3A_54 = vector.shape_cast %select_n3A_50 : vector<16xi32> to vector<16xi32>
      tpu.vector_store %arg8[%swap3A_51], %swap3A_54 {strides = array<i32>} : memref<128xi32, #tpu.memory_space<vmem>>, vector<16xi32>,
      %get3A_55 = arith.constant 32 : index
      %get3A_56 = tpu.vector_load %arg7[%get3A_55] {strides = array<i32>} : memref<128xi32, #tpu.memory_space<vmem>>, vector<16xi32>,
      %get3A_57 = vector.shape_cast %get3A_56 : vector<16xi32> to vector<16xi32>
      %get3A_58 = arith.constant 32 : index
      %get3A_59 = tpu.vector_load %arg8[%get3A_58] {strides = array<i32>} : memref<128xi32, #tpu.memory_space<vmem>>, vector<16xi32>,
      %get3A_60 = vector.shape_cast %get3A_59 : vector<16xi32> to vector<16xi32>
      %eq3A_61 = arith.cmpi eq, %get3A_57, %get3A_60 : vector<16xi32>
      %jit3A_62 = arith.constant 10000 : i32
      %broadcast_in_dim3A_63 = vector.broadcast %jit3A_62 : i32 to vector<16xi32>
      %select_n3A_64 = arith.select %eq3A_61, %broadcast_in_dim3A_63, %get3A_60 : vector<16xi1>, vector<16xi32>
      %swap3A_65 = arith.constant 32 : index
      %swap3A_66 = tpu.vector_load %arg8[%swap3A_65] {strides = array<i32>} : memref<128xi32, #tpu.memory_space<vmem>>, vector<16xi32>,
      %swap3A_67 = vector.shape_cast %swap3A_66 : vector<16xi32> to vector<16xi32>
      %swap3A_68 = vector.shape_cast %select_n3A_64 : vector<16xi32> to vector<16xi32>
      tpu.vector_store %arg8[%swap3A_65], %swap3A_68 {strides = array<i32>} : memref<128xi32, #tpu.memory_space<vmem>>, vector<16xi32>,
      %get3A_69 = arith.constant 48 : index
      %get3A_70 = tpu.vector_load %arg7[%get3A_69] {strides = array<i32>} : memref<128xi32, #tpu.memory_space<vmem>>, vector<16xi32>,
      %get3A_71 = vector.shape_cast %get3A_70 : vector<16xi32> to vector<16xi32>
      %get3A_72 = arith.constant 48 : index
      %get3A_73 = tpu.vector_load %arg8[%get3A_72] {strides = array<i32>} : memref<128xi32, #tpu.memory_space<vmem>>, vector<16xi32>,
      %get3A_74 = vector.shape_cast %get3A_73 : vector<16xi32> to vector<16xi32>
      %eq3A_75 = arith.cmpi eq, %get3A_71, %get3A_74 : vector<16xi32>
      %jit3A_76 = arith.constant 10000 : i32
      %broadcast_in_dim3A_77 = vector.broadcast %jit3A_76 : i32 to vector<16xi32>
      %select_n3A_78 = arith.select %eq3A_75, %broadcast_in_dim3A_77, %get3A_74 : vector<16xi1>, vector<16xi32>
      %swap3A_79 = arith.constant 48 : index
      %swap3A_80 = tpu.vector_load %arg8[%swap3A_79] {strides = array<i32>} : memref<128xi32, #tpu.memory_space<vmem>>, vector<16xi32>,
      %swap3A_81 = vector.shape_cast %swap3A_80 : vector<16xi32> to vector<16xi32>
      %swap3A_82 = vector.shape_cast %select_n3A_78 : vector<16xi32> to vector<16xi32>
      tpu.vector_store %arg8[%swap3A_79], %swap3A_82 {strides = array<i32>} : memref<128xi32, #tpu.memory_space<vmem>>, vector<16xi32>,
      %get3A_83 = arith.constant 64 : index
      %get3A_84 = tpu.vector_load %arg7[%get3A_83] {strides = array<i32>} : memref<128xi32, #tpu.memory_space<vmem>>, vector<16xi32>,
      %get3A_85 = vector.shape_cast %get3A_84 : vector<16xi32> to vector<16xi32>
      %get3A_86 = arith.constant 64 : index
      %get3A_87 = tpu.vector_load %arg8[%get3A_86] {strides = array<i32>} : memref<128xi32, #tpu.memory_space<vmem>>, vector<16xi32>,
      %get3A_88 = vector.shape_cast %get3A_87 : vector<16xi32> to vector<16xi32>
      %eq3A_89 = arith.cmpi eq, %get3A_85, %get3A_88 : vector<16xi32>
      %jit3A_90 = arith.constant 10000 : i32
      %broadcast_in_dim3A_91 = vector.broadcast %jit3A_90 : i32 to vector<16xi32>
      %select_n3A_92 = arith.select %eq3A_89, %broadcast_in_dim3A_91, %get3A_88 : vector<16xi1>, vector<16xi32>
      %swap3A_93 = arith.constant 64 : index
      %swap3A_94 = tpu.vector_load %arg8[%swap3A_93] {strides = array<i32>} : memref<128xi32, #tpu.memory_space<vmem>>, vector<16xi32>,
      %swap3A_95 = vector.shape_cast %swap3A_94 : vector<16xi32> to vector<16xi32>
      %swap3A_96 = vector.shape_cast %select_n3A_92 : vector<16xi32> to vector<16xi32>
      tpu.vector_store %arg8[%swap3A_93], %swap3A_96 {strides = array<i32>} : memref<128xi32, #tpu.memory_space<vmem>>, vector<16xi32>,
      %get3A_97 = arith.constant 80 : index
      %get3A_98 = tpu.vector_load %arg7[%get3A_97] {strides = array<i32>} : memref<128xi32, #tpu.memory_space<vmem>>, vector<16xi32>,
      %get3A_99 = vector.shape_cast %get3A_98 : vector<16xi32> to vector<16xi32>
      %get3A_100 = arith.constant 80 : index
      %get3A_101 = tpu.vector_load %arg8[%get3A_100] {strides = array<i32>} : memref<128xi32, #tpu.memory_space<vmem>>, vector<16xi32>,
      %get3A_102 = vector.shape_cast %get3A_101 : vector<16xi32> to vector<16xi32>
      %eq3A_103 = arith.cmpi eq, %get3A_99, %get3A_102 : vector<16xi32>
      %jit3A_104 = arith.constant 10000 : i32
      %broadcast_in_dim3A_105 = vector.broadcast %jit3A_104 : i32 to vector<16xi32>
      %select_n3A_106 = arith.select %eq3A_103, %broadcast_in_dim3A_105, %get3A_102 : vector<16xi1>, vector<16xi32>
      %swap3A_107 = arith.constant 80 : index
      %swap3A_108 = tpu.vector_load %arg8[%swap3A_107] {strides = array<i32>} : memref<128xi32, #tpu.memory_space<vmem>>, vector<16xi32>,
      %swap3A_109 = vector.shape_cast %swap3A_108 : vector<16xi32> to vector<16xi32>
      %swap3A_110 = vector.shape_cast %select_n3A_106 : vector<16xi32> to vector<16xi32>
      tpu.vector_store %arg8[%swap3A_107], %swap3A_110 {strides = array<i32>} : memref<128xi32, #tpu.memory_space<vmem>>, vector<16xi32>,
      %get3A_111 = arith.constant 96 : index
      %get3A_112 = tpu.vector_load %arg7[%get3A_111] {strides = array<i32>} : memref<128xi32, #tpu.memory_space<vmem>>, vector<16xi32>,
      %get3A_113 = vector.shape_cast %get3A_112 : vector<16xi32> to vector<16xi32>
      %get3A_114 = arith.constant 96 : index
      %get3A_115 = tpu.vector_load %arg8[%get3A_114] {strides = array<i32>} : memref<128xi32, #tpu.memory_space<vmem>>, vector<16xi32>,
      %get3A_116 = vector.shape_cast %get3A_115 : vector<16xi32> to vector<16xi32>
      %eq3A_117 = arith.cmpi eq, %get3A_113, %get3A_116 : vector<16xi32>
      %jit3A_118 = arith.constant 10000 : i32
      %broadcast_in_dim3A_119 = vector.broadcast %jit3A_118 : i32 to vector<16xi32>
      %select_n3A_120 = arith.select %eq3A_117, %broadcast_in_dim3A_119, %get3A_116 : vector<16xi1>, vector<16xi32>
      %swap3A_121 = arith.constant 96 : index
      %swap3A_122 = tpu.vector_load %arg8[%swap3A_121] {strides = array<i32>} : memref<128xi32, #tpu.memory_space<vmem>>, vector<16xi32>,
      %swap3A_123 = vector.shape_cast %swap3A_122 : vector<16xi32> to vector<16xi32>
      %swap3A_124 = vector.shape_cast %select_n3A_120 : vector<16xi32> to vector<16xi32>
      tpu.vector_store %arg8[%swap3A_121], %swap3A_124 {strides = array<i32>} : memref<128xi32, #tpu.memory_space<vmem>>, vector<16xi32>,
      %get3A_125 = arith.constant 112 : index
      %get3A_126 = tpu.vector_load %arg7[%get3A_125] {strides = array<i32>} : memref<128xi32, #tpu.memory_space<vmem>>, vector<16xi32>,
      %get3A_127 = vector.shape_cast %get3A_126 : vector<16xi32> to vector<16xi32>
      %get3A_128 = arith.constant 112 : index
      %get3A_129 = tpu.vector_load %arg8[%get3A_128] {strides = array<i32>} : memref<128xi32, #tpu.memory_space<vmem>>, vector<16xi32>,
      %get3A_130 = vector.shape_cast %get3A_129 : vector<16xi32> to vector<16xi32>
      %eq3A_131 = arith.cmpi eq, %get3A_127, %get3A_130 : vector<16xi32>
      %jit3A_132 = arith.constant 10000 : i32
      %broadcast_in_dim3A_133 = vector.broadcast %jit3A_132 : i32 to vector<16xi32>
      %select_n3A_134 = arith.select %eq3A_131, %broadcast_in_dim3A_133, %get3A_130 : vector<16xi1>, vector<16xi32>
      %swap3A_135 = arith.constant 112 : index
      %swap3A_136 = tpu.vector_load %arg8[%swap3A_135] {strides = array<i32>} : memref<128xi32, #tpu.memory_space<vmem>>, vector<16xi32>,
      %swap3A_137 = vector.shape_cast %swap3A_136 : vector<16xi32> to vector<16xi32>
      %swap3A_138 = vector.shape_cast %select_n3A_134 : vector<16xi32> to vector<16xi32>
      tpu.vector_store %arg8[%swap3A_135], %swap3A_138 {strides = array<i32>} : memref<128xi32, #tpu.memory_space<vmem>>, vector<16xi32>,
      %dma_start3A = arith.constant 0 : i32
      %dma_start3A_139 = arith.constant 0 : i32
      %dma_start3A_140 = tpu.memref_slice %arg2[%dma_start3A, %dma_start3A_139] : memref<10000x128xf32, #tpu.memory_space<hbm>> -> memref<10000x128xf32, #tpu.memory_space<hbm>>
      tpu.enqueue_indirect_dma source(%dma_start3A_140 : memref<10000x128xf32, #tpu.memory_space<hbm>>) target(%arg9 : memref<128x128xf32, #tpu.memory_space<vmem>>) offsets(%arg7 : memref<128xi32, #tpu.memory_space<vmem>>) semaphore(%arg10 : memref<!tpu.dma_semaphore, #tpu.memory_space<semaphore_mem>>)
      %dma_wait3A = arith.constant 0 : i32
      %dma_wait3A_141 = arith.constant 0 : i32
      %dma_wait3A_142 = tpu.memref_slice %arg2[%dma_wait3A, %dma_wait3A_141] : memref<10000x128xf32, #tpu.memory_space<hbm>> -> memref<10000x128xf32, #tpu.memory_space<hbm>>
      tpu.wait_indirect_dma semaphore(%arg10 : memref<!tpu.dma_semaphore, #tpu.memory_space<semaphore_mem>>) src(%dma_wait3A_142 : memref<10000x128xf32, #tpu.memory_space<hbm>>) dst(%arg9 : memref<128x128xf32, #tpu.memory_space<vmem>>)
      "tpu.region"() ({
        %run_scoped3A = tpu.sem_alloc : memref<!tpu.dma_semaphore, #tpu.memory_space<semaphore_mem>>
        %dma_start3A_143 = arith.constant 0 : i32
        %dma_start3A_144 = arith.constant 0 : i32
        %dma_start3A_145 = tpu.memref_slice %arg11[%dma_start3A_143, %dma_start3A_144] : memref<10240x128xf32, #tpu.memory_space<vmem_shared>> -> memref<10240x128xf32, #tpu.memory_space<vmem_shared>>
        tpu.enqueue_indirect_dma source(%arg9 : memref<128x128xf32, #tpu.memory_space<vmem>>) target(%dma_start3A_145 : memref<10240x128xf32, #tpu.memory_space<vmem_shared>>) offsets(%arg8 : memref<128xi32, #tpu.memory_space<vmem>>) semaphore(%run_scoped3A : memref<!tpu.dma_semaphore, #tpu.memory_space<semaphore_mem>>) {add = true}
        %dma_wait3A_146 = arith.constant 0 : i32
        %dma_wait3A_147 = arith.constant 0 : i32
        %dma_wait3A_148 = tpu.memref_slice %arg11[%dma_wait3A_146, %dma_wait3A_147] : memref<10240x128xf32, #tpu.memory_space<vmem_shared>> -> memref<10240x128xf32, #tpu.memory_space<vmem_shared>>
        tpu.wait_indirect_dma semaphore(%run_scoped3A : memref<!tpu.dma_semaphore, #tpu.memory_space<semaphore_mem>>) src(%arg9 : memref<128x128xf32, #tpu.memory_space<vmem>>) dst(%dma_wait3A_148 : memref<10240x128xf32, #tpu.memory_space<vmem_shared>>)
        tpu.yield
      }) : () -> ()
    }
    %while3A_19 = arith.constant 1 : i32
    scf.for %while3A_28 = %while3A_17 to %while3A_13 step %while3A_19  : i32 {
      %add3A_29 = arith.addi %select_n3A, %while3A_28 : i32
      "tpu.region"() ({
        %run_scoped3A = tpu.sem_alloc : memref<!tpu.dma_semaphore, #tpu.memory_space<semaphore_mem>>
        %dma_start3A_143 = arith.constant 0 : i32
        %dma_start3A_144 = tpu.memref_slice %arg3[%add3A_29, %dma_start3A_143] : memref<2512x128xi32, #tpu.memory_space<hbm>> -> memref<1x128xi32, #tpu.memory_space<hbm>>
        %dma_start3A_145 = tpu.memref_squeeze %dma_start3A_144 : memref<1x128xi32, #tpu.memory_space<hbm>> -> memref<128xi32, #tpu.memory_space<hbm>>
        %dma_start3A_146 = arith.constant 0 : i32
        %dma_start3A_147 = tpu.memref_slice %arg3[%add3A_29, %dma_start3A_146] : memref<2512x128xi32, #tpu.memory_space<hbm>> -> memref<1x128xi32, #tpu.memory_space<hbm>>
        %dma_start3A_148 = tpu.memref_squeeze %dma_start3A_147 : memref<1x128xi32, #tpu.memory_space<hbm>> -> memref<128xi32, #tpu.memory_space<hbm>>
        tpu.enqueue_dma source(%dma_start3A_148 : memref<128xi32, #tpu.memory_space<hbm>>) target(%arg7 : memref<128xi32, #tpu.memory_space<vmem>>) target_semaphore(%run_scoped3A : memref<!tpu.dma_semaphore, #tpu.memory_space<semaphore_mem>>)
        %dma_wait3A_149 = arith.constant 0 : i32
        %dma_wait3A_150 = tpu.memref_slice %arg3[%add3A_29, %dma_wait3A_149] : memref<2512x128xi32, #tpu.memory_space<hbm>> -> memref<1x128xi32, #tpu.memory_space<hbm>>
        %dma_wait3A_151 = tpu.memref_squeeze %dma_wait3A_150 : memref<1x128xi32, #tpu.memory_space<hbm>> -> memref<128xi32, #tpu.memory_space<hbm>>
        %dma_wait3A_152 = arith.constant 0 : i32
        %dma_wait3A_153 = tpu.memref_slice %arg3[%add3A_29, %dma_wait3A_152] : memref<2512x128xi32, #tpu.memory_space<hbm>> -> memref<1x128xi32, #tpu.memory_space<hbm>>
        %dma_wait3A_154 = tpu.memref_squeeze %dma_wait3A_153 : memref<1x128xi32, #tpu.memory_space<hbm>> -> memref<128xi32, #tpu.memory_space<hbm>>
        tpu.wait_dma2 semaphore(%run_scoped3A : memref<!tpu.dma_semaphore, #tpu.memory_space<semaphore_mem>>) src(%dma_wait3A_154 : memref<128xi32, #tpu.memory_space<hbm>>) dst(%arg7 : memref<128xi32, #tpu.memory_space<vmem>>)
        tpu.yield
      }) : () -> ()
      "tpu.region"() ({
        %run_scoped3A = tpu.sem_alloc : memref<!tpu.dma_semaphore, #tpu.memory_space<semaphore_mem>>
        %dma_start3A_143 = arith.constant 0 : i32
        %dma_start3A_144 = tpu.memref_slice %arg4[%add3A_29, %dma_start3A_143] : memref<2512x128xi32, #tpu.memory_space<hbm>> -> memref<1x128xi32, #tpu.memory_space<hbm>>
        %dma_start3A_145 = tpu.memref_squeeze %dma_start3A_144 : memref<1x128xi32, #tpu.memory_space<hbm>> -> memref<128xi32, #tpu.memory_space<hbm>>
        %dma_start3A_146 = arith.constant 0 : i32
        %dma_start3A_147 = tpu.memref_slice %arg4[%add3A_29, %dma_start3A_146] : memref<2512x128xi32, #tpu.memory_space<hbm>> -> memref<1x128xi32, #tpu.memory_space<hbm>>
        %dma_start3A_148 = tpu.memref_squeeze %dma_start3A_147 : memref<1x128xi32, #tpu.memory_space<hbm>> -> memref<128xi32, #tpu.memory_space<hbm>>
        tpu.enqueue_dma source(%dma_start3A_148 : memref<128xi32, #tpu.memory_space<hbm>>) target(%arg8 : memref<128xi32, #tpu.memory_space<vmem>>) target_semaphore(%run_scoped3A : memref<!tpu.dma_semaphore, #tpu.memory_space<semaphore_mem>>)
        %dma_wait3A_149 = arith.constant 0 : i32
        %dma_wait3A_150 = tpu.memref_slice %arg4[%add3A_29, %dma_wait3A_149] : memref<2512x128xi32, #tpu.memory_space<hbm>> -> memref<1x128xi32, #tpu.memory_space<hbm>>
        %dma_wait3A_151 = tpu.memref_squeeze %dma_wait3A_150 : memref<1x128xi32, #tpu.memory_space<hbm>> -> memref<128xi32, #tpu.memory_space<hbm>>
        %dma_wait3A_152 = arith.constant 0 : i32
        %dma_wait3A_153 = tpu.memref_slice %arg4[%add3A_29, %dma_wait3A_152] : memref<2512x128xi32, #tpu.memory_space<hbm>> -> memref<1x128xi32, #tpu.memory_space<hbm>>
        %dma_wait3A_154 = tpu.memref_squeeze %dma_wait3A_153 : memref<1x128xi32, #tpu.memory_space<hbm>> -> memref<128xi32, #tpu.memory_space<hbm>>
        tpu.wait_dma2 semaphore(%run_scoped3A : memref<!tpu.dma_semaphore, #tpu.memory_space<semaphore_mem>>) src(%dma_wait3A_154 : memref<128xi32, #tpu.memory_space<hbm>>) dst(%arg8 : memref<128xi32, #tpu.memory_space<vmem>>)
        tpu.yield
      }) : () -> ()
      %get3A = arith.constant 0 : index
      %get3A_30 = tpu.vector_load %arg7[%get3A] {strides = array<i32>} : memref<128xi32, #tpu.memory_space<vmem>>, vector<16xi32>,
      %get3A_31 = vector.shape_cast %get3A_30 : vector<16xi32> to vector<16xi32>
      %get3A_32 = arith.constant 0 : index
      %get3A_33 = tpu.vector_load %arg8[%get3A_32] {strides = array<i32>} : memref<128xi32, #tpu.memory_space<vmem>>, vector<16xi32>,
      %get3A_34 = vector.shape_cast %get3A_33 : vector<16xi32> to vector<16xi32>
      %eq3A_35 = arith.cmpi eq, %get3A_31, %get3A_34 : vector<16xi32>
      %jit3A_36 = arith.constant 10000 : i32
      %broadcast_in_dim3A = vector.broadcast %jit3A_36 : i32 to vector<16xi32>
      %select_n3A_37 = arith.select %eq3A_35, %broadcast_in_dim3A, %get3A_34 : vector<16xi1>, vector<16xi32>
      %swap3A = arith.constant 0 : index
      %swap3A_38 = tpu.vector_load %arg8[%swap3A] {strides = array<i32>} : memref<128xi32, #tpu.memory_space<vmem>>, vector<16xi32>,
      %swap3A_39 = vector.shape_cast %swap3A_38 : vector<16xi32> to vector<16xi32>
      %swap3A_40 = vector.shape_cast %select_n3A_37 : vector<16xi32> to vector<16xi32>
      tpu.vector_store %arg8[%swap3A], %swap3A_40 {strides = array<i32>} : memref<128xi32, #tpu.memory_space<vmem>>, vector<16xi32>,
      %get3A_41 = arith.constant 16 : index
      %get3A_42 = tpu.vector_load %arg7[%get3A_41] {strides = array<i32>} : memref<128xi32, #tpu.memory_space<vmem>>, vector<16xi32>,
      %get3A_43 = vector.shape_cast %get3A_42 : vector<16xi32> to vector<16xi32>
      %get3A_44 = arith.constant 16 : index
      %get3A_45 = tpu.vector_load %arg8[%get3A_44] {strides = array<i32>} : memref<128xi32, #tpu.memory_space<vmem>>, vector<16xi32>,
      %get3A_46 = vector.shape_cast %get3A_45 : vector<16xi32> to vector<16xi32>
      %eq3A_47 = arith.cmpi eq, %get3A_43, %get3A_46 : vector<16xi32>
      %jit3A_48 = arith.constant 10000 : i32
      %broadcast_in_dim3A_49 = vector.broadcast %jit3A_48 : i32 to vector<16xi32>
      %select_n3A_50 = arith.select %eq3A_47, %broadcast_in_dim3A_49, %get3A_46 : vector<16xi1>, vector<16xi32>
      %swap3A_51 = arith.constant 16 : index
      %swap3A_52 = tpu.vector_load %arg8[%swap3A_51] {strides = array<i32>} : memref<128xi32, #tpu.memory_space<vmem>>, vector<16xi32>,
      %swap3A_53 = vector.shape_cast %swap3A_52 : vector<16xi32> to vector<16xi32>
      %swap3A_54 = vector.shape_cast %select_n3A_50 : vector<16xi32> to vector<16xi32>
      tpu.vector_store %arg8[%swap3A_51], %swap3A_54 {strides = array<i32>} : memref<128xi32, #tpu.memory_space<vmem>>, vector<16xi32>,
      %get3A_55 = arith.constant 32 : index
      %get3A_56 = tpu.vector_load %arg7[%get3A_55] {strides = array<i32>} : memref<128xi32, #tpu.memory_space<vmem>>, vector<16xi32>,
      %get3A_57 = vector.shape_cast %get3A_56 : vector<16xi32> to vector<16xi32>
      %get3A_58 = arith.constant 32 : index
      %get3A_59 = tpu.vector_load %arg8[%get3A_58] {strides = array<i32>} : memref<128xi32, #tpu.memory_space<vmem>>, vector<16xi32>,
      %get3A_60 = vector.shape_cast %get3A_59 : vector<16xi32> to vector<16xi32>
      %eq3A_61 = arith.cmpi eq, %get3A_57, %get3A_60 : vector<16xi32>
      %jit3A_62 = arith.constant 10000 : i32
      %broadcast_in_dim3A_63 = vector.broadcast %jit3A_62 : i32 to vector<16xi32>
      %select_n3A_64 = arith.select %eq3A_61, %broadcast_in_dim3A_63, %get3A_60 : vector<16xi1>, vector<16xi32>
      %swap3A_65 = arith.constant 32 : index
      %swap3A_66 = tpu.vector_load %arg8[%swap3A_65] {strides = array<i32>} : memref<128xi32, #tpu.memory_space<vmem>>, vector<16xi32>,
      %swap3A_67 = vector.shape_cast %swap3A_66 : vector<16xi32> to vector<16xi32>
      %swap3A_68 = vector.shape_cast %select_n3A_64 : vector<16xi32> to vector<16xi32>
      tpu.vector_store %arg8[%swap3A_65], %swap3A_68 {strides = array<i32>} : memref<128xi32, #tpu.memory_space<vmem>>, vector<16xi32>,
      %get3A_69 = arith.constant 48 : index
      %get3A_70 = tpu.vector_load %arg7[%get3A_69] {strides = array<i32>} : memref<128xi32, #tpu.memory_space<vmem>>, vector<16xi32>,
      %get3A_71 = vector.shape_cast %get3A_70 : vector<16xi32> to vector<16xi32>
      %get3A_72 = arith.constant 48 : index
      %get3A_73 = tpu.vector_load %arg8[%get3A_72] {strides = array<i32>} : memref<128xi32, #tpu.memory_space<vmem>>, vector<16xi32>,
      %get3A_74 = vector.shape_cast %get3A_73 : vector<16xi32> to vector<16xi32>
      %eq3A_75 = arith.cmpi eq, %get3A_71, %get3A_74 : vector<16xi32>
      %jit3A_76 = arith.constant 10000 : i32
      %broadcast_in_dim3A_77 = vector.broadcast %jit3A_76 : i32 to vector<16xi32>
      %select_n3A_78 = arith.select %eq3A_75, %broadcast_in_dim3A_77, %get3A_74 : vector<16xi1>, vector<16xi32>
      %swap3A_79 = arith.constant 48 : index
      %swap3A_80 = tpu.vector_load %arg8[%swap3A_79] {strides = array<i32>} : memref<128xi32, #tpu.memory_space<vmem>>, vector<16xi32>,
      %swap3A_81 = vector.shape_cast %swap3A_80 : vector<16xi32> to vector<16xi32>
      %swap3A_82 = vector.shape_cast %select_n3A_78 : vector<16xi32> to vector<16xi32>
      tpu.vector_store %arg8[%swap3A_79], %swap3A_82 {strides = array<i32>} : memref<128xi32, #tpu.memory_space<vmem>>, vector<16xi32>,
      %get3A_83 = arith.constant 64 : index
      %get3A_84 = tpu.vector_load %arg7[%get3A_83] {strides = array<i32>} : memref<128xi32, #tpu.memory_space<vmem>>, vector<16xi32>,
      %get3A_85 = vector.shape_cast %get3A_84 : vector<16xi32> to vector<16xi32>
      %get3A_86 = arith.constant 64 : index
      %get3A_87 = tpu.vector_load %arg8[%get3A_86] {strides = array<i32>} : memref<128xi32, #tpu.memory_space<vmem>>, vector<16xi32>,
      %get3A_88 = vector.shape_cast %get3A_87 : vector<16xi32> to vector<16xi32>
      %eq3A_89 = arith.cmpi eq, %get3A_85, %get3A_88 : vector<16xi32>
      %jit3A_90 = arith.constant 10000 : i32
      %broadcast_in_dim3A_91 = vector.broadcast %jit3A_90 : i32 to vector<16xi32>
      %select_n3A_92 = arith.select %eq3A_89, %broadcast_in_dim3A_91, %get3A_88 : vector<16xi1>, vector<16xi32>
      %swap3A_93 = arith.constant 64 : index
      %swap3A_94 = tpu.vector_load %arg8[%swap3A_93] {strides = array<i32>} : memref<128xi32, #tpu.memory_space<vmem>>, vector<16xi32>,
      %swap3A_95 = vector.shape_cast %swap3A_94 : vector<16xi32> to vector<16xi32>
      %swap3A_96 = vector.shape_cast %select_n3A_92 : vector<16xi32> to vector<16xi32>
      tpu.vector_store %arg8[%swap3A_93], %swap3A_96 {strides = array<i32>} : memref<128xi32, #tpu.memory_space<vmem>>, vector<16xi32>,
      %get3A_97 = arith.constant 80 : index
      %get3A_98 = tpu.vector_load %arg7[%get3A_97] {strides = array<i32>} : memref<128xi32, #tpu.memory_space<vmem>>, vector<16xi32>,
      %get3A_99 = vector.shape_cast %get3A_98 : vector<16xi32> to vector<16xi32>
      %get3A_100 = arith.constant 80 : index
      %get3A_101 = tpu.vector_load %arg8[%get3A_100] {strides = array<i32>} : memref<128xi32, #tpu.memory_space<vmem>>, vector<16xi32>,
      %get3A_102 = vector.shape_cast %get3A_101 : vector<16xi32> to vector<16xi32>
      %eq3A_103 = arith.cmpi eq, %get3A_99, %get3A_102 : vector<16xi32>
      %jit3A_104 = arith.constant 10000 : i32
      %broadcast_in_dim3A_105 = vector.broadcast %jit3A_104 : i32 to vector<16xi32>
      %select_n3A_106 = arith.select %eq3A_103, %broadcast_in_dim3A_105, %get3A_102 : vector<16xi1>, vector<16xi32>
      %swap3A_107 = arith.constant 80 : index
      %swap3A_108 = tpu.vector_load %arg8[%swap3A_107] {strides = array<i32>} : memref<128xi32, #tpu.memory_space<vmem>>, vector<16xi32>,
      %swap3A_109 = vector.shape_cast %swap3A_108 : vector<16xi32> to vector<16xi32>
      %swap3A_110 = vector.shape_cast %select_n3A_106 : vector<16xi32> to vector<16xi32>
      tpu.vector_store %arg8[%swap3A_107], %swap3A_110 {strides = array<i32>} : memref<128xi32, #tpu.memory_space<vmem>>, vector<16xi32>,
      %get3A_111 = arith.constant 96 : index
      %get3A_112 = tpu.vector_load %arg7[%get3A_111] {strides = array<i32>} : memref<128xi32, #tpu.memory_space<vmem>>, vector<16xi32>,
      %get3A_113 = vector.shape_cast %get3A_112 : vector<16xi32> to vector<16xi32>
      %get3A_114 = arith.constant 96 : index
      %get3A_115 = tpu.vector_load %arg8[%get3A_114] {strides = array<i32>} : memref<128xi32, #tpu.memory_space<vmem>>, vector<16xi32>,
      %get3A_116 = vector.shape_cast %get3A_115 : vector<16xi32> to vector<16xi32>
      %eq3A_117 = arith.cmpi eq, %get3A_113, %get3A_116 : vector<16xi32>
      %jit3A_118 = arith.constant 10000 : i32
      %broadcast_in_dim3A_119 = vector.broadcast %jit3A_118 : i32 to vector<16xi32>
      %select_n3A_120 = arith.select %eq3A_117, %broadcast_in_dim3A_119, %get3A_116 : vector<16xi1>, vector<16xi32>
      %swap3A_121 = arith.constant 96 : index
      %swap3A_122 = tpu.vector_load %arg8[%swap3A_121] {strides = array<i32>} : memref<128xi32, #tpu.memory_space<vmem>>, vector<16xi32>,
      %swap3A_123 = vector.shape_cast %swap3A_122 : vector<16xi32> to vector<16xi32>
      %swap3A_124 = vector.shape_cast %select_n3A_120 : vector<16xi32> to vector<16xi32>
      tpu.vector_store %arg8[%swap3A_121], %swap3A_124 {strides = array<i32>} : memref<128xi32, #tpu.memory_space<vmem>>, vector<16xi32>,
      %get3A_125 = arith.constant 112 : index
      %get3A_126 = tpu.vector_load %arg7[%get3A_125] {strides = array<i32>} : memref<128xi32, #tpu.memory_space<vmem>>, vector<16xi32>,
      %get3A_127 = vector.shape_cast %get3A_126 : vector<16xi32> to vector<16xi32>
      %get3A_128 = arith.constant 112 : index
      %get3A_129 = tpu.vector_load %arg8[%get3A_128] {strides = array<i32>} : memref<128xi32, #tpu.memory_space<vmem>>, vector<16xi32>,
      %get3A_130 = vector.shape_cast %get3A_129 : vector<16xi32> to vector<16xi32>
      %eq3A_131 = arith.cmpi eq, %get3A_127, %get3A_130 : vector<16xi32>
      %jit3A_132 = arith.constant 10000 : i32
      %broadcast_in_dim3A_133 = vector.broadcast %jit3A_132 : i32 to vector<16xi32>
      %select_n3A_134 = arith.select %eq3A_131, %broadcast_in_dim3A_133, %get3A_130 : vector<16xi1>, vector<16xi32>
      %swap3A_135 = arith.constant 112 : index
      %swap3A_136 = tpu.vector_load %arg8[%swap3A_135] {strides = array<i32>} : memref<128xi32, #tpu.memory_space<vmem>>, vector<16xi32>,
      %swap3A_137 = vector.shape_cast %swap3A_136 : vector<16xi32> to vector<16xi32>
      %swap3A_138 = vector.shape_cast %select_n3A_134 : vector<16xi32> to vector<16xi32>
      tpu.vector_store %arg8[%swap3A_135], %swap3A_138 {strides = array<i32>} : memref<128xi32, #tpu.memory_space<vmem>>, vector<16xi32>,
      %dma_start3A = arith.constant 0 : i32
      %dma_start3A_139 = arith.constant 0 : i32
      %dma_start3A_140 = tpu.memref_slice %arg2[%dma_start3A, %dma_start3A_139] : memref<10000x128xf32, #tpu.memory_space<hbm>> -> memref<10000x128xf32, #tpu.memory_space<hbm>>
      tpu.enqueue_indirect_dma source(%dma_start3A_140 : memref<10000x128xf32, #tpu.memory_space<hbm>>) target(%arg9 : memref<128x128xf32, #tpu.memory_space<vmem>>) offsets(%arg7 : memref<128xi32, #tpu.memory_space<vmem>>) semaphore(%arg10 : memref<!tpu.dma_semaphore, #tpu.memory_space<semaphore_mem>>)
      %dma_wait3A = arith.constant 0 : i32
      %dma_wait3A_141 = arith.constant 0 : i32
      %dma_wait3A_142 = tpu.memref_slice %arg2[%dma_wait3A, %dma_wait3A_141] : memref<10000x128xf32, #tpu.memory_space<hbm>> -> memref<10000x128xf32, #tpu.memory_space<hbm>>
      tpu.wait_indirect_dma semaphore(%arg10 : memref<!tpu.dma_semaphore, #tpu.memory_space<semaphore_mem>>) src(%dma_wait3A_142 : memref<10000x128xf32, #tpu.memory_space<hbm>>) dst(%arg9 : memref<128x128xf32, #tpu.memory_space<vmem>>)
      "tpu.region"() ({
        %run_scoped3A = tpu.sem_alloc : memref<!tpu.dma_semaphore, #tpu.memory_space<semaphore_mem>>
        %dma_start3A_143 = arith.constant 0 : i32
        %dma_start3A_144 = arith.constant 0 : i32
        %dma_start3A_145 = tpu.memref_slice %arg11[%dma_start3A_143, %dma_start3A_144] : memref<10240x128xf32, #tpu.memory_space<vmem_shared>> -> memref<10240x128xf32, #tpu.memory_space<vmem_shared>>
        tpu.enqueue_indirect_dma source(%arg9 : memref<128x128xf32, #tpu.memory_space<vmem>>) target(%dma_start3A_145 : memref<10240x128xf32, #tpu.memory_space<vmem_shared>>) offsets(%arg8 : memref<128xi32, #tpu.memory_space<vmem>>) semaphore(%run_scoped3A : memref<!tpu.dma_semaphore, #tpu.memory_space<semaphore_mem>>) {add = true}
        %dma_wait3A_146 = arith.constant 0 : i32
        %dma_wait3A_147 = arith.constant 0 : i32
        %dma_wait3A_148 = tpu.memref_slice %arg11[%dma_wait3A_146, %dma_wait3A_147] : memref<10240x128xf32, #tpu.memory_space<vmem_shared>> -> memref<10240x128xf32, #tpu.memory_space<vmem_shared>>
        tpu.wait_indirect_dma semaphore(%run_scoped3A : memref<!tpu.dma_semaphore, #tpu.memory_space<semaphore_mem>>) src(%arg9 : memref<128x128xf32, #tpu.memory_space<vmem>>) dst(%dma_wait3A_148 : memref<10240x128xf32, #tpu.memory_space<vmem_shared>>)
        tpu.yield
      }) : () -> ()
    }
    %barrier3A_20 = arith.constant 0 : index
    tpu.barrier barrier_id(%barrier3A_20)
    %mul3A_21 = arith.constant 640 : i32
    %mul3A_22 = arith.muli %arg1, %mul3A_21 : i32
    %mul3A_23 = arith.constant 10240 : i32
    %mul3A_24 = arith.muli %arg0, %mul3A_23 : i32
    %mul3A_25 = arith.constant 640 : i32
    %mul3A_26 = arith.muli %arg1, %mul3A_25 : i32
    %add3A_27 = arith.addi %mul3A_24, %mul3A_26 : i32
    "tpu.region"() ({
      %run_scoped3A = tpu.sem_alloc : memref<!tpu.dma_semaphore, #tpu.memory_space<semaphore_mem>>
      %dma_start3A = arith.constant 0 : i32
      %dma_start3A_28 = tpu.memref_slice %arg6[%add3A_27, %dma_start3A] : memref<20480x128xf32, #tpu.memory_space<hbm>> -> memref<640x128xf32, #tpu.memory_space<hbm>>
      %dma_start3A_29 = arith.constant 0 : i32
      %dma_start3A_30 = tpu.memref_slice %arg11[%mul3A_22, %dma_start3A_29] : memref<10240x128xf32, #tpu.memory_space<vmem_shared>> -> memref<640x128xf32, #tpu.memory_space<vmem_shared>>
      tpu.enqueue_dma source(%dma_start3A_30 : memref<640x128xf32, #tpu.memory_space<vmem_shared>>) target(%dma_start3A_28 : memref<640x128xf32, #tpu.memory_space<hbm>>) target_semaphore(%run_scoped3A : memref<!tpu.dma_semaphore, #tpu.memory_space<semaphore_mem>>)
      %dma_wait3A = arith.constant 0 : i32
      %dma_wait3A_31 = tpu.memref_slice %arg6[%add3A_27, %dma_wait3A] : memref<20480x128xf32, #tpu.memory_space<hbm>> -> memref<640x128xf32, #tpu.memory_space<hbm>>
      %dma_wait3A_32 = arith.constant 0 : i32
      %dma_wait3A_33 = tpu.memref_slice %arg11[%mul3A_22, %dma_wait3A_32] : memref<10240x128xf32, #tpu.memory_space<vmem_shared>> -> memref<640x128xf32, #tpu.memory_space<vmem_shared>>
      tpu.wait_dma2 semaphore(%run_scoped3A : memref<!tpu.dma_semaphore, #tpu.memory_space<semaphore_mem>>) src(%dma_wait3A_33 : memref<640x128xf32, #tpu.memory_space<vmem_shared>>) dst(%dma_wait3A_31 : memref<640x128xf32, #tpu.memory_space<hbm>>)
      tpu.yield
    }) : () -> ()
    return
  }
}

#map = affine_map<(d0, d1) -> (0, 0)>
module attributes {stable_mosaic.version = 14 : i64} {
  func.func @k(%arg0: i32, %arg1: i32, %arg2: memref<10000x128xf32, #tpu.memory_space<hbm>>, %arg3: memref<2512x128xi32, #tpu.memory_space<hbm>>, %arg4: memref<2512x128xi32, #tpu.memory_space<hbm>>, %arg5: memref<640x128xf32, #tpu.memory_space<hbm>>, %arg6: memref<20480x128xf32, #tpu.memory_space<hbm>>, %arg7: memref<128xi32, #tpu.memory_space<vmem>>, %arg8: memref<128xi32, #tpu.memory_space<vmem>>, %arg9: memref<128x128xf32, #tpu.memory_space<vmem>>, %arg10: memref<!tpu.dma_semaphore, #tpu.memory_space<semaphore_mem>>, %arg11: memref<10240x128xf32, #tpu.memory_space<vmem_shared>>) attributes {dimension_semantics = [#tpu.dimension_semantics<core_parallel>, #tpu.dimension_semantics<subcore_parallel>], iteration_bounds = array<i64: 2, 16>, scalar_prefetch = 0 : i64, scratch_operands = 5 : i64, tpu.core_type = #tpu.core_type<sc_vector_subcore>, window_params = [{transform_indices = #map}, {transform_indices = #map}, {transform_indices = #map}, {transform_indices = #map}, {transform_indices = #map}]} {
    %mul3A = arith.constant 640 : i32
    %mul3A_0 = arith.muli %arg1, %mul3A : i32
    "tpu.region"() ({
      %run_scoped3A = tpu.sem_alloc : memref<!tpu.dma_semaphore, #tpu.memory_space<semaphore_mem>>
      %dma_start3A = arith.constant 0 : i32
      %dma_start3A_28 = tpu.memref_slice %arg11[%mul3A_0, %dma_start3A] : memref<10240x128xf32, #tpu.memory_space<vmem_shared>> -> memref<640x128xf32, #tpu.memory_space<vmem_shared>>
      tpu.enqueue_dma source(%arg5 : memref<640x128xf32, #tpu.memory_space<hbm>>) target(%dma_start3A_28 : memref<640x128xf32, #tpu.memory_space<vmem_shared>>) target_semaphore(%run_scoped3A : memref<!tpu.dma_semaphore, #tpu.memory_space<semaphore_mem>>)
      %dma_wait3A = arith.constant 0 : i32
      %dma_wait3A_29 = tpu.memref_slice %arg11[%mul3A_0, %dma_wait3A] : memref<10240x128xf32, #tpu.memory_space<vmem_shared>> -> memref<640x128xf32, #tpu.memory_space<vmem_shared>>
      tpu.wait_dma2 semaphore(%run_scoped3A : memref<!tpu.dma_semaphore, #tpu.memory_space<semaphore_mem>>) src(%arg5 : memref<640x128xf32, #tpu.memory_space<hbm>>) dst(%dma_wait3A_29 : memref<640x128xf32, #tpu.memory_space<vmem_shared>>)
      tpu.yield
    }) : () -> ()
    %barrier3A = arith.constant 0 : index
    tpu.barrier barrier_id(%barrier3A)
    %eq3A = arith.constant 0 : i32
    %eq3A_1 = arith.cmpi eq, %arg0, %eq3A : i32
    %mul3A_2 = arith.constant 64 : i32
    %mul3A_3 = arith.muli %arg1, %mul3A_2 : i32
    %mul3A_4 = arith.constant 93 : i32
    %mul3A_5 = arith.muli %arg1, %mul3A_4 : i32
    %add3A = arith.constant 1024 : i32
    %add3A_6 = arith.addi %add3A, %mul3A_5 : i32
    %select_n3A = arith.select %eq3A_1, %mul3A_3, %add3A_6 : i32
    %eq3A_7 = arith.constant 0 : i32
    %eq3A_8 = arith.cmpi eq, %arg0, %eq3A_7 : i32
    %jit3A = arith.constant 64 : i32
    %jit3A_9 = arith.constant 93 : i32
    %select_n3A_10 = arith.select %eq3A_8, %jit3A, %jit3A_9 : i32
    %while3A = arith.constant 0 : i32
    %while3A_11 = arith.constant 0 : i32
    %while3A_12 = arith.subi %select_n3A_10, %while3A_11 : i32
    %while3A_13 = arith.addi %while3A_11, %while3A_12 : i32
    %while3A_14 = arith.constant 1 : i32
    %while3A_15 = arith.divsi %while3A_12, %while3A_14 : i32
    %while3A_16 = arith.muli %while3A_15, %while3A_14 : i32
    %while3A_17 = arith.addi %while3A_11, %while3A_16 : i32
    %while3A_18 = arith.constant 1 : i32
    scf.for %while3A_28 = %while3A_11 to %while3A_17 step %while3A_18  : i32 {
      %add3A_29 = arith.addi %select_n3A, %while3A_28 : i32
      "tpu.region"() ({
        %run_scoped3A = tpu.sem_alloc : memref<!tpu.dma_semaphore, #tpu.memory_space<semaphore_mem>>
        %dma_start3A_143 = arith.constant 0 : i32
        %dma_start3A_144 = tpu.memref_slice %arg3[%add3A_29, %dma_start3A_143] : memref<2512x128xi32, #tpu.memory_space<hbm>> -> memref<1x128xi32, #tpu.memory_space<hbm>>
        %dma_start3A_145 = tpu.memref_squeeze %dma_start3A_144 : memref<1x128xi32, #tpu.memory_space<hbm>> -> memref<128xi32, #tpu.memory_space<hbm>>
        %dma_start3A_146 = arith.constant 0 : i32
        %dma_start3A_147 = tpu.memref_slice %arg3[%add3A_29, %dma_start3A_146] : memref<2512x128xi32, #tpu.memory_space<hbm>> -> memref<1x128xi32, #tpu.memory_space<hbm>>
        %dma_start3A_148 = tpu.memref_squeeze %dma_start3A_147 : memref<1x128xi32, #tpu.memory_space<hbm>> -> memref<128xi32, #tpu.memory_space<hbm>>
        tpu.enqueue_dma source(%dma_start3A_148 : memref<128xi32, #tpu.memory_space<hbm>>) target(%arg7 : memref<128xi32, #tpu.memory_space<vmem>>) target_semaphore(%run_scoped3A : memref<!tpu.dma_semaphore, #tpu.memory_space<semaphore_mem>>)
        %dma_wait3A_149 = arith.constant 0 : i32
        %dma_wait3A_150 = tpu.memref_slice %arg3[%add3A_29, %dma_wait3A_149] : memref<2512x128xi32, #tpu.memory_space<hbm>> -> memref<1x128xi32, #tpu.memory_space<hbm>>
        %dma_wait3A_151 = tpu.memref_squeeze %dma_wait3A_150 : memref<1x128xi32, #tpu.memory_space<hbm>> -> memref<128xi32, #tpu.memory_space<hbm>>
        %dma_wait3A_152 = arith.constant 0 : i32
        %dma_wait3A_153 = tpu.memref_slice %arg3[%add3A_29, %dma_wait3A_152] : memref<2512x128xi32, #tpu.memory_space<hbm>> -> memref<1x128xi32, #tpu.memory_space<hbm>>
        %dma_wait3A_154 = tpu.memref_squeeze %dma_wait3A_153 : memref<1x128xi32, #tpu.memory_space<hbm>> -> memref<128xi32, #tpu.memory_space<hbm>>
        tpu.wait_dma2 semaphore(%run_scoped3A : memref<!tpu.dma_semaphore, #tpu.memory_space<semaphore_mem>>) src(%dma_wait3A_154 : memref<128xi32, #tpu.memory_space<hbm>>) dst(%arg7 : memref<128xi32, #tpu.memory_space<vmem>>)
        tpu.yield
      }) : () -> ()
      "tpu.region"() ({
        %run_scoped3A = tpu.sem_alloc : memref<!tpu.dma_semaphore, #tpu.memory_space<semaphore_mem>>
        %dma_start3A_143 = arith.constant 0 : i32
        %dma_start3A_144 = tpu.memref_slice %arg4[%add3A_29, %dma_start3A_143] : memref<2512x128xi32, #tpu.memory_space<hbm>> -> memref<1x128xi32, #tpu.memory_space<hbm>>
        %dma_start3A_145 = tpu.memref_squeeze %dma_start3A_144 : memref<1x128xi32, #tpu.memory_space<hbm>> -> memref<128xi32, #tpu.memory_space<hbm>>
        %dma_start3A_146 = arith.constant 0 : i32
        %dma_start3A_147 = tpu.memref_slice %arg4[%add3A_29, %dma_start3A_146] : memref<2512x128xi32, #tpu.memory_space<hbm>> -> memref<1x128xi32, #tpu.memory_space<hbm>>
        %dma_start3A_148 = tpu.memref_squeeze %dma_start3A_147 : memref<1x128xi32, #tpu.memory_space<hbm>> -> memref<128xi32, #tpu.memory_space<hbm>>
        tpu.enqueue_dma source(%dma_start3A_148 : memref<128xi32, #tpu.memory_space<hbm>>) target(%arg8 : memref<128xi32, #tpu.memory_space<vmem>>) target_semaphore(%run_scoped3A : memref<!tpu.dma_semaphore, #tpu.memory_space<semaphore_mem>>)
        %dma_wait3A_149 = arith.constant 0 : i32
        %dma_wait3A_150 = tpu.memref_slice %arg4[%add3A_29, %dma_wait3A_149] : memref<2512x128xi32, #tpu.memory_space<hbm>> -> memref<1x128xi32, #tpu.memory_space<hbm>>
        %dma_wait3A_151 = tpu.memref_squeeze %dma_wait3A_150 : memref<1x128xi32, #tpu.memory_space<hbm>> -> memref<128xi32, #tpu.memory_space<hbm>>
        %dma_wait3A_152 = arith.constant 0 : i32
        %dma_wait3A_153 = tpu.memref_slice %arg4[%add3A_29, %dma_wait3A_152] : memref<2512x128xi32, #tpu.memory_space<hbm>> -> memref<1x128xi32, #tpu.memory_space<hbm>>
        %dma_wait3A_154 = tpu.memref_squeeze %dma_wait3A_153 : memref<1x128xi32, #tpu.memory_space<hbm>> -> memref<128xi32, #tpu.memory_space<hbm>>
        tpu.wait_dma2 semaphore(%run_scoped3A : memref<!tpu.dma_semaphore, #tpu.memory_space<semaphore_mem>>) src(%dma_wait3A_154 : memref<128xi32, #tpu.memory_space<hbm>>) dst(%arg8 : memref<128xi32, #tpu.memory_space<vmem>>)
        tpu.yield
      }) : () -> ()
      %get3A = arith.constant 0 : index
      %get3A_30 = tpu.vector_load %arg7[%get3A] {strides = array<i32>} : memref<128xi32, #tpu.memory_space<vmem>>, vector<16xi32>,
      %get3A_31 = vector.shape_cast %get3A_30 : vector<16xi32> to vector<16xi32>
      %get3A_32 = arith.constant 0 : index
      %get3A_33 = tpu.vector_load %arg8[%get3A_32] {strides = array<i32>} : memref<128xi32, #tpu.memory_space<vmem>>, vector<16xi32>,
      %get3A_34 = vector.shape_cast %get3A_33 : vector<16xi32> to vector<16xi32>
      %eq3A_35 = arith.cmpi eq, %get3A_31, %get3A_34 : vector<16xi32>
      %jit3A_36 = arith.constant 10000 : i32
      %broadcast_in_dim3A = vector.broadcast %jit3A_36 : i32 to vector<16xi32>
      %select_n3A_37 = arith.select %eq3A_35, %broadcast_in_dim3A, %get3A_34 : vector<16xi1>, vector<16xi32>
      %swap3A = arith.constant 0 : index
      %swap3A_38 = tpu.vector_load %arg8[%swap3A] {strides = array<i32>} : memref<128xi32, #tpu.memory_space<vmem>>, vector<16xi32>,
      %swap3A_39 = vector.shape_cast %swap3A_38 : vector<16xi32> to vector<16xi32>
      %swap3A_40 = vector.shape_cast %select_n3A_37 : vector<16xi32> to vector<16xi32>
      tpu.vector_store %arg8[%swap3A], %swap3A_40 {strides = array<i32>} : memref<128xi32, #tpu.memory_space<vmem>>, vector<16xi32>,
      %get3A_41 = arith.constant 16 : index
      %get3A_42 = tpu.vector_load %arg7[%get3A_41] {strides = array<i32>} : memref<128xi32, #tpu.memory_space<vmem>>, vector<16xi32>,
      %get3A_43 = vector.shape_cast %get3A_42 : vector<16xi32> to vector<16xi32>
      %get3A_44 = arith.constant 16 : index
      %get3A_45 = tpu.vector_load %arg8[%get3A_44] {strides = array<i32>} : memref<128xi32, #tpu.memory_space<vmem>>, vector<16xi32>,
      %get3A_46 = vector.shape_cast %get3A_45 : vector<16xi32> to vector<16xi32>
      %eq3A_47 = arith.cmpi eq, %get3A_43, %get3A_46 : vector<16xi32>
      %jit3A_48 = arith.constant 10000 : i32
      %broadcast_in_dim3A_49 = vector.broadcast %jit3A_48 : i32 to vector<16xi32>
      %select_n3A_50 = arith.select %eq3A_47, %broadcast_in_dim3A_49, %get3A_46 : vector<16xi1>, vector<16xi32>
      %swap3A_51 = arith.constant 16 : index
      %swap3A_52 = tpu.vector_load %arg8[%swap3A_51] {strides = array<i32>} : memref<128xi32, #tpu.memory_space<vmem>>, vector<16xi32>,
      %swap3A_53 = vector.shape_cast %swap3A_52 : vector<16xi32> to vector<16xi32>
      %swap3A_54 = vector.shape_cast %select_n3A_50 : vector<16xi32> to vector<16xi32>
      tpu.vector_store %arg8[%swap3A_51], %swap3A_54 {strides = array<i32>} : memref<128xi32, #tpu.memory_space<vmem>>, vector<16xi32>,
      %get3A_55 = arith.constant 32 : index
      %get3A_56 = tpu.vector_load %arg7[%get3A_55] {strides = array<i32>} : memref<128xi32, #tpu.memory_space<vmem>>, vector<16xi32>,
      %get3A_57 = vector.shape_cast %get3A_56 : vector<16xi32> to vector<16xi32>
      %get3A_58 = arith.constant 32 : index
      %get3A_59 = tpu.vector_load %arg8[%get3A_58] {strides = array<i32>} : memref<128xi32, #tpu.memory_space<vmem>>, vector<16xi32>,
      %get3A_60 = vector.shape_cast %get3A_59 : vector<16xi32> to vector<16xi32>
      %eq3A_61 = arith.cmpi eq, %get3A_57, %get3A_60 : vector<16xi32>
      %jit3A_62 = arith.constant 10000 : i32
      %broadcast_in_dim3A_63 = vector.broadcast %jit3A_62 : i32 to vector<16xi32>
      %select_n3A_64 = arith.select %eq3A_61, %broadcast_in_dim3A_63, %get3A_60 : vector<16xi1>, vector<16xi32>
      %swap3A_65 = arith.constant 32 : index
      %swap3A_66 = tpu.vector_load %arg8[%swap3A_65] {strides = array<i32>} : memref<128xi32, #tpu.memory_space<vmem>>, vector<16xi32>,
      %swap3A_67 = vector.shape_cast %swap3A_66 : vector<16xi32> to vector<16xi32>
      %swap3A_68 = vector.shape_cast %select_n3A_64 : vector<16xi32> to vector<16xi32>
      tpu.vector_store %arg8[%swap3A_65], %swap3A_68 {strides = array<i32>} : memref<128xi32, #tpu.memory_space<vmem>>, vector<16xi32>,
      %get3A_69 = arith.constant 48 : index
      %get3A_70 = tpu.vector_load %arg7[%get3A_69] {strides = array<i32>} : memref<128xi32, #tpu.memory_space<vmem>>, vector<16xi32>,
      %get3A_71 = vector.shape_cast %get3A_70 : vector<16xi32> to vector<16xi32>
      %get3A_72 = arith.constant 48 : index
      %get3A_73 = tpu.vector_load %arg8[%get3A_72] {strides = array<i32>} : memref<128xi32, #tpu.memory_space<vmem>>, vector<16xi32>,
      %get3A_74 = vector.shape_cast %get3A_73 : vector<16xi32> to vector<16xi32>
      %eq3A_75 = arith.cmpi eq, %get3A_71, %get3A_74 : vector<16xi32>
      %jit3A_76 = arith.constant 10000 : i32
      %broadcast_in_dim3A_77 = vector.broadcast %jit3A_76 : i32 to vector<16xi32>
      %select_n3A_78 = arith.select %eq3A_75, %broadcast_in_dim3A_77, %get3A_74 : vector<16xi1>, vector<16xi32>
      %swap3A_79 = arith.constant 48 : index
      %swap3A_80 = tpu.vector_load %arg8[%swap3A_79] {strides = array<i32>} : memref<128xi32, #tpu.memory_space<vmem>>, vector<16xi32>,
      %swap3A_81 = vector.shape_cast %swap3A_80 : vector<16xi32> to vector<16xi32>
      %swap3A_82 = vector.shape_cast %select_n3A_78 : vector<16xi32> to vector<16xi32>
      tpu.vector_store %arg8[%swap3A_79], %swap3A_82 {strides = array<i32>} : memref<128xi32, #tpu.memory_space<vmem>>, vector<16xi32>,
      %get3A_83 = arith.constant 64 : index
      %get3A_84 = tpu.vector_load %arg7[%get3A_83] {strides = array<i32>} : memref<128xi32, #tpu.memory_space<vmem>>, vector<16xi32>,
      %get3A_85 = vector.shape_cast %get3A_84 : vector<16xi32> to vector<16xi32>
      %get3A_86 = arith.constant 64 : index
      %get3A_87 = tpu.vector_load %arg8[%get3A_86] {strides = array<i32>} : memref<128xi32, #tpu.memory_space<vmem>>, vector<16xi32>,
      %get3A_88 = vector.shape_cast %get3A_87 : vector<16xi32> to vector<16xi32>
      %eq3A_89 = arith.cmpi eq, %get3A_85, %get3A_88 : vector<16xi32>
      %jit3A_90 = arith.constant 10000 : i32
      %broadcast_in_dim3A_91 = vector.broadcast %jit3A_90 : i32 to vector<16xi32>
      %select_n3A_92 = arith.select %eq3A_89, %broadcast_in_dim3A_91, %get3A_88 : vector<16xi1>, vector<16xi32>
      %swap3A_93 = arith.constant 64 : index
      %swap3A_94 = tpu.vector_load %arg8[%swap3A_93] {strides = array<i32>} : memref<128xi32, #tpu.memory_space<vmem>>, vector<16xi32>,
      %swap3A_95 = vector.shape_cast %swap3A_94 : vector<16xi32> to vector<16xi32>
      %swap3A_96 = vector.shape_cast %select_n3A_92 : vector<16xi32> to vector<16xi32>
      tpu.vector_store %arg8[%swap3A_93], %swap3A_96 {strides = array<i32>} : memref<128xi32, #tpu.memory_space<vmem>>, vector<16xi32>,
      %get3A_97 = arith.constant 80 : index
      %get3A_98 = tpu.vector_load %arg7[%get3A_97] {strides = array<i32>} : memref<128xi32, #tpu.memory_space<vmem>>, vector<16xi32>,
      %get3A_99 = vector.shape_cast %get3A_98 : vector<16xi32> to vector<16xi32>
      %get3A_100 = arith.constant 80 : index
      %get3A_101 = tpu.vector_load %arg8[%get3A_100] {strides = array<i32>} : memref<128xi32, #tpu.memory_space<vmem>>, vector<16xi32>,
      %get3A_102 = vector.shape_cast %get3A_101 : vector<16xi32> to vector<16xi32>
      %eq3A_103 = arith.cmpi eq, %get3A_99, %get3A_102 : vector<16xi32>
      %jit3A_104 = arith.constant 10000 : i32
      %broadcast_in_dim3A_105 = vector.broadcast %jit3A_104 : i32 to vector<16xi32>
      %select_n3A_106 = arith.select %eq3A_103, %broadcast_in_dim3A_105, %get3A_102 : vector<16xi1>, vector<16xi32>
      %swap3A_107 = arith.constant 80 : index
      %swap3A_108 = tpu.vector_load %arg8[%swap3A_107] {strides = array<i32>} : memref<128xi32, #tpu.memory_space<vmem>>, vector<16xi32>,
      %swap3A_109 = vector.shape_cast %swap3A_108 : vector<16xi32> to vector<16xi32>
      %swap3A_110 = vector.shape_cast %select_n3A_106 : vector<16xi32> to vector<16xi32>
      tpu.vector_store %arg8[%swap3A_107], %swap3A_110 {strides = array<i32>} : memref<128xi32, #tpu.memory_space<vmem>>, vector<16xi32>,
      %get3A_111 = arith.constant 96 : index
      %get3A_112 = tpu.vector_load %arg7[%get3A_111] {strides = array<i32>} : memref<128xi32, #tpu.memory_space<vmem>>, vector<16xi32>,
      %get3A_113 = vector.shape_cast %get3A_112 : vector<16xi32> to vector<16xi32>
      %get3A_114 = arith.constant 96 : index
      %get3A_115 = tpu.vector_load %arg8[%get3A_114] {strides = array<i32>} : memref<128xi32, #tpu.memory_space<vmem>>, vector<16xi32>,
      %get3A_116 = vector.shape_cast %get3A_115 : vector<16xi32> to vector<16xi32>
      %eq3A_117 = arith.cmpi eq, %get3A_113, %get3A_116 : vector<16xi32>
      %jit3A_118 = arith.constant 10000 : i32
      %broadcast_in_dim3A_119 = vector.broadcast %jit3A_118 : i32 to vector<16xi32>
      %select_n3A_120 = arith.select %eq3A_117, %broadcast_in_dim3A_119, %get3A_116 : vector<16xi1>, vector<16xi32>
      %swap3A_121 = arith.constant 96 : index
      %swap3A_122 = tpu.vector_load %arg8[%swap3A_121] {strides = array<i32>} : memref<128xi32, #tpu.memory_space<vmem>>, vector<16xi32>,
      %swap3A_123 = vector.shape_cast %swap3A_122 : vector<16xi32> to vector<16xi32>
      %swap3A_124 = vector.shape_cast %select_n3A_120 : vector<16xi32> to vector<16xi32>
      tpu.vector_store %arg8[%swap3A_121], %swap3A_124 {strides = array<i32>} : memref<128xi32, #tpu.memory_space<vmem>>, vector<16xi32>,
      %get3A_125 = arith.constant 112 : index
      %get3A_126 = tpu.vector_load %arg7[%get3A_125] {strides = array<i32>} : memref<128xi32, #tpu.memory_space<vmem>>, vector<16xi32>,
      %get3A_127 = vector.shape_cast %get3A_126 : vector<16xi32> to vector<16xi32>
      %get3A_128 = arith.constant 112 : index
      %get3A_129 = tpu.vector_load %arg8[%get3A_128] {strides = array<i32>} : memref<128xi32, #tpu.memory_space<vmem>>, vector<16xi32>,
      %get3A_130 = vector.shape_cast %get3A_129 : vector<16xi32> to vector<16xi32>
      %eq3A_131 = arith.cmpi eq, %get3A_127, %get3A_130 : vector<16xi32>
      %jit3A_132 = arith.constant 10000 : i32
      %broadcast_in_dim3A_133 = vector.broadcast %jit3A_132 : i32 to vector<16xi32>
      %select_n3A_134 = arith.select %eq3A_131, %broadcast_in_dim3A_133, %get3A_130 : vector<16xi1>, vector<16xi32>
      %swap3A_135 = arith.constant 112 : index
      %swap3A_136 = tpu.vector_load %arg8[%swap3A_135] {strides = array<i32>} : memref<128xi32, #tpu.memory_space<vmem>>, vector<16xi32>,
      %swap3A_137 = vector.shape_cast %swap3A_136 : vector<16xi32> to vector<16xi32>
      %swap3A_138 = vector.shape_cast %select_n3A_134 : vector<16xi32> to vector<16xi32>
      tpu.vector_store %arg8[%swap3A_135], %swap3A_138 {strides = array<i32>} : memref<128xi32, #tpu.memory_space<vmem>>, vector<16xi32>,
      %dma_start3A = arith.constant 0 : i32
      %dma_start3A_139 = arith.constant 0 : i32
      %dma_start3A_140 = tpu.memref_slice %arg2[%dma_start3A, %dma_start3A_139] : memref<10000x128xf32, #tpu.memory_space<hbm>> -> memref<10000x128xf32, #tpu.memory_space<hbm>>
      tpu.enqueue_indirect_dma source(%dma_start3A_140 : memref<10000x128xf32, #tpu.memory_space<hbm>>) target(%arg9 : memref<128x128xf32, #tpu.memory_space<vmem>>) offsets(%arg7 : memref<128xi32, #tpu.memory_space<vmem>>) semaphore(%arg10 : memref<!tpu.dma_semaphore, #tpu.memory_space<semaphore_mem>>)
      %dma_wait3A = arith.constant 0 : i32
      %dma_wait3A_141 = arith.constant 0 : i32
      %dma_wait3A_142 = tpu.memref_slice %arg2[%dma_wait3A, %dma_wait3A_141] : memref<10000x128xf32, #tpu.memory_space<hbm>> -> memref<10000x128xf32, #tpu.memory_space<hbm>>
      tpu.wait_indirect_dma semaphore(%arg10 : memref<!tpu.dma_semaphore, #tpu.memory_space<semaphore_mem>>) src(%dma_wait3A_142 : memref<10000x128xf32, #tpu.memory_space<hbm>>) dst(%arg9 : memref<128x128xf32, #tpu.memory_space<vmem>>)
      "tpu.region"() ({
        %run_scoped3A = tpu.sem_alloc : memref<!tpu.dma_semaphore, #tpu.memory_space<semaphore_mem>>
        %dma_start3A_143 = arith.constant 0 : i32
        %dma_start3A_144 = arith.constant 0 : i32
        %dma_start3A_145 = tpu.memref_slice %arg11[%dma_start3A_143, %dma_start3A_144] : memref<10240x128xf32, #tpu.memory_space<vmem_shared>> -> memref<10240x128xf32, #tpu.memory_space<vmem_shared>>
        tpu.enqueue_indirect_dma source(%arg9 : memref<128x128xf32, #tpu.memory_space<vmem>>) target(%dma_start3A_145 : memref<10240x128xf32, #tpu.memory_space<vmem_shared>>) offsets(%arg8 : memref<128xi32, #tpu.memory_space<vmem>>) semaphore(%run_scoped3A : memref<!tpu.dma_semaphore, #tpu.memory_space<semaphore_mem>>) {add = true}
        %dma_wait3A_146 = arith.constant 0 : i32
        %dma_wait3A_147 = arith.constant 0 : i32
        %dma_wait3A_148 = tpu.memref_slice %arg11[%dma_wait3A_146, %dma_wait3A_147] : memref<10240x128xf32, #tpu.memory_space<vmem_shared>> -> memref<10240x128xf32, #tpu.memory_space<vmem_shared>>
        tpu.wait_indirect_dma semaphore(%run_scoped3A : memref<!tpu.dma_semaphore, #tpu.memory_space<semaphore_mem>>) src(%arg9 : memref<128x128xf32, #tpu.memory_space<vmem>>) dst(%dma_wait3A_148 : memref<10240x128xf32, #tpu.memory_space<vmem_shared>>)
        tpu.yield
      }) : () -> ()
    }
    %while3A_19 = arith.constant 1 : i32
    scf.for %while3A_28 = %while3A_17 to %while3A_13 step %while3A_19  : i32 {
      %add3A_29 = arith.addi %select_n3A, %while3A_28 : i32
      "tpu.region"() ({
        %run_scoped3A = tpu.sem_alloc : memref<!tpu.dma_semaphore, #tpu.memory_space<semaphore_mem>>
        %dma_start3A_143 = arith.constant 0 : i32
        %dma_start3A_144 = tpu.memref_slice %arg3[%add3A_29, %dma_start3A_143] : memref<2512x128xi32, #tpu.memory_space<hbm>> -> memref<1x128xi32, #tpu.memory_space<hbm>>
        %dma_start3A_145 = tpu.memref_squeeze %dma_start3A_144 : memref<1x128xi32, #tpu.memory_space<hbm>> -> memref<128xi32, #tpu.memory_space<hbm>>
        %dma_start3A_146 = arith.constant 0 : i32
        %dma_start3A_147 = tpu.memref_slice %arg3[%add3A_29, %dma_start3A_146] : memref<2512x128xi32, #tpu.memory_space<hbm>> -> memref<1x128xi32, #tpu.memory_space<hbm>>
        %dma_start3A_148 = tpu.memref_squeeze %dma_start3A_147 : memref<1x128xi32, #tpu.memory_space<hbm>> -> memref<128xi32, #tpu.memory_space<hbm>>
        tpu.enqueue_dma source(%dma_start3A_148 : memref<128xi32, #tpu.memory_space<hbm>>) target(%arg7 : memref<128xi32, #tpu.memory_space<vmem>>) target_semaphore(%run_scoped3A : memref<!tpu.dma_semaphore, #tpu.memory_space<semaphore_mem>>)
        %dma_wait3A_149 = arith.constant 0 : i32
        %dma_wait3A_150 = tpu.memref_slice %arg3[%add3A_29, %dma_wait3A_149] : memref<2512x128xi32, #tpu.memory_space<hbm>> -> memref<1x128xi32, #tpu.memory_space<hbm>>
        %dma_wait3A_151 = tpu.memref_squeeze %dma_wait3A_150 : memref<1x128xi32, #tpu.memory_space<hbm>> -> memref<128xi32, #tpu.memory_space<hbm>>
        %dma_wait3A_152 = arith.constant 0 : i32
        %dma_wait3A_153 = tpu.memref_slice %arg3[%add3A_29, %dma_wait3A_152] : memref<2512x128xi32, #tpu.memory_space<hbm>> -> memref<1x128xi32, #tpu.memory_space<hbm>>
        %dma_wait3A_154 = tpu.memref_squeeze %dma_wait3A_153 : memref<1x128xi32, #tpu.memory_space<hbm>> -> memref<128xi32, #tpu.memory_space<hbm>>
        tpu.wait_dma2 semaphore(%run_scoped3A : memref<!tpu.dma_semaphore, #tpu.memory_space<semaphore_mem>>) src(%dma_wait3A_154 : memref<128xi32, #tpu.memory_space<hbm>>) dst(%arg7 : memref<128xi32, #tpu.memory_space<vmem>>)
        tpu.yield
      }) : () -> ()
      "tpu.region"() ({
        %run_scoped3A = tpu.sem_alloc : memref<!tpu.dma_semaphore, #tpu.memory_space<semaphore_mem>>
        %dma_start3A_143 = arith.constant 0 : i32
        %dma_start3A_144 = tpu.memref_slice %arg4[%add3A_29, %dma_start3A_143] : memref<2512x128xi32, #tpu.memory_space<hbm>> -> memref<1x128xi32, #tpu.memory_space<hbm>>
        %dma_start3A_145 = tpu.memref_squeeze %dma_start3A_144 : memref<1x128xi32, #tpu.memory_space<hbm>> -> memref<128xi32, #tpu.memory_space<hbm>>
        %dma_start3A_146 = arith.constant 0 : i32
        %dma_start3A_147 = tpu.memref_slice %arg4[%add3A_29, %dma_start3A_146] : memref<2512x128xi32, #tpu.memory_space<hbm>> -> memref<1x128xi32, #tpu.memory_space<hbm>>
        %dma_start3A_148 = tpu.memref_squeeze %dma_start3A_147 : memref<1x128xi32, #tpu.memory_space<hbm>> -> memref<128xi32, #tpu.memory_space<hbm>>
        tpu.enqueue_dma source(%dma_start3A_148 : memref<128xi32, #tpu.memory_space<hbm>>) target(%arg8 : memref<128xi32, #tpu.memory_space<vmem>>) target_semaphore(%run_scoped3A : memref<!tpu.dma_semaphore, #tpu.memory_space<semaphore_mem>>)
        %dma_wait3A_149 = arith.constant 0 : i32
        %dma_wait3A_150 = tpu.memref_slice %arg4[%add3A_29, %dma_wait3A_149] : memref<2512x128xi32, #tpu.memory_space<hbm>> -> memref<1x128xi32, #tpu.memory_space<hbm>>
        %dma_wait3A_151 = tpu.memref_squeeze %dma_wait3A_150 : memref<1x128xi32, #tpu.memory_space<hbm>> -> memref<128xi32, #tpu.memory_space<hbm>>
        %dma_wait3A_152 = arith.constant 0 : i32
        %dma_wait3A_153 = tpu.memref_slice %arg4[%add3A_29, %dma_wait3A_152] : memref<2512x128xi32, #tpu.memory_space<hbm>> -> memref<1x128xi32, #tpu.memory_space<hbm>>
        %dma_wait3A_154 = tpu.memref_squeeze %dma_wait3A_153 : memref<1x128xi32, #tpu.memory_space<hbm>> -> memref<128xi32, #tpu.memory_space<hbm>>
        tpu.wait_dma2 semaphore(%run_scoped3A : memref<!tpu.dma_semaphore, #tpu.memory_space<semaphore_mem>>) src(%dma_wait3A_154 : memref<128xi32, #tpu.memory_space<hbm>>) dst(%arg8 : memref<128xi32, #tpu.memory_space<vmem>>)
        tpu.yield
      }) : () -> ()
      %get3A = arith.constant 0 : index
      %get3A_30 = tpu.vector_load %arg7[%get3A] {strides = array<i32>} : memref<128xi32, #tpu.memory_space<vmem>>, vector<16xi32>,
      %get3A_31 = vector.shape_cast %get3A_30 : vector<16xi32> to vector<16xi32>
      %get3A_32 = arith.constant 0 : index
      %get3A_33 = tpu.vector_load %arg8[%get3A_32] {strides = array<i32>} : memref<128xi32, #tpu.memory_space<vmem>>, vector<16xi32>,
      %get3A_34 = vector.shape_cast %get3A_33 : vector<16xi32> to vector<16xi32>
      %eq3A_35 = arith.cmpi eq, %get3A_31, %get3A_34 : vector<16xi32>
      %jit3A_36 = arith.constant 10000 : i32
      %broadcast_in_dim3A = vector.broadcast %jit3A_36 : i32 to vector<16xi32>
      %select_n3A_37 = arith.select %eq3A_35, %broadcast_in_dim3A, %get3A_34 : vector<16xi1>, vector<16xi32>
      %swap3A = arith.constant 0 : index
      %swap3A_38 = tpu.vector_load %arg8[%swap3A] {strides = array<i32>} : memref<128xi32, #tpu.memory_space<vmem>>, vector<16xi32>,
      %swap3A_39 = vector.shape_cast %swap3A_38 : vector<16xi32> to vector<16xi32>
      %swap3A_40 = vector.shape_cast %select_n3A_37 : vector<16xi32> to vector<16xi32>
      tpu.vector_store %arg8[%swap3A], %swap3A_40 {strides = array<i32>} : memref<128xi32, #tpu.memory_space<vmem>>, vector<16xi32>,
      %get3A_41 = arith.constant 16 : index
      %get3A_42 = tpu.vector_load %arg7[%get3A_41] {strides = array<i32>} : memref<128xi32, #tpu.memory_space<vmem>>, vector<16xi32>,
      %get3A_43 = vector.shape_cast %get3A_42 : vector<16xi32> to vector<16xi32>
      %get3A_44 = arith.constant 16 : index
      %get3A_45 = tpu.vector_load %arg8[%get3A_44] {strides = array<i32>} : memref<128xi32, #tpu.memory_space<vmem>>, vector<16xi32>,
      %get3A_46 = vector.shape_cast %get3A_45 : vector<16xi32> to vector<16xi32>
      %eq3A_47 = arith.cmpi eq, %get3A_43, %get3A_46 : vector<16xi32>
      %jit3A_48 = arith.constant 10000 : i32
      %broadcast_in_dim3A_49 = vector.broadcast %jit3A_48 : i32 to vector<16xi32>
      %select_n3A_50 = arith.select %eq3A_47, %broadcast_in_dim3A_49, %get3A_46 : vector<16xi1>, vector<16xi32>
      %swap3A_51 = arith.constant 16 : index
      %swap3A_52 = tpu.vector_load %arg8[%swap3A_51] {strides = array<i32>} : memref<128xi32, #tpu.memory_space<vmem>>, vector<16xi32>,
      %swap3A_53 = vector.shape_cast %swap3A_52 : vector<16xi32> to vector<16xi32>
      %swap3A_54 = vector.shape_cast %select_n3A_50 : vector<16xi32> to vector<16xi32>
      tpu.vector_store %arg8[%swap3A_51], %swap3A_54 {strides = array<i32>} : memref<128xi32, #tpu.memory_space<vmem>>, vector<16xi32>,
      %get3A_55 = arith.constant 32 : index
      %get3A_56 = tpu.vector_load %arg7[%get3A_55] {strides = array<i32>} : memref<128xi32, #tpu.memory_space<vmem>>, vector<16xi32>,
      %get3A_57 = vector.shape_cast %get3A_56 : vector<16xi32> to vector<16xi32>
      %get3A_58 = arith.constant 32 : index
      %get3A_59 = tpu.vector_load %arg8[%get3A_58] {strides = array<i32>} : memref<128xi32, #tpu.memory_space<vmem>>, vector<16xi32>,
      %get3A_60 = vector.shape_cast %get3A_59 : vector<16xi32> to vector<16xi32>
      %eq3A_61 = arith.cmpi eq, %get3A_57, %get3A_60 : vector<16xi32>
      %jit3A_62 = arith.constant 10000 : i32
      %broadcast_in_dim3A_63 = vector.broadcast %jit3A_62 : i32 to vector<16xi32>
      %select_n3A_64 = arith.select %eq3A_61, %broadcast_in_dim3A_63, %get3A_60 : vector<16xi1>, vector<16xi32>
      %swap3A_65 = arith.constant 32 : index
      %swap3A_66 = tpu.vector_load %arg8[%swap3A_65] {strides = array<i32>} : memref<128xi32, #tpu.memory_space<vmem>>, vector<16xi32>,
      %swap3A_67 = vector.shape_cast %swap3A_66 : vector<16xi32> to vector<16xi32>
      %swap3A_68 = vector.shape_cast %select_n3A_64 : vector<16xi32> to vector<16xi32>
      tpu.vector_store %arg8[%swap3A_65], %swap3A_68 {strides = array<i32>} : memref<128xi32, #tpu.memory_space<vmem>>, vector<16xi32>,
      %get3A_69 = arith.constant 48 : index
      %get3A_70 = tpu.vector_load %arg7[%get3A_69] {strides = array<i32>} : memref<128xi32, #tpu.memory_space<vmem>>, vector<16xi32>,
      %get3A_71 = vector.shape_cast %get3A_70 : vector<16xi32> to vector<16xi32>
      %get3A_72 = arith.constant 48 : index
      %get3A_73 = tpu.vector_load %arg8[%get3A_72] {strides = array<i32>} : memref<128xi32, #tpu.memory_space<vmem>>, vector<16xi32>,
      %get3A_74 = vector.shape_cast %get3A_73 : vector<16xi32> to vector<16xi32>
      %eq3A_75 = arith.cmpi eq, %get3A_71, %get3A_74 : vector<16xi32>
      %jit3A_76 = arith.constant 10000 : i32
      %broadcast_in_dim3A_77 = vector.broadcast %jit3A_76 : i32 to vector<16xi32>
      %select_n3A_78 = arith.select %eq3A_75, %broadcast_in_dim3A_77, %get3A_74 : vector<16xi1>, vector<16xi32>
      %swap3A_79 = arith.constant 48 : index
      %swap3A_80 = tpu.vector_load %arg8[%swap3A_79] {strides = array<i32>} : memref<128xi32, #tpu.memory_space<vmem>>, vector<16xi32>,
      %swap3A_81 = vector.shape_cast %swap3A_80 : vector<16xi32> to vector<16xi32>
      %swap3A_82 = vector.shape_cast %select_n3A_78 : vector<16xi32> to vector<16xi32>
      tpu.vector_store %arg8[%swap3A_79], %swap3A_82 {strides = array<i32>} : memref<128xi32, #tpu.memory_space<vmem>>, vector<16xi32>,
      %get3A_83 = arith.constant 64 : index
      %get3A_84 = tpu.vector_load %arg7[%get3A_83] {strides = array<i32>} : memref<128xi32, #tpu.memory_space<vmem>>, vector<16xi32>,
      %get3A_85 = vector.shape_cast %get3A_84 : vector<16xi32> to vector<16xi32>
      %get3A_86 = arith.constant 64 : index
      %get3A_87 = tpu.vector_load %arg8[%get3A_86] {strides = array<i32>} : memref<128xi32, #tpu.memory_space<vmem>>, vector<16xi32>,
      %get3A_88 = vector.shape_cast %get3A_87 : vector<16xi32> to vector<16xi32>
      %eq3A_89 = arith.cmpi eq, %get3A_85, %get3A_88 : vector<16xi32>
      %jit3A_90 = arith.constant 10000 : i32
      %broadcast_in_dim3A_91 = vector.broadcast %jit3A_90 : i32 to vector<16xi32>
      %select_n3A_92 = arith.select %eq3A_89, %broadcast_in_dim3A_91, %get3A_88 : vector<16xi1>, vector<16xi32>
      %swap3A_93 = arith.constant 64 : index
      %swap3A_94 = tpu.vector_load %arg8[%swap3A_93] {strides = array<i32>} : memref<128xi32, #tpu.memory_space<vmem>>, vector<16xi32>,
      %swap3A_95 = vector.shape_cast %swap3A_94 : vector<16xi32> to vector<16xi32>
      %swap3A_96 = vector.shape_cast %select_n3A_92 : vector<16xi32> to vector<16xi32>
      tpu.vector_store %arg8[%swap3A_93], %swap3A_96 {strides = array<i32>} : memref<128xi32, #tpu.memory_space<vmem>>, vector<16xi32>,
      %get3A_97 = arith.constant 80 : index
      %get3A_98 = tpu.vector_load %arg7[%get3A_97] {strides = array<i32>} : memref<128xi32, #tpu.memory_space<vmem>>, vector<16xi32>,
      %get3A_99 = vector.shape_cast %get3A_98 : vector<16xi32> to vector<16xi32>
      %get3A_100 = arith.constant 80 : index
      %get3A_101 = tpu.vector_load %arg8[%get3A_100] {strides = array<i32>} : memref<128xi32, #tpu.memory_space<vmem>>, vector<16xi32>,
      %get3A_102 = vector.shape_cast %get3A_101 : vector<16xi32> to vector<16xi32>
      %eq3A_103 = arith.cmpi eq, %get3A_99, %get3A_102 : vector<16xi32>
      %jit3A_104 = arith.constant 10000 : i32
      %broadcast_in_dim3A_105 = vector.broadcast %jit3A_104 : i32 to vector<16xi32>
      %select_n3A_106 = arith.select %eq3A_103, %broadcast_in_dim3A_105, %get3A_102 : vector<16xi1>, vector<16xi32>
      %swap3A_107 = arith.constant 80 : index
      %swap3A_108 = tpu.vector_load %arg8[%swap3A_107] {strides = array<i32>} : memref<128xi32, #tpu.memory_space<vmem>>, vector<16xi32>,
      %swap3A_109 = vector.shape_cast %swap3A_108 : vector<16xi32> to vector<16xi32>
      %swap3A_110 = vector.shape_cast %select_n3A_106 : vector<16xi32> to vector<16xi32>
      tpu.vector_store %arg8[%swap3A_107], %swap3A_110 {strides = array<i32>} : memref<128xi32, #tpu.memory_space<vmem>>, vector<16xi32>,
      %get3A_111 = arith.constant 96 : index
      %get3A_112 = tpu.vector_load %arg7[%get3A_111] {strides = array<i32>} : memref<128xi32, #tpu.memory_space<vmem>>, vector<16xi32>,
      %get3A_113 = vector.shape_cast %get3A_112 : vector<16xi32> to vector<16xi32>
      %get3A_114 = arith.constant 96 : index
      %get3A_115 = tpu.vector_load %arg8[%get3A_114] {strides = array<i32>} : memref<128xi32, #tpu.memory_space<vmem>>, vector<16xi32>,
      %get3A_116 = vector.shape_cast %get3A_115 : vector<16xi32> to vector<16xi32>
      %eq3A_117 = arith.cmpi eq, %get3A_113, %get3A_116 : vector<16xi32>
      %jit3A_118 = arith.constant 10000 : i32
      %broadcast_in_dim3A_119 = vector.broadcast %jit3A_118 : i32 to vector<16xi32>
      %select_n3A_120 = arith.select %eq3A_117, %broadcast_in_dim3A_119, %get3A_116 : vector<16xi1>, vector<16xi32>
      %swap3A_121 = arith.constant 96 : index
      %swap3A_122 = tpu.vector_load %arg8[%swap3A_121] {strides = array<i32>} : memref<128xi32, #tpu.memory_space<vmem>>, vector<16xi32>,
      %swap3A_123 = vector.shape_cast %swap3A_122 : vector<16xi32> to vector<16xi32>
      %swap3A_124 = vector.shape_cast %select_n3A_120 : vector<16xi32> to vector<16xi32>
      tpu.vector_store %arg8[%swap3A_121], %swap3A_124 {strides = array<i32>} : memref<128xi32, #tpu.memory_space<vmem>>, vector<16xi32>,
      %get3A_125 = arith.constant 112 : index
      %get3A_126 = tpu.vector_load %arg7[%get3A_125] {strides = array<i32>} : memref<128xi32, #tpu.memory_space<vmem>>, vector<16xi32>,
      %get3A_127 = vector.shape_cast %get3A_126 : vector<16xi32> to vector<16xi32>
      %get3A_128 = arith.constant 112 : index
      %get3A_129 = tpu.vector_load %arg8[%get3A_128] {strides = array<i32>} : memref<128xi32, #tpu.memory_space<vmem>>, vector<16xi32>,
      %get3A_130 = vector.shape_cast %get3A_129 : vector<16xi32> to vector<16xi32>
      %eq3A_131 = arith.cmpi eq, %get3A_127, %get3A_130 : vector<16xi32>
      %jit3A_132 = arith.constant 10000 : i32
      %broadcast_in_dim3A_133 = vector.broadcast %jit3A_132 : i32 to vector<16xi32>
      %select_n3A_134 = arith.select %eq3A_131, %broadcast_in_dim3A_133, %get3A_130 : vector<16xi1>, vector<16xi32>
      %swap3A_135 = arith.constant 112 : index
      %swap3A_136 = tpu.vector_load %arg8[%swap3A_135] {strides = array<i32>} : memref<128xi32, #tpu.memory_space<vmem>>, vector<16xi32>,
      %swap3A_137 = vector.shape_cast %swap3A_136 : vector<16xi32> to vector<16xi32>
      %swap3A_138 = vector.shape_cast %select_n3A_134 : vector<16xi32> to vector<16xi32>
      tpu.vector_store %arg8[%swap3A_135], %swap3A_138 {strides = array<i32>} : memref<128xi32, #tpu.memory_space<vmem>>, vector<16xi32>,
      %dma_start3A = arith.constant 0 : i32
      %dma_start3A_139 = arith.constant 0 : i32
      %dma_start3A_140 = tpu.memref_slice %arg2[%dma_start3A, %dma_start3A_139] : memref<10000x128xf32, #tpu.memory_space<hbm>> -> memref<10000x128xf32, #tpu.memory_space<hbm>>
      tpu.enqueue_indirect_dma source(%dma_start3A_140 : memref<10000x128xf32, #tpu.memory_space<hbm>>) target(%arg9 : memref<128x128xf32, #tpu.memory_space<vmem>>) offsets(%arg7 : memref<128xi32, #tpu.memory_space<vmem>>) semaphore(%arg10 : memref<!tpu.dma_semaphore, #tpu.memory_space<semaphore_mem>>)
      %dma_wait3A = arith.constant 0 : i32
      %dma_wait3A_141 = arith.constant 0 : i32
      %dma_wait3A_142 = tpu.memref_slice %arg2[%dma_wait3A, %dma_wait3A_141] : memref<10000x128xf32, #tpu.memory_space<hbm>> -> memref<10000x128xf32, #tpu.memory_space<hbm>>
      tpu.wait_indirect_dma semaphore(%arg10 : memref<!tpu.dma_semaphore, #tpu.memory_space<semaphore_mem>>) src(%dma_wait3A_142 : memref<10000x128xf32, #tpu.memory_space<hbm>>) dst(%arg9 : memref<128x128xf32, #tpu.memory_space<vmem>>)
      "tpu.region"() ({
        %run_scoped3A = tpu.sem_alloc : memref<!tpu.dma_semaphore, #tpu.memory_space<semaphore_mem>>
        %dma_start3A_143 = arith.constant 0 : i32
        %dma_start3A_144 = arith.constant 0 : i32
        %dma_start3A_145 = tpu.memref_slice %arg11[%dma_start3A_143, %dma_start3A_144] : memref<10240x128xf32, #tpu.memory_space<vmem_shared>> -> memref<10240x128xf32, #tpu.memory_space<vmem_shared>>
        tpu.enqueue_indirect_dma source(%arg9 : memref<128x128xf32, #tpu.memory_space<vmem>>) target(%dma_start3A_145 : memref<10240x128xf32, #tpu.memory_space<vmem_shared>>) offsets(%arg8 : memref<128xi32, #tpu.memory_space<vmem>>) semaphore(%run_scoped3A : memref<!tpu.dma_semaphore, #tpu.memory_space<semaphore_mem>>) {add = true}
        %dma_wait3A_146 = arith.constant 0 : i32
        %dma_wait3A_147 = arith.constant 0 : i32
        %dma_wait3A_148 = tpu.memref_slice %arg11[%dma_wait3A_146, %dma_wait3A_147] : memref<10240x128xf32, #tpu.memory_space<vmem_shared>> -> memref<10240x128xf32, #tpu.memory_space<vmem_shared>>
        tpu.wait_indirect_dma semaphore(%run_scoped3A : memref<!tpu.dma_semaphore, #tpu.memory_space<semaphore_mem>>) src(%arg9 : memref<128x128xf32, #tpu.memory_space<vmem>>) dst(%dma_wait3A_148 : memref<10240x128xf32, #tpu.memory_space<vmem_shared>>)
        tpu.yield
      }) : () -> ()
    }
    %barrier3A_20 = arith.constant 0 : index
    tpu.barrier barrier_id(%barrier3A_20)
    %mul3A_21 = arith.constant 640 : i32
    %mul3A_22 = arith.muli %arg1, %mul3A_21 : i32
    %mul3A_23 = arith.constant 10240 : i32
    %mul3A_24 = arith.muli %arg0, %mul3A_23 : i32
    %mul3A_25 = arith.constant 640 : i32
    %mul3A_26 = arith.muli %arg1, %mul3A_25 : i32
    %add3A_27 = arith.addi %mul3A_24, %mul3A_26 : i32
    "tpu.region"() ({
      %run_scoped3A = tpu.sem_alloc : memref<!tpu.dma_semaphore, #tpu.memory_space<semaphore_mem>>
      %dma_start3A = arith.constant 0 : i32
      %dma_start3A_28 = tpu.memref_slice %arg6[%add3A_27, %dma_start3A] : memref<20480x128xf32, #tpu.memory_space<hbm>> -> memref<640x128xf32, #tpu.memory_space<hbm>>
      %dma_start3A_29 = arith.constant 0 : i32
      %dma_start3A_30 = tpu.memref_slice %arg11[%mul3A_22, %dma_start3A_29] : memref<10240x128xf32, #tpu.memory_space<vmem_shared>> -> memref<640x128xf32, #tpu.memory_space<vmem_shared>>
      tpu.enqueue_dma source(%dma_start3A_30 : memref<640x128xf32, #tpu.memory_space<vmem_shared>>) target(%dma_start3A_28 : memref<640x128xf32, #tpu.memory_space<hbm>>) target_semaphore(%run_scoped3A : memref<!tpu.dma_semaphore, #tpu.memory_space<semaphore_mem>>)
      %dma_wait3A = arith.constant 0 : i32
      %dma_wait3A_31 = tpu.memref_slice %arg6[%add3A_27, %dma_wait3A] : memref<20480x128xf32, #tpu.memory_space<hbm>> -> memref<640x128xf32, #tpu.memory_space<hbm>>
      %dma_wait3A_32 = arith.constant 0 : i32
      %dma_wait3A_33 = tpu.memref_slice %arg11[%mul3A_22, %dma_wait3A_32] : memref<10240x128xf32, #tpu.memory_space<vmem_shared>> -> memref<640x128xf32, #tpu.memory_space<vmem_shared>>
      tpu.wait_dma2 semaphore(%run_scoped3A : memref<!tpu.dma_semaphore, #tpu.memory_space<semaphore_mem>>) src(%dma_wait3A_33 : memref<640x128xf32, #tpu.memory_space<vmem_shared>>) dst(%dma_wait3A_31 : memref<640x128xf32, #tpu.memory_space<hbm>>)
      tpu.yield
    }) : () -> ()
    return
  }
}

#map = affine_map<(d0, d1) -> (0, 0)>
module attributes {stable_mosaic.version = 14 : i64} {
  func.func @k(%arg0: i32, %arg1: i32, %arg2: memref<10000x128xf32, #tpu.memory_space<hbm>>, %arg3: memref<2512x128xi32, #tpu.memory_space<hbm>>, %arg4: memref<2512x128xi32, #tpu.memory_space<hbm>>, %arg5: memref<640x128xf32, #tpu.memory_space<hbm>>, %arg6: memref<20480x128xf32, #tpu.memory_space<hbm>>, %arg7: memref<128xi32, #tpu.memory_space<vmem>>, %arg8: memref<128xi32, #tpu.memory_space<vmem>>, %arg9: memref<128x128xf32, #tpu.memory_space<vmem>>, %arg10: memref<!tpu.dma_semaphore, #tpu.memory_space<semaphore_mem>>, %arg11: memref<10240x128xf32, #tpu.memory_space<vmem_shared>>) attributes {dimension_semantics = [#tpu.dimension_semantics<core_parallel>, #tpu.dimension_semantics<subcore_parallel>], iteration_bounds = array<i64: 2, 16>, scalar_prefetch = 0 : i64, scratch_operands = 5 : i64, tpu.core_type = #tpu.core_type<sc_vector_subcore>, window_params = [{transform_indices = #map}, {transform_indices = #map}, {transform_indices = #map}, {transform_indices = #map}, {transform_indices = #map}]} {
    %mul3A = arith.constant 640 : i32
    %mul3A_0 = arith.muli %arg1, %mul3A : i32
    "tpu.region"() ({
      %run_scoped3A = tpu.sem_alloc : memref<!tpu.dma_semaphore, #tpu.memory_space<semaphore_mem>>
      %dma_start3A = arith.constant 0 : i32
      %dma_start3A_28 = tpu.memref_slice %arg11[%mul3A_0, %dma_start3A] : memref<10240x128xf32, #tpu.memory_space<vmem_shared>> -> memref<640x128xf32, #tpu.memory_space<vmem_shared>>
      tpu.enqueue_dma source(%arg5 : memref<640x128xf32, #tpu.memory_space<hbm>>) target(%dma_start3A_28 : memref<640x128xf32, #tpu.memory_space<vmem_shared>>) target_semaphore(%run_scoped3A : memref<!tpu.dma_semaphore, #tpu.memory_space<semaphore_mem>>)
      %dma_wait3A = arith.constant 0 : i32
      %dma_wait3A_29 = tpu.memref_slice %arg11[%mul3A_0, %dma_wait3A] : memref<10240x128xf32, #tpu.memory_space<vmem_shared>> -> memref<640x128xf32, #tpu.memory_space<vmem_shared>>
      tpu.wait_dma2 semaphore(%run_scoped3A : memref<!tpu.dma_semaphore, #tpu.memory_space<semaphore_mem>>) src(%arg5 : memref<640x128xf32, #tpu.memory_space<hbm>>) dst(%dma_wait3A_29 : memref<640x128xf32, #tpu.memory_space<vmem_shared>>)
      tpu.yield
    }) : () -> ()
    %barrier3A = arith.constant 0 : index
    tpu.barrier barrier_id(%barrier3A)
    %eq3A = arith.constant 0 : i32
    %eq3A_1 = arith.cmpi eq, %arg0, %eq3A : i32
    %mul3A_2 = arith.constant 64 : i32
    %mul3A_3 = arith.muli %arg1, %mul3A_2 : i32
    %mul3A_4 = arith.constant 93 : i32
    %mul3A_5 = arith.muli %arg1, %mul3A_4 : i32
    %add3A = arith.constant 1024 : i32
    %add3A_6 = arith.addi %add3A, %mul3A_5 : i32
    %select_n3A = arith.select %eq3A_1, %mul3A_3, %add3A_6 : i32
    %eq3A_7 = arith.constant 0 : i32
    %eq3A_8 = arith.cmpi eq, %arg0, %eq3A_7 : i32
    %jit3A = arith.constant 64 : i32
    %jit3A_9 = arith.constant 93 : i32
    %select_n3A_10 = arith.select %eq3A_8, %jit3A, %jit3A_9 : i32
    %while3A = arith.constant 0 : i32
    %while3A_11 = arith.constant 0 : i32
    %while3A_12 = arith.subi %select_n3A_10, %while3A_11 : i32
    %while3A_13 = arith.addi %while3A_11, %while3A_12 : i32
    %while3A_14 = arith.constant 1 : i32
    %while3A_15 = arith.divsi %while3A_12, %while3A_14 : i32
    %while3A_16 = arith.muli %while3A_15, %while3A_14 : i32
    %while3A_17 = arith.addi %while3A_11, %while3A_16 : i32
    %while3A_18 = arith.constant 1 : i32
    scf.for %while3A_28 = %while3A_11 to %while3A_17 step %while3A_18  : i32 {
      %add3A_29 = arith.addi %select_n3A, %while3A_28 : i32
      "tpu.region"() ({
        %run_scoped3A = tpu.sem_alloc : memref<!tpu.dma_semaphore, #tpu.memory_space<semaphore_mem>>
        %dma_start3A_143 = arith.constant 0 : i32
        %dma_start3A_144 = tpu.memref_slice %arg3[%add3A_29, %dma_start3A_143] : memref<2512x128xi32, #tpu.memory_space<hbm>> -> memref<1x128xi32, #tpu.memory_space<hbm>>
        %dma_start3A_145 = tpu.memref_squeeze %dma_start3A_144 : memref<1x128xi32, #tpu.memory_space<hbm>> -> memref<128xi32, #tpu.memory_space<hbm>>
        %dma_start3A_146 = arith.constant 0 : i32
        %dma_start3A_147 = tpu.memref_slice %arg3[%add3A_29, %dma_start3A_146] : memref<2512x128xi32, #tpu.memory_space<hbm>> -> memref<1x128xi32, #tpu.memory_space<hbm>>
        %dma_start3A_148 = tpu.memref_squeeze %dma_start3A_147 : memref<1x128xi32, #tpu.memory_space<hbm>> -> memref<128xi32, #tpu.memory_space<hbm>>
        tpu.enqueue_dma source(%dma_start3A_148 : memref<128xi32, #tpu.memory_space<hbm>>) target(%arg7 : memref<128xi32, #tpu.memory_space<vmem>>) target_semaphore(%run_scoped3A : memref<!tpu.dma_semaphore, #tpu.memory_space<semaphore_mem>>)
        %dma_wait3A_149 = arith.constant 0 : i32
        %dma_wait3A_150 = tpu.memref_slice %arg3[%add3A_29, %dma_wait3A_149] : memref<2512x128xi32, #tpu.memory_space<hbm>> -> memref<1x128xi32, #tpu.memory_space<hbm>>
        %dma_wait3A_151 = tpu.memref_squeeze %dma_wait3A_150 : memref<1x128xi32, #tpu.memory_space<hbm>> -> memref<128xi32, #tpu.memory_space<hbm>>
        %dma_wait3A_152 = arith.constant 0 : i32
        %dma_wait3A_153 = tpu.memref_slice %arg3[%add3A_29, %dma_wait3A_152] : memref<2512x128xi32, #tpu.memory_space<hbm>> -> memref<1x128xi32, #tpu.memory_space<hbm>>
        %dma_wait3A_154 = tpu.memref_squeeze %dma_wait3A_153 : memref<1x128xi32, #tpu.memory_space<hbm>> -> memref<128xi32, #tpu.memory_space<hbm>>
        tpu.wait_dma2 semaphore(%run_scoped3A : memref<!tpu.dma_semaphore, #tpu.memory_space<semaphore_mem>>) src(%dma_wait3A_154 : memref<128xi32, #tpu.memory_space<hbm>>) dst(%arg7 : memref<128xi32, #tpu.memory_space<vmem>>)
        tpu.yield
      }) : () -> ()
      "tpu.region"() ({
        %run_scoped3A = tpu.sem_alloc : memref<!tpu.dma_semaphore, #tpu.memory_space<semaphore_mem>>
        %dma_start3A_143 = arith.constant 0 : i32
        %dma_start3A_144 = tpu.memref_slice %arg4[%add3A_29, %dma_start3A_143] : memref<2512x128xi32, #tpu.memory_space<hbm>> -> memref<1x128xi32, #tpu.memory_space<hbm>>
        %dma_start3A_145 = tpu.memref_squeeze %dma_start3A_144 : memref<1x128xi32, #tpu.memory_space<hbm>> -> memref<128xi32, #tpu.memory_space<hbm>>
        %dma_start3A_146 = arith.constant 0 : i32
        %dma_start3A_147 = tpu.memref_slice %arg4[%add3A_29, %dma_start3A_146] : memref<2512x128xi32, #tpu.memory_space<hbm>> -> memref<1x128xi32, #tpu.memory_space<hbm>>
        %dma_start3A_148 = tpu.memref_squeeze %dma_start3A_147 : memref<1x128xi32, #tpu.memory_space<hbm>> -> memref<128xi32, #tpu.memory_space<hbm>>
        tpu.enqueue_dma source(%dma_start3A_148 : memref<128xi32, #tpu.memory_space<hbm>>) target(%arg8 : memref<128xi32, #tpu.memory_space<vmem>>) target_semaphore(%run_scoped3A : memref<!tpu.dma_semaphore, #tpu.memory_space<semaphore_mem>>)
        %dma_wait3A_149 = arith.constant 0 : i32
        %dma_wait3A_150 = tpu.memref_slice %arg4[%add3A_29, %dma_wait3A_149] : memref<2512x128xi32, #tpu.memory_space<hbm>> -> memref<1x128xi32, #tpu.memory_space<hbm>>
        %dma_wait3A_151 = tpu.memref_squeeze %dma_wait3A_150 : memref<1x128xi32, #tpu.memory_space<hbm>> -> memref<128xi32, #tpu.memory_space<hbm>>
        %dma_wait3A_152 = arith.constant 0 : i32
        %dma_wait3A_153 = tpu.memref_slice %arg4[%add3A_29, %dma_wait3A_152] : memref<2512x128xi32, #tpu.memory_space<hbm>> -> memref<1x128xi32, #tpu.memory_space<hbm>>
        %dma_wait3A_154 = tpu.memref_squeeze %dma_wait3A_153 : memref<1x128xi32, #tpu.memory_space<hbm>> -> memref<128xi32, #tpu.memory_space<hbm>>
        tpu.wait_dma2 semaphore(%run_scoped3A : memref<!tpu.dma_semaphore, #tpu.memory_space<semaphore_mem>>) src(%dma_wait3A_154 : memref<128xi32, #tpu.memory_space<hbm>>) dst(%arg8 : memref<128xi32, #tpu.memory_space<vmem>>)
        tpu.yield
      }) : () -> ()
      %get3A = arith.constant 0 : index
      %get3A_30 = tpu.vector_load %arg7[%get3A] {strides = array<i32>} : memref<128xi32, #tpu.memory_space<vmem>>, vector<16xi32>,
      %get3A_31 = vector.shape_cast %get3A_30 : vector<16xi32> to vector<16xi32>
      %get3A_32 = arith.constant 0 : index
      %get3A_33 = tpu.vector_load %arg8[%get3A_32] {strides = array<i32>} : memref<128xi32, #tpu.memory_space<vmem>>, vector<16xi32>,
      %get3A_34 = vector.shape_cast %get3A_33 : vector<16xi32> to vector<16xi32>
      %eq3A_35 = arith.cmpi eq, %get3A_31, %get3A_34 : vector<16xi32>
      %jit3A_36 = arith.constant 10000 : i32
      %broadcast_in_dim3A = vector.broadcast %jit3A_36 : i32 to vector<16xi32>
      %select_n3A_37 = arith.select %eq3A_35, %broadcast_in_dim3A, %get3A_34 : vector<16xi1>, vector<16xi32>
      %swap3A = arith.constant 0 : index
      %swap3A_38 = tpu.vector_load %arg8[%swap3A] {strides = array<i32>} : memref<128xi32, #tpu.memory_space<vmem>>, vector<16xi32>,
      %swap3A_39 = vector.shape_cast %swap3A_38 : vector<16xi32> to vector<16xi32>
      %swap3A_40 = vector.shape_cast %select_n3A_37 : vector<16xi32> to vector<16xi32>
      tpu.vector_store %arg8[%swap3A], %swap3A_40 {strides = array<i32>} : memref<128xi32, #tpu.memory_space<vmem>>, vector<16xi32>,
      %get3A_41 = arith.constant 16 : index
      %get3A_42 = tpu.vector_load %arg7[%get3A_41] {strides = array<i32>} : memref<128xi32, #tpu.memory_space<vmem>>, vector<16xi32>,
      %get3A_43 = vector.shape_cast %get3A_42 : vector<16xi32> to vector<16xi32>
      %get3A_44 = arith.constant 16 : index
      %get3A_45 = tpu.vector_load %arg8[%get3A_44] {strides = array<i32>} : memref<128xi32, #tpu.memory_space<vmem>>, vector<16xi32>,
      %get3A_46 = vector.shape_cast %get3A_45 : vector<16xi32> to vector<16xi32>
      %eq3A_47 = arith.cmpi eq, %get3A_43, %get3A_46 : vector<16xi32>
      %jit3A_48 = arith.constant 10000 : i32
      %broadcast_in_dim3A_49 = vector.broadcast %jit3A_48 : i32 to vector<16xi32>
      %select_n3A_50 = arith.select %eq3A_47, %broadcast_in_dim3A_49, %get3A_46 : vector<16xi1>, vector<16xi32>
      %swap3A_51 = arith.constant 16 : index
      %swap3A_52 = tpu.vector_load %arg8[%swap3A_51] {strides = array<i32>} : memref<128xi32, #tpu.memory_space<vmem>>, vector<16xi32>,
      %swap3A_53 = vector.shape_cast %swap3A_52 : vector<16xi32> to vector<16xi32>
      %swap3A_54 = vector.shape_cast %select_n3A_50 : vector<16xi32> to vector<16xi32>
      tpu.vector_store %arg8[%swap3A_51], %swap3A_54 {strides = array<i32>} : memref<128xi32, #tpu.memory_space<vmem>>, vector<16xi32>,
      %get3A_55 = arith.constant 32 : index
      %get3A_56 = tpu.vector_load %arg7[%get3A_55] {strides = array<i32>} : memref<128xi32, #tpu.memory_space<vmem>>, vector<16xi32>,
      %get3A_57 = vector.shape_cast %get3A_56 : vector<16xi32> to vector<16xi32>
      %get3A_58 = arith.constant 32 : index
      %get3A_59 = tpu.vector_load %arg8[%get3A_58] {strides = array<i32>} : memref<128xi32, #tpu.memory_space<vmem>>, vector<16xi32>,
      %get3A_60 = vector.shape_cast %get3A_59 : vector<16xi32> to vector<16xi32>
      %eq3A_61 = arith.cmpi eq, %get3A_57, %get3A_60 : vector<16xi32>
      %jit3A_62 = arith.constant 10000 : i32
      %broadcast_in_dim3A_63 = vector.broadcast %jit3A_62 : i32 to vector<16xi32>
      %select_n3A_64 = arith.select %eq3A_61, %broadcast_in_dim3A_63, %get3A_60 : vector<16xi1>, vector<16xi32>
      %swap3A_65 = arith.constant 32 : index
      %swap3A_66 = tpu.vector_load %arg8[%swap3A_65] {strides = array<i32>} : memref<128xi32, #tpu.memory_space<vmem>>, vector<16xi32>,
      %swap3A_67 = vector.shape_cast %swap3A_66 : vector<16xi32> to vector<16xi32>
      %swap3A_68 = vector.shape_cast %select_n3A_64 : vector<16xi32> to vector<16xi32>
      tpu.vector_store %arg8[%swap3A_65], %swap3A_68 {strides = array<i32>} : memref<128xi32, #tpu.memory_space<vmem>>, vector<16xi32>,
      %get3A_69 = arith.constant 48 : index
      %get3A_70 = tpu.vector_load %arg7[%get3A_69] {strides = array<i32>} : memref<128xi32, #tpu.memory_space<vmem>>, vector<16xi32>,
      %get3A_71 = vector.shape_cast %get3A_70 : vector<16xi32> to vector<16xi32>
      %get3A_72 = arith.constant 48 : index
      %get3A_73 = tpu.vector_load %arg8[%get3A_72] {strides = array<i32>} : memref<128xi32, #tpu.memory_space<vmem>>, vector<16xi32>,
      %get3A_74 = vector.shape_cast %get3A_73 : vector<16xi32> to vector<16xi32>
      %eq3A_75 = arith.cmpi eq, %get3A_71, %get3A_74 : vector<16xi32>
      %jit3A_76 = arith.constant 10000 : i32
      %broadcast_in_dim3A_77 = vector.broadcast %jit3A_76 : i32 to vector<16xi32>
      %select_n3A_78 = arith.select %eq3A_75, %broadcast_in_dim3A_77, %get3A_74 : vector<16xi1>, vector<16xi32>
      %swap3A_79 = arith.constant 48 : index
      %swap3A_80 = tpu.vector_load %arg8[%swap3A_79] {strides = array<i32>} : memref<128xi32, #tpu.memory_space<vmem>>, vector<16xi32>,
      %swap3A_81 = vector.shape_cast %swap3A_80 : vector<16xi32> to vector<16xi32>
      %swap3A_82 = vector.shape_cast %select_n3A_78 : vector<16xi32> to vector<16xi32>
      tpu.vector_store %arg8[%swap3A_79], %swap3A_82 {strides = array<i32>} : memref<128xi32, #tpu.memory_space<vmem>>, vector<16xi32>,
      %get3A_83 = arith.constant 64 : index
      %get3A_84 = tpu.vector_load %arg7[%get3A_83] {strides = array<i32>} : memref<128xi32, #tpu.memory_space<vmem>>, vector<16xi32>,
      %get3A_85 = vector.shape_cast %get3A_84 : vector<16xi32> to vector<16xi32>
      %get3A_86 = arith.constant 64 : index
      %get3A_87 = tpu.vector_load %arg8[%get3A_86] {strides = array<i32>} : memref<128xi32, #tpu.memory_space<vmem>>, vector<16xi32>,
      %get3A_88 = vector.shape_cast %get3A_87 : vector<16xi32> to vector<16xi32>
      %eq3A_89 = arith.cmpi eq, %get3A_85, %get3A_88 : vector<16xi32>
      %jit3A_90 = arith.constant 10000 : i32
      %broadcast_in_dim3A_91 = vector.broadcast %jit3A_90 : i32 to vector<16xi32>
      %select_n3A_92 = arith.select %eq3A_89, %broadcast_in_dim3A_91, %get3A_88 : vector<16xi1>, vector<16xi32>
      %swap3A_93 = arith.constant 64 : index
      %swap3A_94 = tpu.vector_load %arg8[%swap3A_93] {strides = array<i32>} : memref<128xi32, #tpu.memory_space<vmem>>, vector<16xi32>,
      %swap3A_95 = vector.shape_cast %swap3A_94 : vector<16xi32> to vector<16xi32>
      %swap3A_96 = vector.shape_cast %select_n3A_92 : vector<16xi32> to vector<16xi32>
      tpu.vector_store %arg8[%swap3A_93], %swap3A_96 {strides = array<i32>} : memref<128xi32, #tpu.memory_space<vmem>>, vector<16xi32>,
      %get3A_97 = arith.constant 80 : index
      %get3A_98 = tpu.vector_load %arg7[%get3A_97] {strides = array<i32>} : memref<128xi32, #tpu.memory_space<vmem>>, vector<16xi32>,
      %get3A_99 = vector.shape_cast %get3A_98 : vector<16xi32> to vector<16xi32>
      %get3A_100 = arith.constant 80 : index
      %get3A_101 = tpu.vector_load %arg8[%get3A_100] {strides = array<i32>} : memref<128xi32, #tpu.memory_space<vmem>>, vector<16xi32>,
      %get3A_102 = vector.shape_cast %get3A_101 : vector<16xi32> to vector<16xi32>
      %eq3A_103 = arith.cmpi eq, %get3A_99, %get3A_102 : vector<16xi32>
      %jit3A_104 = arith.constant 10000 : i32
      %broadcast_in_dim3A_105 = vector.broadcast %jit3A_104 : i32 to vector<16xi32>
      %select_n3A_106 = arith.select %eq3A_103, %broadcast_in_dim3A_105, %get3A_102 : vector<16xi1>, vector<16xi32>
      %swap3A_107 = arith.constant 80 : index
      %swap3A_108 = tpu.vector_load %arg8[%swap3A_107] {strides = array<i32>} : memref<128xi32, #tpu.memory_space<vmem>>, vector<16xi32>,
      %swap3A_109 = vector.shape_cast %swap3A_108 : vector<16xi32> to vector<16xi32>
      %swap3A_110 = vector.shape_cast %select_n3A_106 : vector<16xi32> to vector<16xi32>
      tpu.vector_store %arg8[%swap3A_107], %swap3A_110 {strides = array<i32>} : memref<128xi32, #tpu.memory_space<vmem>>, vector<16xi32>,
      %get3A_111 = arith.constant 96 : index
      %get3A_112 = tpu.vector_load %arg7[%get3A_111] {strides = array<i32>} : memref<128xi32, #tpu.memory_space<vmem>>, vector<16xi32>,
      %get3A_113 = vector.shape_cast %get3A_112 : vector<16xi32> to vector<16xi32>
      %get3A_114 = arith.constant 96 : index
      %get3A_115 = tpu.vector_load %arg8[%get3A_114] {strides = array<i32>} : memref<128xi32, #tpu.memory_space<vmem>>, vector<16xi32>,
      %get3A_116 = vector.shape_cast %get3A_115 : vector<16xi32> to vector<16xi32>
      %eq3A_117 = arith.cmpi eq, %get3A_113, %get3A_116 : vector<16xi32>
      %jit3A_118 = arith.constant 10000 : i32
      %broadcast_in_dim3A_119 = vector.broadcast %jit3A_118 : i32 to vector<16xi32>
      %select_n3A_120 = arith.select %eq3A_117, %broadcast_in_dim3A_119, %get3A_116 : vector<16xi1>, vector<16xi32>
      %swap3A_121 = arith.constant 96 : index
      %swap3A_122 = tpu.vector_load %arg8[%swap3A_121] {strides = array<i32>} : memref<128xi32, #tpu.memory_space<vmem>>, vector<16xi32>,
      %swap3A_123 = vector.shape_cast %swap3A_122 : vector<16xi32> to vector<16xi32>
      %swap3A_124 = vector.shape_cast %select_n3A_120 : vector<16xi32> to vector<16xi32>
      tpu.vector_store %arg8[%swap3A_121], %swap3A_124 {strides = array<i32>} : memref<128xi32, #tpu.memory_space<vmem>>, vector<16xi32>,
      %get3A_125 = arith.constant 112 : index
      %get3A_126 = tpu.vector_load %arg7[%get3A_125] {strides = array<i32>} : memref<128xi32, #tpu.memory_space<vmem>>, vector<16xi32>,
      %get3A_127 = vector.shape_cast %get3A_126 : vector<16xi32> to vector<16xi32>
      %get3A_128 = arith.constant 112 : index
      %get3A_129 = tpu.vector_load %arg8[%get3A_128] {strides = array<i32>} : memref<128xi32, #tpu.memory_space<vmem>>, vector<16xi32>,
      %get3A_130 = vector.shape_cast %get3A_129 : vector<16xi32> to vector<16xi32>
      %eq3A_131 = arith.cmpi eq, %get3A_127, %get3A_130 : vector<16xi32>
      %jit3A_132 = arith.constant 10000 : i32
      %broadcast_in_dim3A_133 = vector.broadcast %jit3A_132 : i32 to vector<16xi32>
      %select_n3A_134 = arith.select %eq3A_131, %broadcast_in_dim3A_133, %get3A_130 : vector<16xi1>, vector<16xi32>
      %swap3A_135 = arith.constant 112 : index
      %swap3A_136 = tpu.vector_load %arg8[%swap3A_135] {strides = array<i32>} : memref<128xi32, #tpu.memory_space<vmem>>, vector<16xi32>,
      %swap3A_137 = vector.shape_cast %swap3A_136 : vector<16xi32> to vector<16xi32>
      %swap3A_138 = vector.shape_cast %select_n3A_134 : vector<16xi32> to vector<16xi32>
      tpu.vector_store %arg8[%swap3A_135], %swap3A_138 {strides = array<i32>} : memref<128xi32, #tpu.memory_space<vmem>>, vector<16xi32>,
      %dma_start3A = arith.constant 0 : i32
      %dma_start3A_139 = arith.constant 0 : i32
      %dma_start3A_140 = tpu.memref_slice %arg2[%dma_start3A, %dma_start3A_139] : memref<10000x128xf32, #tpu.memory_space<hbm>> -> memref<10000x128xf32, #tpu.memory_space<hbm>>
      tpu.enqueue_indirect_dma source(%dma_start3A_140 : memref<10000x128xf32, #tpu.memory_space<hbm>>) target(%arg9 : memref<128x128xf32, #tpu.memory_space<vmem>>) offsets(%arg7 : memref<128xi32, #tpu.memory_space<vmem>>) semaphore(%arg10 : memref<!tpu.dma_semaphore, #tpu.memory_space<semaphore_mem>>)
      %dma_wait3A = arith.constant 0 : i32
      %dma_wait3A_141 = arith.constant 0 : i32
      %dma_wait3A_142 = tpu.memref_slice %arg2[%dma_wait3A, %dma_wait3A_141] : memref<10000x128xf32, #tpu.memory_space<hbm>> -> memref<10000x128xf32, #tpu.memory_space<hbm>>
      tpu.wait_indirect_dma semaphore(%arg10 : memref<!tpu.dma_semaphore, #tpu.memory_space<semaphore_mem>>) src(%dma_wait3A_142 : memref<10000x128xf32, #tpu.memory_space<hbm>>) dst(%arg9 : memref<128x128xf32, #tpu.memory_space<vmem>>)
      "tpu.region"() ({
        %run_scoped3A = tpu.sem_alloc : memref<!tpu.dma_semaphore, #tpu.memory_space<semaphore_mem>>
        %dma_start3A_143 = arith.constant 0 : i32
        %dma_start3A_144 = arith.constant 0 : i32
        %dma_start3A_145 = tpu.memref_slice %arg11[%dma_start3A_143, %dma_start3A_144] : memref<10240x128xf32, #tpu.memory_space<vmem_shared>> -> memref<10240x128xf32, #tpu.memory_space<vmem_shared>>
        tpu.enqueue_indirect_dma source(%arg9 : memref<128x128xf32, #tpu.memory_space<vmem>>) target(%dma_start3A_145 : memref<10240x128xf32, #tpu.memory_space<vmem_shared>>) offsets(%arg8 : memref<128xi32, #tpu.memory_space<vmem>>) semaphore(%run_scoped3A : memref<!tpu.dma_semaphore, #tpu.memory_space<semaphore_mem>>) {add = true}
        %dma_wait3A_146 = arith.constant 0 : i32
        %dma_wait3A_147 = arith.constant 0 : i32
        %dma_wait3A_148 = tpu.memref_slice %arg11[%dma_wait3A_146, %dma_wait3A_147] : memref<10240x128xf32, #tpu.memory_space<vmem_shared>> -> memref<10240x128xf32, #tpu.memory_space<vmem_shared>>
        tpu.wait_indirect_dma semaphore(%run_scoped3A : memref<!tpu.dma_semaphore, #tpu.memory_space<semaphore_mem>>) src(%arg9 : memref<128x128xf32, #tpu.memory_space<vmem>>) dst(%dma_wait3A_148 : memref<10240x128xf32, #tpu.memory_space<vmem_shared>>)
        tpu.yield
      }) : () -> ()
    }
    %while3A_19 = arith.constant 1 : i32
    scf.for %while3A_28 = %while3A_17 to %while3A_13 step %while3A_19  : i32 {
      %add3A_29 = arith.addi %select_n3A, %while3A_28 : i32
      "tpu.region"() ({
        %run_scoped3A = tpu.sem_alloc : memref<!tpu.dma_semaphore, #tpu.memory_space<semaphore_mem>>
        %dma_start3A_143 = arith.constant 0 : i32
        %dma_start3A_144 = tpu.memref_slice %arg3[%add3A_29, %dma_start3A_143] : memref<2512x128xi32, #tpu.memory_space<hbm>> -> memref<1x128xi32, #tpu.memory_space<hbm>>
        %dma_start3A_145 = tpu.memref_squeeze %dma_start3A_144 : memref<1x128xi32, #tpu.memory_space<hbm>> -> memref<128xi32, #tpu.memory_space<hbm>>
        %dma_start3A_146 = arith.constant 0 : i32
        %dma_start3A_147 = tpu.memref_slice %arg3[%add3A_29, %dma_start3A_146] : memref<2512x128xi32, #tpu.memory_space<hbm>> -> memref<1x128xi32, #tpu.memory_space<hbm>>
        %dma_start3A_148 = tpu.memref_squeeze %dma_start3A_147 : memref<1x128xi32, #tpu.memory_space<hbm>> -> memref<128xi32, #tpu.memory_space<hbm>>
        tpu.enqueue_dma source(%dma_start3A_148 : memref<128xi32, #tpu.memory_space<hbm>>) target(%arg7 : memref<128xi32, #tpu.memory_space<vmem>>) target_semaphore(%run_scoped3A : memref<!tpu.dma_semaphore, #tpu.memory_space<semaphore_mem>>)
        %dma_wait3A_149 = arith.constant 0 : i32
        %dma_wait3A_150 = tpu.memref_slice %arg3[%add3A_29, %dma_wait3A_149] : memref<2512x128xi32, #tpu.memory_space<hbm>> -> memref<1x128xi32, #tpu.memory_space<hbm>>
        %dma_wait3A_151 = tpu.memref_squeeze %dma_wait3A_150 : memref<1x128xi32, #tpu.memory_space<hbm>> -> memref<128xi32, #tpu.memory_space<hbm>>
        %dma_wait3A_152 = arith.constant 0 : i32
        %dma_wait3A_153 = tpu.memref_slice %arg3[%add3A_29, %dma_wait3A_152] : memref<2512x128xi32, #tpu.memory_space<hbm>> -> memref<1x128xi32, #tpu.memory_space<hbm>>
        %dma_wait3A_154 = tpu.memref_squeeze %dma_wait3A_153 : memref<1x128xi32, #tpu.memory_space<hbm>> -> memref<128xi32, #tpu.memory_space<hbm>>
        tpu.wait_dma2 semaphore(%run_scoped3A : memref<!tpu.dma_semaphore, #tpu.memory_space<semaphore_mem>>) src(%dma_wait3A_154 : memref<128xi32, #tpu.memory_space<hbm>>) dst(%arg7 : memref<128xi32, #tpu.memory_space<vmem>>)
        tpu.yield
      }) : () -> ()
      "tpu.region"() ({
        %run_scoped3A = tpu.sem_alloc : memref<!tpu.dma_semaphore, #tpu.memory_space<semaphore_mem>>
        %dma_start3A_143 = arith.constant 0 : i32
        %dma_start3A_144 = tpu.memref_slice %arg4[%add3A_29, %dma_start3A_143] : memref<2512x128xi32, #tpu.memory_space<hbm>> -> memref<1x128xi32, #tpu.memory_space<hbm>>
        %dma_start3A_145 = tpu.memref_squeeze %dma_start3A_144 : memref<1x128xi32, #tpu.memory_space<hbm>> -> memref<128xi32, #tpu.memory_space<hbm>>
        %dma_start3A_146 = arith.constant 0 : i32
        %dma_start3A_147 = tpu.memref_slice %arg4[%add3A_29, %dma_start3A_146] : memref<2512x128xi32, #tpu.memory_space<hbm>> -> memref<1x128xi32, #tpu.memory_space<hbm>>
        %dma_start3A_148 = tpu.memref_squeeze %dma_start3A_147 : memref<1x128xi32, #tpu.memory_space<hbm>> -> memref<128xi32, #tpu.memory_space<hbm>>
        tpu.enqueue_dma source(%dma_start3A_148 : memref<128xi32, #tpu.memory_space<hbm>>) target(%arg8 : memref<128xi32, #tpu.memory_space<vmem>>) target_semaphore(%run_scoped3A : memref<!tpu.dma_semaphore, #tpu.memory_space<semaphore_mem>>)
        %dma_wait3A_149 = arith.constant 0 : i32
        %dma_wait3A_150 = tpu.memref_slice %arg4[%add3A_29, %dma_wait3A_149] : memref<2512x128xi32, #tpu.memory_space<hbm>> -> memref<1x128xi32, #tpu.memory_space<hbm>>
        %dma_wait3A_151 = tpu.memref_squeeze %dma_wait3A_150 : memref<1x128xi32, #tpu.memory_space<hbm>> -> memref<128xi32, #tpu.memory_space<hbm>>
        %dma_wait3A_152 = arith.constant 0 : i32
        %dma_wait3A_153 = tpu.memref_slice %arg4[%add3A_29, %dma_wait3A_152] : memref<2512x128xi32, #tpu.memory_space<hbm>> -> memref<1x128xi32, #tpu.memory_space<hbm>>
        %dma_wait3A_154 = tpu.memref_squeeze %dma_wait3A_153 : memref<1x128xi32, #tpu.memory_space<hbm>> -> memref<128xi32, #tpu.memory_space<hbm>>
        tpu.wait_dma2 semaphore(%run_scoped3A : memref<!tpu.dma_semaphore, #tpu.memory_space<semaphore_mem>>) src(%dma_wait3A_154 : memref<128xi32, #tpu.memory_space<hbm>>) dst(%arg8 : memref<128xi32, #tpu.memory_space<vmem>>)
        tpu.yield
      }) : () -> ()
      %get3A = arith.constant 0 : index
      %get3A_30 = tpu.vector_load %arg7[%get3A] {strides = array<i32>} : memref<128xi32, #tpu.memory_space<vmem>>, vector<16xi32>,
      %get3A_31 = vector.shape_cast %get3A_30 : vector<16xi32> to vector<16xi32>
      %get3A_32 = arith.constant 0 : index
      %get3A_33 = tpu.vector_load %arg8[%get3A_32] {strides = array<i32>} : memref<128xi32, #tpu.memory_space<vmem>>, vector<16xi32>,
      %get3A_34 = vector.shape_cast %get3A_33 : vector<16xi32> to vector<16xi32>
      %eq3A_35 = arith.cmpi eq, %get3A_31, %get3A_34 : vector<16xi32>
      %jit3A_36 = arith.constant 10000 : i32
      %broadcast_in_dim3A = vector.broadcast %jit3A_36 : i32 to vector<16xi32>
      %select_n3A_37 = arith.select %eq3A_35, %broadcast_in_dim3A, %get3A_34 : vector<16xi1>, vector<16xi32>
      %swap3A = arith.constant 0 : index
      %swap3A_38 = tpu.vector_load %arg8[%swap3A] {strides = array<i32>} : memref<128xi32, #tpu.memory_space<vmem>>, vector<16xi32>,
      %swap3A_39 = vector.shape_cast %swap3A_38 : vector<16xi32> to vector<16xi32>
      %swap3A_40 = vector.shape_cast %select_n3A_37 : vector<16xi32> to vector<16xi32>
      tpu.vector_store %arg8[%swap3A], %swap3A_40 {strides = array<i32>} : memref<128xi32, #tpu.memory_space<vmem>>, vector<16xi32>,
      %get3A_41 = arith.constant 16 : index
      %get3A_42 = tpu.vector_load %arg7[%get3A_41] {strides = array<i32>} : memref<128xi32, #tpu.memory_space<vmem>>, vector<16xi32>,
      %get3A_43 = vector.shape_cast %get3A_42 : vector<16xi32> to vector<16xi32>
      %get3A_44 = arith.constant 16 : index
      %get3A_45 = tpu.vector_load %arg8[%get3A_44] {strides = array<i32>} : memref<128xi32, #tpu.memory_space<vmem>>, vector<16xi32>,
      %get3A_46 = vector.shape_cast %get3A_45 : vector<16xi32> to vector<16xi32>
      %eq3A_47 = arith.cmpi eq, %get3A_43, %get3A_46 : vector<16xi32>
      %jit3A_48 = arith.constant 10000 : i32
      %broadcast_in_dim3A_49 = vector.broadcast %jit3A_48 : i32 to vector<16xi32>
      %select_n3A_50 = arith.select %eq3A_47, %broadcast_in_dim3A_49, %get3A_46 : vector<16xi1>, vector<16xi32>
      %swap3A_51 = arith.constant 16 : index
      %swap3A_52 = tpu.vector_load %arg8[%swap3A_51] {strides = array<i32>} : memref<128xi32, #tpu.memory_space<vmem>>, vector<16xi32>,
      %swap3A_53 = vector.shape_cast %swap3A_52 : vector<16xi32> to vector<16xi32>
      %swap3A_54 = vector.shape_cast %select_n3A_50 : vector<16xi32> to vector<16xi32>
      tpu.vector_store %arg8[%swap3A_51], %swap3A_54 {strides = array<i32>} : memref<128xi32, #tpu.memory_space<vmem>>, vector<16xi32>,
      %get3A_55 = arith.constant 32 : index
      %get3A_56 = tpu.vector_load %arg7[%get3A_55] {strides = array<i32>} : memref<128xi32, #tpu.memory_space<vmem>>, vector<16xi32>,
      %get3A_57 = vector.shape_cast %get3A_56 : vector<16xi32> to vector<16xi32>
      %get3A_58 = arith.constant 32 : index
      %get3A_59 = tpu.vector_load %arg8[%get3A_58] {strides = array<i32>} : memref<128xi32, #tpu.memory_space<vmem>>, vector<16xi32>,
      %get3A_60 = vector.shape_cast %get3A_59 : vector<16xi32> to vector<16xi32>
      %eq3A_61 = arith.cmpi eq, %get3A_57, %get3A_60 : vector<16xi32>
      %jit3A_62 = arith.constant 10000 : i32
      %broadcast_in_dim3A_63 = vector.broadcast %jit3A_62 : i32 to vector<16xi32>
      %select_n3A_64 = arith.select %eq3A_61, %broadcast_in_dim3A_63, %get3A_60 : vector<16xi1>, vector<16xi32>
      %swap3A_65 = arith.constant 32 : index
      %swap3A_66 = tpu.vector_load %arg8[%swap3A_65] {strides = array<i32>} : memref<128xi32, #tpu.memory_space<vmem>>, vector<16xi32>,
      %swap3A_67 = vector.shape_cast %swap3A_66 : vector<16xi32> to vector<16xi32>
      %swap3A_68 = vector.shape_cast %select_n3A_64 : vector<16xi32> to vector<16xi32>
      tpu.vector_store %arg8[%swap3A_65], %swap3A_68 {strides = array<i32>} : memref<128xi32, #tpu.memory_space<vmem>>, vector<16xi32>,
      %get3A_69 = arith.constant 48 : index
      %get3A_70 = tpu.vector_load %arg7[%get3A_69] {strides = array<i32>} : memref<128xi32, #tpu.memory_space<vmem>>, vector<16xi32>,
      %get3A_71 = vector.shape_cast %get3A_70 : vector<16xi32> to vector<16xi32>
      %get3A_72 = arith.constant 48 : index
      %get3A_73 = tpu.vector_load %arg8[%get3A_72] {strides = array<i32>} : memref<128xi32, #tpu.memory_space<vmem>>, vector<16xi32>,
      %get3A_74 = vector.shape_cast %get3A_73 : vector<16xi32> to vector<16xi32>
      %eq3A_75 = arith.cmpi eq, %get3A_71, %get3A_74 : vector<16xi32>
      %jit3A_76 = arith.constant 10000 : i32
      %broadcast_in_dim3A_77 = vector.broadcast %jit3A_76 : i32 to vector<16xi32>
      %select_n3A_78 = arith.select %eq3A_75, %broadcast_in_dim3A_77, %get3A_74 : vector<16xi1>, vector<16xi32>
      %swap3A_79 = arith.constant 48 : index
      %swap3A_80 = tpu.vector_load %arg8[%swap3A_79] {strides = array<i32>} : memref<128xi32, #tpu.memory_space<vmem>>, vector<16xi32>,
      %swap3A_81 = vector.shape_cast %swap3A_80 : vector<16xi32> to vector<16xi32>
      %swap3A_82 = vector.shape_cast %select_n3A_78 : vector<16xi32> to vector<16xi32>
      tpu.vector_store %arg8[%swap3A_79], %swap3A_82 {strides = array<i32>} : memref<128xi32, #tpu.memory_space<vmem>>, vector<16xi32>,
      %get3A_83 = arith.constant 64 : index
      %get3A_84 = tpu.vector_load %arg7[%get3A_83] {strides = array<i32>} : memref<128xi32, #tpu.memory_space<vmem>>, vector<16xi32>,
      %get3A_85 = vector.shape_cast %get3A_84 : vector<16xi32> to vector<16xi32>
      %get3A_86 = arith.constant 64 : index
      %get3A_87 = tpu.vector_load %arg8[%get3A_86] {strides = array<i32>} : memref<128xi32, #tpu.memory_space<vmem>>, vector<16xi32>,
      %get3A_88 = vector.shape_cast %get3A_87 : vector<16xi32> to vector<16xi32>
      %eq3A_89 = arith.cmpi eq, %get3A_85, %get3A_88 : vector<16xi32>
      %jit3A_90 = arith.constant 10000 : i32
      %broadcast_in_dim3A_91 = vector.broadcast %jit3A_90 : i32 to vector<16xi32>
      %select_n3A_92 = arith.select %eq3A_89, %broadcast_in_dim3A_91, %get3A_88 : vector<16xi1>, vector<16xi32>
      %swap3A_93 = arith.constant 64 : index
      %swap3A_94 = tpu.vector_load %arg8[%swap3A_93] {strides = array<i32>} : memref<128xi32, #tpu.memory_space<vmem>>, vector<16xi32>,
      %swap3A_95 = vector.shape_cast %swap3A_94 : vector<16xi32> to vector<16xi32>
      %swap3A_96 = vector.shape_cast %select_n3A_92 : vector<16xi32> to vector<16xi32>
      tpu.vector_store %arg8[%swap3A_93], %swap3A_96 {strides = array<i32>} : memref<128xi32, #tpu.memory_space<vmem>>, vector<16xi32>,
      %get3A_97 = arith.constant 80 : index
      %get3A_98 = tpu.vector_load %arg7[%get3A_97] {strides = array<i32>} : memref<128xi32, #tpu.memory_space<vmem>>, vector<16xi32>,
      %get3A_99 = vector.shape_cast %get3A_98 : vector<16xi32> to vector<16xi32>
      %get3A_100 = arith.constant 80 : index
      %get3A_101 = tpu.vector_load %arg8[%get3A_100] {strides = array<i32>} : memref<128xi32, #tpu.memory_space<vmem>>, vector<16xi32>,
      %get3A_102 = vector.shape_cast %get3A_101 : vector<16xi32> to vector<16xi32>
      %eq3A_103 = arith.cmpi eq, %get3A_99, %get3A_102 : vector<16xi32>
      %jit3A_104 = arith.constant 10000 : i32
      %broadcast_in_dim3A_105 = vector.broadcast %jit3A_104 : i32 to vector<16xi32>
      %select_n3A_106 = arith.select %eq3A_103, %broadcast_in_dim3A_105, %get3A_102 : vector<16xi1>, vector<16xi32>
      %swap3A_107 = arith.constant 80 : index
      %swap3A_108 = tpu.vector_load %arg8[%swap3A_107] {strides = array<i32>} : memref<128xi32, #tpu.memory_space<vmem>>, vector<16xi32>,
      %swap3A_109 = vector.shape_cast %swap3A_108 : vector<16xi32> to vector<16xi32>
      %swap3A_110 = vector.shape_cast %select_n3A_106 : vector<16xi32> to vector<16xi32>
      tpu.vector_store %arg8[%swap3A_107], %swap3A_110 {strides = array<i32>} : memref<128xi32, #tpu.memory_space<vmem>>, vector<16xi32>,
      %get3A_111 = arith.constant 96 : index
      %get3A_112 = tpu.vector_load %arg7[%get3A_111] {strides = array<i32>} : memref<128xi32, #tpu.memory_space<vmem>>, vector<16xi32>,
      %get3A_113 = vector.shape_cast %get3A_112 : vector<16xi32> to vector<16xi32>
      %get3A_114 = arith.constant 96 : index
      %get3A_115 = tpu.vector_load %arg8[%get3A_114] {strides = array<i32>} : memref<128xi32, #tpu.memory_space<vmem>>, vector<16xi32>,
      %get3A_116 = vector.shape_cast %get3A_115 : vector<16xi32> to vector<16xi32>
      %eq3A_117 = arith.cmpi eq, %get3A_113, %get3A_116 : vector<16xi32>
      %jit3A_118 = arith.constant 10000 : i32
      %broadcast_in_dim3A_119 = vector.broadcast %jit3A_118 : i32 to vector<16xi32>
      %select_n3A_120 = arith.select %eq3A_117, %broadcast_in_dim3A_119, %get3A_116 : vector<16xi1>, vector<16xi32>
      %swap3A_121 = arith.constant 96 : index
      %swap3A_122 = tpu.vector_load %arg8[%swap3A_121] {strides = array<i32>} : memref<128xi32, #tpu.memory_space<vmem>>, vector<16xi32>,
      %swap3A_123 = vector.shape_cast %swap3A_122 : vector<16xi32> to vector<16xi32>
      %swap3A_124 = vector.shape_cast %select_n3A_120 : vector<16xi32> to vector<16xi32>
      tpu.vector_store %arg8[%swap3A_121], %swap3A_124 {strides = array<i32>} : memref<128xi32, #tpu.memory_space<vmem>>, vector<16xi32>,
      %get3A_125 = arith.constant 112 : index
      %get3A_126 = tpu.vector_load %arg7[%get3A_125] {strides = array<i32>} : memref<128xi32, #tpu.memory_space<vmem>>, vector<16xi32>,
      %get3A_127 = vector.shape_cast %get3A_126 : vector<16xi32> to vector<16xi32>
      %get3A_128 = arith.constant 112 : index
      %get3A_129 = tpu.vector_load %arg8[%get3A_128] {strides = array<i32>} : memref<128xi32, #tpu.memory_space<vmem>>, vector<16xi32>,
      %get3A_130 = vector.shape_cast %get3A_129 : vector<16xi32> to vector<16xi32>
      %eq3A_131 = arith.cmpi eq, %get3A_127, %get3A_130 : vector<16xi32>
      %jit3A_132 = arith.constant 10000 : i32
      %broadcast_in_dim3A_133 = vector.broadcast %jit3A_132 : i32 to vector<16xi32>
      %select_n3A_134 = arith.select %eq3A_131, %broadcast_in_dim3A_133, %get3A_130 : vector<16xi1>, vector<16xi32>
      %swap3A_135 = arith.constant 112 : index
      %swap3A_136 = tpu.vector_load %arg8[%swap3A_135] {strides = array<i32>} : memref<128xi32, #tpu.memory_space<vmem>>, vector<16xi32>,
      %swap3A_137 = vector.shape_cast %swap3A_136 : vector<16xi32> to vector<16xi32>
      %swap3A_138 = vector.shape_cast %select_n3A_134 : vector<16xi32> to vector<16xi32>
      tpu.vector_store %arg8[%swap3A_135], %swap3A_138 {strides = array<i32>} : memref<128xi32, #tpu.memory_space<vmem>>, vector<16xi32>,
      %dma_start3A = arith.constant 0 : i32
      %dma_start3A_139 = arith.constant 0 : i32
      %dma_start3A_140 = tpu.memref_slice %arg2[%dma_start3A, %dma_start3A_139] : memref<10000x128xf32, #tpu.memory_space<hbm>> -> memref<10000x128xf32, #tpu.memory_space<hbm>>
      tpu.enqueue_indirect_dma source(%dma_start3A_140 : memref<10000x128xf32, #tpu.memory_space<hbm>>) target(%arg9 : memref<128x128xf32, #tpu.memory_space<vmem>>) offsets(%arg7 : memref<128xi32, #tpu.memory_space<vmem>>) semaphore(%arg10 : memref<!tpu.dma_semaphore, #tpu.memory_space<semaphore_mem>>)
      %dma_wait3A = arith.constant 0 : i32
      %dma_wait3A_141 = arith.constant 0 : i32
      %dma_wait3A_142 = tpu.memref_slice %arg2[%dma_wait3A, %dma_wait3A_141] : memref<10000x128xf32, #tpu.memory_space<hbm>> -> memref<10000x128xf32, #tpu.memory_space<hbm>>
      tpu.wait_indirect_dma semaphore(%arg10 : memref<!tpu.dma_semaphore, #tpu.memory_space<semaphore_mem>>) src(%dma_wait3A_142 : memref<10000x128xf32, #tpu.memory_space<hbm>>) dst(%arg9 : memref<128x128xf32, #tpu.memory_space<vmem>>)
      "tpu.region"() ({
        %run_scoped3A = tpu.sem_alloc : memref<!tpu.dma_semaphore, #tpu.memory_space<semaphore_mem>>
        %dma_start3A_143 = arith.constant 0 : i32
        %dma_start3A_144 = arith.constant 0 : i32
        %dma_start3A_145 = tpu.memref_slice %arg11[%dma_start3A_143, %dma_start3A_144] : memref<10240x128xf32, #tpu.memory_space<vmem_shared>> -> memref<10240x128xf32, #tpu.memory_space<vmem_shared>>
        tpu.enqueue_indirect_dma source(%arg9 : memref<128x128xf32, #tpu.memory_space<vmem>>) target(%dma_start3A_145 : memref<10240x128xf32, #tpu.memory_space<vmem_shared>>) offsets(%arg8 : memref<128xi32, #tpu.memory_space<vmem>>) semaphore(%run_scoped3A : memref<!tpu.dma_semaphore, #tpu.memory_space<semaphore_mem>>) {add = true}
        %dma_wait3A_146 = arith.constant 0 : i32
        %dma_wait3A_147 = arith.constant 0 : i32
        %dma_wait3A_148 = tpu.memref_slice %arg11[%dma_wait3A_146, %dma_wait3A_147] : memref<10240x128xf32, #tpu.memory_space<vmem_shared>> -> memref<10240x128xf32, #tpu.memory_space<vmem_shared>>
        tpu.wait_indirect_dma semaphore(%run_scoped3A : memref<!tpu.dma_semaphore, #tpu.memory_space<semaphore_mem>>) src(%arg9 : memref<128x128xf32, #tpu.memory_space<vmem>>) dst(%dma_wait3A_148 : memref<10240x128xf32, #tpu.memory_space<vmem_shared>>)
        tpu.yield
      }) : () -> ()
    }
    %barrier3A_20 = arith.constant 0 : index
    tpu.barrier barrier_id(%barrier3A_20)
    %mul3A_21 = arith.constant 640 : i32
    %mul3A_22 = arith.muli %arg1, %mul3A_21 : i32
    %mul3A_23 = arith.constant 10240 : i32
    %mul3A_24 = arith.muli %arg0, %mul3A_23 : i32
    %mul3A_25 = arith.constant 640 : i32
    %mul3A_26 = arith.muli %arg1, %mul3A_25 : i32
    %add3A_27 = arith.addi %mul3A_24, %mul3A_26 : i32
    "tpu.region"() ({
      %run_scoped3A = tpu.sem_alloc : memref<!tpu.dma_semaphore, #tpu.memory_space<semaphore_mem>>
      %dma_start3A = arith.constant 0 : i32
      %dma_start3A_28 = tpu.memref_slice %arg6[%add3A_27, %dma_start3A] : memref<20480x128xf32, #tpu.memory_space<hbm>> -> memref<640x128xf32, #tpu.memory_space<hbm>>
      %dma_start3A_29 = arith.constant 0 : i32
      %dma_start3A_30 = tpu.memref_slice %arg11[%mul3A_22, %dma_start3A_29] : memref<10240x128xf32, #tpu.memory_space<vmem_shared>> -> memref<640x128xf32, #tpu.memory_space<vmem_shared>>
      tpu.enqueue_dma source(%dma_start3A_30 : memref<640x128xf32, #tpu.memory_space<vmem_shared>>) target(%dma_start3A_28 : memref<640x128xf32, #tpu.memory_space<hbm>>) target_semaphore(%run_scoped3A : memref<!tpu.dma_semaphore, #tpu.memory_space<semaphore_mem>>)
      %dma_wait3A = arith.constant 0 : i32
      %dma_wait3A_31 = tpu.memref_slice %arg6[%add3A_27, %dma_wait3A] : memref<20480x128xf32, #tpu.memory_space<hbm>> -> memref<640x128xf32, #tpu.memory_space<hbm>>
      %dma_wait3A_32 = arith.constant 0 : i32
      %dma_wait3A_33 = tpu.memref_slice %arg11[%mul3A_22, %dma_wait3A_32] : memref<10240x128xf32, #tpu.memory_space<vmem_shared>> -> memref<640x128xf32, #tpu.memory_space<vmem_shared>>
      tpu.wait_dma2 semaphore(%run_scoped3A : memref<!tpu.dma_semaphore, #tpu.memory_space<semaphore_mem>>) src(%dma_wait3A_33 : memref<640x128xf32, #tpu.memory_space<vmem_shared>>) dst(%dma_wait3A_31 : memref<640x128xf32, #tpu.memory_space<hbm>>)
      tpu.yield
    }) : () -> ()
    return
  }
}

module attributes {stable_mosaic.version = 14 : i64} {
  func.func @body(%arg0: i32, %arg1: memref<2000x128xf32, #tpu.memory_space<vmem>>, %arg2: memref<128x128xf32, #tpu.memory_space<vmem>>, %arg3: memref<1x128xf32, #tpu.memory_space<vmem>>, %arg4: memref<2000x128xf32, #tpu.memory_space<vmem>>) attributes {dimension_semantics = [#tpu.dimension_semantics<arbitrary>], iteration_bounds = array<i64: 5>, scalar_prefetch = 0 : i64, scratch_operands = 0 : i64, tpu.core_type = #tpu.core_type<tc>, window_params = [{transform_indices = @transform_0, window_bounds = array<i64: 2000, 128>}, {pipeline_mode = #tpu.pipeline_mode<synchronous>, transform_indices = @transform_1, window_bounds = array<i64: 128, 128>}, {pipeline_mode = #tpu.pipeline_mode<synchronous>, transform_indices = @transform_2, window_bounds = array<i64: 1, 128>}, {transform_indices = @transform_3, window_bounds = array<i64: 2000, 128>}]} {
    %get3A = arith.constant 0 : index
    %get3A_0 = arith.constant 0 : index
    %get3A_1 = vector.load %arg1[%get3A, %get3A_0] : memref<2000x128xf32, #tpu.memory_space<vmem>>, vector<2000x128xf32>
    %get3A_2 = arith.constant 0 : index
    %get3A_3 = arith.constant 0 : index
    %get3A_4 = vector.load %arg2[%get3A_2, %get3A_3] : memref<128x128xf32, #tpu.memory_space<vmem>>, vector<128x128xf32>
    %dot_general3A = arith.constant dense<0.000000e+00> : vector<2000x128xf32>
    %dot_general3A_5 = tpu.matmul %get3A_1, %get3A_4, %dot_general3A {dimension_numbers = #tpu.dot_dimension_numbers<[1], [0], [0], [1], [0, 0, 1, 1], [], []>, transpose_lhs_hint = false} : vector<2000x128xf32>, vector<128x128xf32>, vector<2000x128xf32> -> vector<2000x128xf32>
    %get3A_6 = arith.constant 0 : index
    %get3A_7 = arith.constant 0 : index
    %get3A_8 = vector.load %arg3[%get3A_6, %get3A_7] : memref<1x128xf32, #tpu.memory_space<vmem>>, vector<1x128xf32>
    %add3A = vector.broadcast %get3A_8 : vector<1x128xf32> to vector<2000x128xf32>
    %add3A_9 = arith.addf %dot_general3A_5, %add3A : vector<2000x128xf32>
    %swap3A = arith.constant 0 : index
    %swap3A_10 = arith.constant 0 : index
    %swap3A_11 = vector.load %arg4[%swap3A, %swap3A_10] : memref<2000x128xf32, #tpu.memory_space<vmem>>, vector<2000x128xf32>
    tpu.vector_store %arg4[%swap3A, %swap3A_10], %add3A_9 {strides = array<i32>} : memref<2000x128xf32, #tpu.memory_space<vmem>>, vector<2000x128xf32>,
    return
  }
  func.func @transform_0(%arg0: i32) -> (i32, i32) {
    %c0_i32 = arith.constant 0 : i32
    %c0_i32_0 = arith.constant 0 : i32
    return %arg0, %c0_i32 : i32, i32
  }
  func.func @transform_1(%arg0: i32) -> (i32, i32) {
    %c0_i32 = arith.constant 0 : i32
    %c0_i32_0 = arith.constant 0 : i32
    %c0_i32_1 = arith.constant 0 : i32
    return %c0_i32, %c0_i32_0 : i32, i32
  }
  func.func @transform_2(%arg0: i32) -> (i32, i32) {
    %c0_i32 = arith.constant 0 : i32
    %c0_i32_0 = arith.constant 0 : i32
    %c0_i32_1 = arith.constant 0 : i32
    return %c0_i32, %c0_i32_0 : i32, i32
  }
  func.func @transform_3(%arg0: i32) -> (i32, i32) {
    %c0_i32 = arith.constant 0 : i32
    %c0_i32_0 = arith.constant 0 : i32
    return %arg0, %c0_i32 : i32, i32
  }
}

module attributes {stable_mosaic.version = 14 : i64} {
  func.func @body(%arg0: i32, %arg1: memref<2000x128xf32, #tpu.memory_space<vmem>>, %arg2: memref<2000x128xf32, #tpu.memory_space<vmem>>, %arg3: memref<2000x128xf32, #tpu.memory_space<vmem>>, %arg4: memref<128x128xf32, #tpu.memory_space<vmem>>, %arg5: memref<1x128xf32, #tpu.memory_space<vmem>>, %arg6: memref<1x128xf32, #tpu.memory_space<vmem>>, %arg7: memref<1x128xf32, #tpu.memory_space<vmem>>, %arg8: memref<128x128xf32, #tpu.memory_space<vmem>>, %arg9: memref<1x128xf32, #tpu.memory_space<vmem>>, %arg10: memref<2000x128xf32, #tpu.memory_space<vmem>>, %arg11: memref<2000x128xf32, #tpu.memory_space<vmem>>) attributes {dimension_semantics = [#tpu.dimension_semantics<arbitrary>], iteration_bounds = array<i64: 5>, scalar_prefetch = 0 : i64, scratch_operands = 0 : i64, tpu.core_type = #tpu.core_type<tc>, window_params = [{transform_indices = @transform_0, window_bounds = array<i64: 2000, 128>}, {transform_indices = @transform_1, window_bounds = array<i64: 2000, 128>}, {transform_indices = @transform_2, window_bounds = array<i64: 2000, 128>}, {pipeline_mode = #tpu.pipeline_mode<synchronous>, transform_indices = @transform_3, window_bounds = array<i64: 128, 128>}, {pipeline_mode = #tpu.pipeline_mode<synchronous>, transform_indices = @transform_4, window_bounds = array<i64: 1, 128>}, {pipeline_mode = #tpu.pipeline_mode<synchronous>, transform_indices = @transform_5, window_bounds = array<i64: 1, 128>}, {pipeline_mode = #tpu.pipeline_mode<synchronous>, transform_indices = @transform_6, window_bounds = array<i64: 1, 128>}, {pipeline_mode = #tpu.pipeline_mode<synchronous>, transform_indices = @transform_7, window_bounds = array<i64: 128, 128>}, {pipeline_mode = #tpu.pipeline_mode<synchronous>, transform_indices = @transform_8, window_bounds = array<i64: 1, 128>}, {transform_indices = @transform_9, window_bounds = array<i64: 2000, 128>}, {transform_indices = @transform_10, window_bounds = array<i64: 2000, 128>}]} {
    %get3A = arith.constant 0 : index
    %get3A_0 = arith.constant 0 : index
    %get3A_1 = vector.load %arg1[%get3A, %get3A_0] : memref<2000x128xf32, #tpu.memory_space<vmem>>, vector<2000x128xf32>
    %get3A_2 = arith.constant 0 : index
    %get3A_3 = arith.constant 0 : index
    %get3A_4 = vector.load %arg4[%get3A_2, %get3A_3] : memref<128x128xf32, #tpu.memory_space<vmem>>, vector<128x128xf32>
    %dot_general3A = arith.constant dense<0.000000e+00> : vector<2000x128xf32>
    %dot_general3A_5 = tpu.matmul %get3A_1, %get3A_4, %dot_general3A {dimension_numbers = #tpu.dot_dimension_numbers<[1], [0], [0], [1], [0, 0, 1, 1], [], []>, transpose_lhs_hint = false} : vector<2000x128xf32>, vector<128x128xf32>, vector<2000x128xf32> -> vector<2000x128xf32>
    %get3A_6 = arith.constant 0 : index
    %get3A_7 = arith.constant 0 : index
    %get3A_8 = vector.load %arg5[%get3A_6, %get3A_7] : memref<1x128xf32, #tpu.memory_space<vmem>>, vector<1x128xf32>
    %add3A = vector.broadcast %get3A_8 : vector<1x128xf32> to vector<2000x128xf32>
    %add3A_9 = arith.addf %dot_general3A_5, %add3A : vector<2000x128xf32>
    %get3A_10 = arith.constant 0 : index
    %get3A_11 = arith.constant 0 : index
    %get3A_12 = vector.load %arg2[%get3A_10, %get3A_11] : memref<2000x128xf32, #tpu.memory_space<vmem>>, vector<2000x128xf32>
    %add3A_13 = arith.addf %add3A_9, %get3A_12 : vector<2000x128xf32>
    %get3A_14 = arith.constant 0 : index
    %get3A_15 = arith.constant 0 : index
    %get3A_16 = vector.load %arg3[%get3A_14, %get3A_15] : memref<2000x128xf32, #tpu.memory_space<vmem>>, vector<2000x128xf32>
    %add3A_17 = arith.addf %add3A_13, %get3A_16 : vector<2000x128xf32>
    %max3A = arith.constant 0.000000e+00 : f32
    %max3A_18 = vector.broadcast %max3A : f32 to vector<2000x128xf32>
    %max3A_19 = arith.maximumf %add3A_17, %max3A_18 : vector<2000x128xf32>
    %reduce_sum3A = arith.constant dense<0.000000e+00> : vector<2000xf32>
    %reduce_sum3A_20 = vector.multi_reduction <add>, %max3A_19, %reduce_sum3A [1] : vector<2000x128xf32> to vector<2000xf32>
    %broadcast_in_dim3A = vector.shape_cast %reduce_sum3A_20 : vector<2000xf32> to vector<2000x1xf32>
    %div3A = arith.constant 1.280000e+02 : f32
    %div3A_21 = vector.broadcast %div3A : f32 to vector<2000x1xf32>
    %div3A_22 = arith.divf %broadcast_in_dim3A, %div3A_21 : vector<2000x1xf32>
    %sub3A = vector.broadcast %div3A_22 : vector<2000x1xf32> to vector<2000x128xf32>
    %sub3A_23 = arith.subf %max3A_19, %sub3A : vector<2000x128xf32>
    %integer_pow3A = arith.mulf %sub3A_23, %sub3A_23 : vector<2000x128xf32>
    %reduce_sum3A_24 = arith.constant dense<0.000000e+00> : vector<2000xf32>
    %reduce_sum3A_25 = vector.multi_reduction <add>, %integer_pow3A, %reduce_sum3A_24 [1] : vector<2000x128xf32> to vector<2000xf32>
    %broadcast_in_dim3A_26 = vector.shape_cast %reduce_sum3A_25 : vector<2000xf32> to vector<2000x1xf32>
    %div3A_27 = arith.constant 1.280000e+02 : f32
    %div3A_28 = vector.broadcast %div3A_27 : f32 to vector<2000x1xf32>
    %div3A_29 = arith.divf %broadcast_in_dim3A_26, %div3A_28 : vector<2000x1xf32>
    %sub3A_30 = vector.broadcast %div3A_22 : vector<2000x1xf32> to vector<2000x128xf32>
    %sub3A_31 = arith.subf %max3A_19, %sub3A_30 : vector<2000x128xf32>
    %add3A_32 = arith.constant 9.99999974E-6 : f32
    %add3A_33 = vector.broadcast %add3A_32 : f32 to vector<2000x1xf32>
    %add3A_34 = arith.addf %div3A_29, %add3A_33 : vector<2000x1xf32>
    %rsqrt3A = math.rsqrt %add3A_34 : vector<2000x1xf32>
    %mul3A = vector.broadcast %rsqrt3A : vector<2000x1xf32> to vector<2000x128xf32>
    %mul3A_35 = arith.mulf %sub3A_31, %mul3A : vector<2000x128xf32>
    %get3A_36 = arith.constant 0 : index
    %get3A_37 = arith.constant 0 : index
    %get3A_38 = vector.load %arg6[%get3A_36, %get3A_37] : memref<1x128xf32, #tpu.memory_space<vmem>>, vector<1x128xf32>
    %mul3A_39 = vector.broadcast %get3A_38 : vector<1x128xf32> to vector<2000x128xf32>
    %mul3A_40 = arith.mulf %mul3A_35, %mul3A_39 : vector<2000x128xf32>
    %get3A_41 = arith.constant 0 : index
    %get3A_42 = arith.constant 0 : index
    %get3A_43 = vector.load %arg7[%get3A_41, %get3A_42] : memref<1x128xf32, #tpu.memory_space<vmem>>, vector<1x128xf32>
    %add3A_44 = vector.broadcast %get3A_43 : vector<1x128xf32> to vector<2000x128xf32>
    %add3A_45 = arith.addf %mul3A_40, %add3A_44 : vector<2000x128xf32>
    %swap3A = arith.constant 0 : index
    %swap3A_46 = arith.constant 0 : index
    %swap3A_47 = vector.load %arg10[%swap3A, %swap3A_46] : memref<2000x128xf32, #tpu.memory_space<vmem>>, vector<2000x128xf32>
    tpu.vector_store %arg10[%swap3A, %swap3A_46], %add3A_45 {strides = array<i32>} : memref<2000x128xf32, #tpu.memory_space<vmem>>, vector<2000x128xf32>,
    %get3A_48 = arith.constant 0 : index
    %get3A_49 = arith.constant 0 : index
    %get3A_50 = vector.load %arg8[%get3A_48, %get3A_49] : memref<128x128xf32, #tpu.memory_space<vmem>>, vector<128x128xf32>
    %dot_general3A_51 = arith.constant dense<0.000000e+00> : vector<2000x128xf32>
    %dot_general3A_52 = tpu.matmul %add3A_45, %get3A_50, %dot_general3A_51 {dimension_numbers = #tpu.dot_dimension_numbers<[1], [0], [0], [1], [0, 0, 1, 1], [], []>, transpose_lhs_hint = false} : vector<2000x128xf32>, vector<128x128xf32>, vector<2000x128xf32> -> vector<2000x128xf32>
    %get3A_53 = arith.constant 0 : index
    %get3A_54 = arith.constant 0 : index
    %get3A_55 = vector.load %arg9[%get3A_53, %get3A_54] : memref<1x128xf32, #tpu.memory_space<vmem>>, vector<1x128xf32>
    %add3A_56 = vector.broadcast %get3A_55 : vector<1x128xf32> to vector<2000x128xf32>
    %add3A_57 = arith.addf %dot_general3A_52, %add3A_56 : vector<2000x128xf32>
    %swap3A_58 = arith.constant 0 : index
    %swap3A_59 = arith.constant 0 : index
    %swap3A_60 = vector.load %arg11[%swap3A_58, %swap3A_59] : memref<2000x128xf32, #tpu.memory_space<vmem>>, vector<2000x128xf32>
    tpu.vector_store %arg11[%swap3A_58, %swap3A_59], %add3A_57 {strides = array<i32>} : memref<2000x128xf32, #tpu.memory_space<vmem>>, vector<2000x128xf32>,
    return
  }
  func.func @transform_0(%arg0: i32) -> (i32, i32) {
    %c0_i32 = arith.constant 0 : i32
    %c0_i32_0 = arith.constant 0 : i32
    return %arg0, %c0_i32 : i32, i32
  }
  func.func @transform_1(%arg0: i32) -> (i32, i32) {
    %c0_i32 = arith.constant 0 : i32
    %c0_i32_0 = arith.constant 0 : i32
    return %arg0, %c0_i32 : i32, i32
  }
  func.func @transform_2(%arg0: i32) -> (i32, i32) {
    %c0_i32 = arith.constant 0 : i32
    %c0_i32_0 = arith.constant 0 : i32
    return %arg0, %c0_i32 : i32, i32
  }
  func.func @transform_3(%arg0: i32) -> (i32, i32) {
    %c0_i32 = arith.constant 0 : i32
    %c0_i32_0 = arith.constant 0 : i32
    %c0_i32_1 = arith.constant 0 : i32
    return %c0_i32, %c0_i32_0 : i32, i32
  }
  func.func @transform_4(%arg0: i32) -> (i32, i32) {
    %c0_i32 = arith.constant 0 : i32
    %c0_i32_0 = arith.constant 0 : i32
    %c0_i32_1 = arith.constant 0 : i32
    return %c0_i32, %c0_i32_0 : i32, i32
  }
  func.func @transform_5(%arg0: i32) -> (i32, i32) {
    %c0_i32 = arith.constant 0 : i32
    %c0_i32_0 = arith.constant 0 : i32
    %c0_i32_1 = arith.constant 0 : i32
    return %c0_i32, %c0_i32_0 : i32, i32
  }
  func.func @transform_6(%arg0: i32) -> (i32, i32) {
    %c0_i32 = arith.constant 0 : i32
    %c0_i32_0 = arith.constant 0 : i32
    %c0_i32_1 = arith.constant 0 : i32
    return %c0_i32, %c0_i32_0 : i32, i32
  }
  func.func @transform_7(%arg0: i32) -> (i32, i32) {
    %c0_i32 = arith.constant 0 : i32
    %c0_i32_0 = arith.constant 0 : i32
    %c0_i32_1 = arith.constant 0 : i32
    return %c0_i32, %c0_i32_0 : i32, i32
  }
  func.func @transform_8(%arg0: i32) -> (i32, i32) {
    %c0_i32 = arith.constant 0 : i32
    %c0_i32_0 = arith.constant 0 : i32
    %c0_i32_1 = arith.constant 0 : i32
    return %c0_i32, %c0_i32_0 : i32, i32
  }
  func.func @transform_9(%arg0: i32) -> (i32, i32) {
    %c0_i32 = arith.constant 0 : i32
    %c0_i32_0 = arith.constant 0 : i32
    return %arg0, %c0_i32 : i32, i32
  }
  func.func @transform_10(%arg0: i32) -> (i32, i32) {
    %c0_i32 = arith.constant 0 : i32
    %c0_i32_0 = arith.constant 0 : i32
    return %arg0, %c0_i32 : i32, i32
  }
}

module attributes {stable_mosaic.version = 14 : i64} {
  func.func @body(%arg0: i32, %arg1: memref<2000x128xf32, #tpu.memory_space<vmem>>, %arg2: memref<2000x128xf32, #tpu.memory_space<vmem>>, %arg3: memref<2000x128xf32, #tpu.memory_space<vmem>>, %arg4: memref<128x128xf32, #tpu.memory_space<vmem>>, %arg5: memref<1x128xf32, #tpu.memory_space<vmem>>, %arg6: memref<2000x1xi32, #tpu.memory_space<vmem>>, %arg7: memref<128x128xf32, #tpu.memory_space<vmem>>, %arg8: memref<1x128xf32, #tpu.memory_space<vmem>>, %arg9: memref<128x128xf32, #tpu.memory_space<vmem>>, %arg10: memref<1x128xf32, #tpu.memory_space<vmem>>, %arg11: memref<64x128xf32, #tpu.memory_space<vmem>>, %arg12: memref<64x128xf32, #tpu.memory_space<vmem>>, %arg13: memref<64x128xf32, #tpu.memory_space<vmem>>) attributes {dimension_semantics = [#tpu.dimension_semantics<arbitrary>], iteration_bounds = array<i64: 5>, scalar_prefetch = 0 : i64, scratch_operands = 2 : i64, tpu.core_type = #tpu.core_type<tc>, window_params = [{transform_indices = @transform_0, window_bounds = array<i64: 2000, 128>}, {transform_indices = @transform_1, window_bounds = array<i64: 2000, 128>}, {transform_indices = @transform_2, window_bounds = array<i64: 2000, 128>}, {pipeline_mode = #tpu.pipeline_mode<synchronous>, transform_indices = @transform_3, window_bounds = array<i64: 128, 128>}, {pipeline_mode = #tpu.pipeline_mode<synchronous>, transform_indices = @transform_4, window_bounds = array<i64: 1, 128>}, {transform_indices = @transform_5, window_bounds = array<i64: 2000, 1>}, {pipeline_mode = #tpu.pipeline_mode<synchronous>, transform_indices = @transform_6, window_bounds = array<i64: 128, 128>}, {pipeline_mode = #tpu.pipeline_mode<synchronous>, transform_indices = @transform_7, window_bounds = array<i64: 1, 128>}, {pipeline_mode = #tpu.pipeline_mode<synchronous>, transform_indices = @transform_8, window_bounds = array<i64: 128, 128>}, {pipeline_mode = #tpu.pipeline_mode<synchronous>, transform_indices = @transform_9, window_bounds = array<i64: 1, 128>}, {pipeline_mode = #tpu.pipeline_mode<synchronous>, transform_indices = @transform_10, window_bounds = array<i64: 64, 128>}]} {
    %eq3A = arith.constant 0 : i32
    %eq3A_0 = arith.cmpi eq, %arg0, %eq3A : i32
    %convert_element_type3A = arith.extui %eq3A_0 : i1 to i32
    %cond3A = arith.constant 0 : i32
    %cond3A_1 = arith.cmpi ne, %convert_element_type3A, %cond3A : i32
    scf.if %cond3A_1 {
      %broadcast_in_dim3A_52 = arith.constant 0.000000e+00 : f32
      %broadcast_in_dim3A_53 = vector.broadcast %broadcast_in_dim3A_52 : f32 to vector<64x128xf32>
      %swap3A_54 = arith.constant 0 : index
      %swap3A_55 = arith.constant 0 : index
      %swap3A_56 = vector.load %arg12[%swap3A_54, %swap3A_55] : memref<64x128xf32, #tpu.memory_space<vmem>>, vector<64x128xf32>
      tpu.vector_store %arg12[%swap3A_54, %swap3A_55], %broadcast_in_dim3A_53 {strides = array<i32>} : memref<64x128xf32, #tpu.memory_space<vmem>>, vector<64x128xf32>,
      %broadcast_in_dim3A_57 = arith.constant 0.000000e+00 : f32
      %broadcast_in_dim3A_58 = vector.broadcast %broadcast_in_dim3A_57 : f32 to vector<64x128xf32>
      %swap3A_59 = arith.constant 0 : index
      %swap3A_60 = arith.constant 0 : index
      %swap3A_61 = vector.load %arg13[%swap3A_59, %swap3A_60] : memref<64x128xf32, #tpu.memory_space<vmem>>, vector<64x128xf32>
      tpu.vector_store %arg13[%swap3A_59, %swap3A_60], %broadcast_in_dim3A_58 {strides = array<i32>} : memref<64x128xf32, #tpu.memory_space<vmem>>, vector<64x128xf32>,
    } else {
    }
    %get3A = arith.constant 0 : index
    %get3A_2 = arith.constant 0 : index
    %get3A_3 = vector.load %arg1[%get3A, %get3A_2] : memref<2000x128xf32, #tpu.memory_space<vmem>>, vector<2000x128xf32>
    %get3A_4 = arith.constant 0 : index
    %get3A_5 = arith.constant 0 : index
    %get3A_6 = vector.load %arg4[%get3A_4, %get3A_5] : memref<128x128xf32, #tpu.memory_space<vmem>>, vector<128x128xf32>
    %dot_general3A = arith.constant dense<0.000000e+00> : vector<2000x128xf32>
    %dot_general3A_7 = tpu.matmul %get3A_3, %get3A_6, %dot_general3A {dimension_numbers = #tpu.dot_dimension_numbers<[1], [0], [0], [1], [0, 0, 1, 1], [], []>, transpose_lhs_hint = false} : vector<2000x128xf32>, vector<128x128xf32>, vector<2000x128xf32> -> vector<2000x128xf32>
    %get3A_8 = arith.constant 0 : index
    %get3A_9 = arith.constant 0 : index
    %get3A_10 = vector.load %arg5[%get3A_8, %get3A_9] : memref<1x128xf32, #tpu.memory_space<vmem>>, vector<1x128xf32>
    %add3A = vector.broadcast %get3A_10 : vector<1x128xf32> to vector<2000x128xf32>
    %add3A_11 = arith.addf %dot_general3A_7, %add3A : vector<2000x128xf32>
    %get3A_12 = arith.constant 0 : index
    %get3A_13 = arith.constant 0 : index
    %get3A_14 = vector.load %arg2[%get3A_12, %get3A_13] : memref<2000x128xf32, #tpu.memory_space<vmem>>, vector<2000x128xf32>
    %add3A_15 = arith.addf %add3A_11, %get3A_14 : vector<2000x128xf32>
    %get3A_16 = arith.constant 0 : index
    %get3A_17 = arith.constant 0 : index
    %get3A_18 = vector.load %arg3[%get3A_16, %get3A_17] : memref<2000x128xf32, #tpu.memory_space<vmem>>, vector<2000x128xf32>
    %add3A_19 = arith.addf %add3A_15, %get3A_18 : vector<2000x128xf32>
    %max3A = arith.constant 0.000000e+00 : f32
    %max3A_20 = vector.broadcast %max3A : f32 to vector<2000x128xf32>
    %max3A_21 = arith.maximumf %add3A_19, %max3A_20 : vector<2000x128xf32>
    %get3A_22 = arith.constant 0 : index
    %get3A_23 = arith.constant 0 : index
    %get3A_24 = vector.load %arg6[%get3A_22, %get3A_23] : memref<2000x1xi32, #tpu.memory_space<vmem>>, vector<2000x1xi32>
    %iota3A = tpu.iota {dimensions = array<i32: 1>} : vector<2000x64xi32>
    %eq3A_25 = vector.broadcast %get3A_24 : vector<2000x1xi32> to vector<2000x64xi32>
    %eq3A_26 = arith.cmpi eq, %eq3A_25, %iota3A : vector<2000x64xi32>
    %convert_element_type3A_27 = arith.extui %eq3A_26 : vector<2000x64xi1> to vector<2000x64xi32>
    %convert_element_type3A_28 = arith.sitofp %convert_element_type3A_27 : vector<2000x64xi32> to vector<2000x64xf32>
    %get3A_29 = arith.constant 0 : index
    %get3A_30 = arith.constant 0 : index
    %get3A_31 = vector.load %arg12[%get3A_29, %get3A_30] : memref<64x128xf32, #tpu.memory_space<vmem>>, vector<64x128xf32>
    %dot_general3A_32 = arith.constant dense<0.000000e+00> : vector<64x128xf32>
    %dot_general3A_33 = tpu.matmul %convert_element_type3A_28, %max3A_21, %dot_general3A_32 {dimension_numbers = #tpu.dot_dimension_numbers<[0], [0], [1], [1], [0, 1, 1, 1], [], []>, transpose_lhs_hint = false} : vector<2000x64xf32>, vector<2000x128xf32>, vector<64x128xf32> -> vector<64x128xf32>
    %add3A_34 = arith.addf %get3A_31, %dot_general3A_33 : vector<64x128xf32>
    %swap3A = arith.constant 0 : index
    %swap3A_35 = arith.constant 0 : index
    %swap3A_36 = vector.load %arg12[%swap3A, %swap3A_35] : memref<64x128xf32, #tpu.memory_space<vmem>>, vector<64x128xf32>
    tpu.vector_store %arg12[%swap3A, %swap3A_35], %add3A_34 {strides = array<i32>} : memref<64x128xf32, #tpu.memory_space<vmem>>, vector<64x128xf32>,
    %get3A_37 = arith.constant 0 : index
    %get3A_38 = arith.constant 0 : index
    %get3A_39 = vector.load %arg13[%get3A_37, %get3A_38] : memref<64x128xf32, #tpu.memory_space<vmem>>, vector<64x128xf32>
    %broadcast_in_dim3A = arith.constant 1.000000e+00 : f32
    %broadcast_in_dim3A_40 = vector.broadcast %broadcast_in_dim3A : f32 to vector<2000x128xf32>
    %dot_general3A_41 = arith.constant dense<0.000000e+00> : vector<64x128xf32>
    %dot_general3A_42 = tpu.matmul %convert_element_type3A_28, %broadcast_in_dim3A_40, %dot_general3A_41 {dimension_numbers = #tpu.dot_dimension_numbers<[0], [0], [1], [1], [0, 1, 1, 1], [], []>, transpose_lhs_hint = false} : vector<2000x64xf32>, vector<2000x128xf32>, vector<64x128xf32> -> vector<64x128xf32>
    %add3A_43 = arith.addf %get3A_39, %dot_general3A_42 : vector<64x128xf32>
    %swap3A_44 = arith.constant 0 : index
    %swap3A_45 = arith.constant 0 : index
    %swap3A_46 = vector.load %arg13[%swap3A_44, %swap3A_45] : memref<64x128xf32, #tpu.memory_space<vmem>>, vector<64x128xf32>
    tpu.vector_store %arg13[%swap3A_44, %swap3A_45], %add3A_43 {strides = array<i32>} : memref<64x128xf32, #tpu.memory_space<vmem>>, vector<64x128xf32>,
    %eq3A_47 = arith.constant 4 : i32
    %eq3A_48 = arith.cmpi eq, %arg0, %eq3A_47 : i32
    %convert_element_type3A_49 = arith.extui %eq3A_48 : i1 to i32
    %cond3A_50 = arith.constant 0 : i32
    %cond3A_51 = arith.cmpi ne, %convert_element_type3A_49, %cond3A_50 : i32
    scf.if %cond3A_51 {
      %get3A_52 = arith.constant 0 : index
      %get3A_53 = arith.constant 0 : index
      %get3A_54 = vector.load %arg12[%get3A_52, %get3A_53] : memref<64x128xf32, #tpu.memory_space<vmem>>, vector<64x128xf32>
      %get3A_55 = arith.constant 0 : index
      %get3A_56 = arith.constant 0 : index
      %get3A_57 = vector.load %arg13[%get3A_55, %get3A_56] : memref<64x128xf32, #tpu.memory_space<vmem>>, vector<64x128xf32>
      %max3A_58 = arith.constant 1.000000e+00 : f32
      %max3A_59 = vector.broadcast %max3A_58 : f32 to vector<64x128xf32>
      %max3A_60 = arith.maximumf %get3A_57, %max3A_59 : vector<64x128xf32>
      %div3A = arith.divf %get3A_54, %max3A_60 : vector<64x128xf32>
      %get3A_61 = arith.constant 0 : index
      %get3A_62 = arith.constant 0 : index
      %get3A_63 = vector.load %arg7[%get3A_61, %get3A_62] : memref<128x128xf32, #tpu.memory_space<vmem>>, vector<128x128xf32>
      %dot_general3A_64 = arith.constant dense<0.000000e+00> : vector<64x128xf32>
      %dot_general3A_65 = tpu.matmul %div3A, %get3A_63, %dot_general3A_64 {dimension_numbers = #tpu.dot_dimension_numbers<[1], [0], [0], [1], [0, 0, 1, 1], [], []>, transpose_lhs_hint = false} : vector<64x128xf32>, vector<128x128xf32>, vector<64x128xf32> -> vector<64x128xf32>
      %get3A_66 = arith.constant 0 : index
      %get3A_67 = arith.constant 0 : index
      %get3A_68 = vector.load %arg8[%get3A_66, %get3A_67] : memref<1x128xf32, #tpu.memory_space<vmem>>, vector<1x128xf32>
      %add3A_69 = vector.broadcast %get3A_68 : vector<1x128xf32> to vector<64x128xf32>
      %add3A_70 = arith.addf %dot_general3A_65, %add3A_69 : vector<64x128xf32>
      %get3A_71 = arith.constant 0 : index
      %get3A_72 = arith.constant 0 : index
      %get3A_73 = vector.load %arg9[%get3A_71, %get3A_72] : memref<128x128xf32, #tpu.memory_space<vmem>>, vector<128x128xf32>
      %dot_general3A_74 = arith.constant dense<0.000000e+00> : vector<64x128xf32>
      %dot_general3A_75 = tpu.matmul %add3A_70, %get3A_73, %dot_general3A_74 {dimension_numbers = #tpu.dot_dimension_numbers<[1], [0], [0], [1], [0, 0, 1, 1], [], []>, transpose_lhs_hint = false} : vector<64x128xf32>, vector<128x128xf32>, vector<64x128xf32> -> vector<64x128xf32>
      %get3A_76 = arith.constant 0 : index
      %get3A_77 = arith.constant 0 : index
      %get3A_78 = vector.load %arg10[%get3A_76, %get3A_77] : memref<1x128xf32, #tpu.memory_space<vmem>>, vector<1x128xf32>
      %add3A_79 = vector.broadcast %get3A_78 : vector<1x128xf32> to vector<64x128xf32>
      %add3A_80 = arith.addf %dot_general3A_75, %add3A_79 : vector<64x128xf32>
      %iota3A_81 = tpu.iota {dimensions = array<i32: 1>} : vector<64x128xi32>
      %lt3A = arith.constant 10 : i32
      %lt3A_82 = vector.broadcast %lt3A : i32 to vector<64x128xi32>
      %lt3A_83 = arith.cmpi slt, %iota3A_81, %lt3A_82 : vector<64x128xi32>
      %jit3A = arith.constant -1.000000e+30 : f32
      %broadcast_in_dim3A_84 = vector.broadcast %jit3A : f32 to vector<64x128xf32>
      %select_n3A = arith.select %lt3A_83, %add3A_80, %broadcast_in_dim3A_84 : vector<64x128xi1>, vector<64x128xf32>
      %reduce_max3A = arith.constant dense<0xFF800000> : vector<64xf32>
      %reduce_max3A_85 = vector.multi_reduction <maximumf>, %select_n3A, %reduce_max3A [1] : vector<64x128xf32> to vector<64xf32>
      %broadcast_in_dim3A_86 = vector.shape_cast %reduce_max3A_85 : vector<64xf32> to vector<64x1xf32>
      %sub3A = vector.broadcast %broadcast_in_dim3A_86 : vector<64x1xf32> to vector<64x128xf32>
      %sub3A_87 = arith.subf %add3A_80, %sub3A : vector<64x128xf32>
      %exp3A = math.exp %sub3A_87 : vector<64x128xf32>
      %jit3A_88 = arith.constant 0.000000e+00 : f32
      %broadcast_in_dim3A_89 = vector.broadcast %jit3A_88 : f32 to vector<64x128xf32>
      %select_n3A_90 = arith.select %lt3A_83, %exp3A, %broadcast_in_dim3A_89 : vector<64x128xi1>, vector<64x128xf32>
      %reduce_sum3A = arith.constant dense<0.000000e+00> : vector<64xf32>
      %reduce_sum3A_91 = vector.multi_reduction <add>, %select_n3A_90, %reduce_sum3A [1] : vector<64x128xf32> to vector<64xf32>
      %broadcast_in_dim3A_92 = vector.shape_cast %reduce_sum3A_91 : vector<64xf32> to vector<64x1xf32>
      %log3A = math.log %broadcast_in_dim3A_92 : vector<64x1xf32>
      %add3A_93 = arith.addf %log3A, %broadcast_in_dim3A_86 : vector<64x1xf32>
      %sub3A_94 = vector.broadcast %add3A_93 : vector<64x1xf32> to vector<64x128xf32>
      %sub3A_95 = arith.subf %add3A_80, %sub3A_94 : vector<64x128xf32>
      %swap3A_96 = arith.constant 0 : index
      %swap3A_97 = arith.constant 0 : index
      %swap3A_98 = vector.load %arg11[%swap3A_96, %swap3A_97] : memref<64x128xf32, #tpu.memory_space<vmem>>, vector<64x128xf32>
      tpu.vector_store %arg11[%swap3A_96, %swap3A_97], %sub3A_95 {strides = array<i32>} : memref<64x128xf32, #tpu.memory_space<vmem>>, vector<64x128xf32>,
    } else {
    }
    return
  }
  func.func @transform_0(%arg0: i32) -> (i32, i32) {
    %c0_i32 = arith.constant 0 : i32
    %c0_i32_0 = arith.constant 0 : i32
    return %arg0, %c0_i32 : i32, i32
  }
  func.func @transform_1(%arg0: i32) -> (i32, i32) {
    %c0_i32 = arith.constant 0 : i32
    %c0_i32_0 = arith.constant 0 : i32
    return %arg0, %c0_i32 : i32, i32
  }
  func.func @transform_2(%arg0: i32) -> (i32, i32) {
    %c0_i32 = arith.constant 0 : i32
    %c0_i32_0 = arith.constant 0 : i32
    return %arg0, %c0_i32 : i32, i32
  }
  func.func @transform_3(%arg0: i32) -> (i32, i32) {
    %c0_i32 = arith.constant 0 : i32
    %c0_i32_0 = arith.constant 0 : i32
    %c0_i32_1 = arith.constant 0 : i32
    return %c0_i32, %c0_i32_0 : i32, i32
  }
  func.func @transform_4(%arg0: i32) -> (i32, i32) {
    %c0_i32 = arith.constant 0 : i32
    %c0_i32_0 = arith.constant 0 : i32
    %c0_i32_1 = arith.constant 0 : i32
    return %c0_i32, %c0_i32_0 : i32, i32
  }
  func.func @transform_5(%arg0: i32) -> (i32, i32) {
    %c0_i32 = arith.constant 0 : i32
    %c0_i32_0 = arith.constant 0 : i32
    return %arg0, %c0_i32 : i32, i32
  }
  func.func @transform_6(%arg0: i32) -> (i32, i32) {
    %c0_i32 = arith.constant 0 : i32
    %c0_i32_0 = arith.constant 0 : i32
    %c0_i32_1 = arith.constant 0 : i32
    return %c0_i32, %c0_i32_0 : i32, i32
  }
  func.func @transform_7(%arg0: i32) -> (i32, i32) {
    %c0_i32 = arith.constant 0 : i32
    %c0_i32_0 = arith.constant 0 : i32
    %c0_i32_1 = arith.constant 0 : i32
    return %c0_i32, %c0_i32_0 : i32, i32
  }
  func.func @transform_8(%arg0: i32) -> (i32, i32) {
    %c0_i32 = arith.constant 0 : i32
    %c0_i32_0 = arith.constant 0 : i32
    %c0_i32_1 = arith.constant 0 : i32
    return %c0_i32, %c0_i32_0 : i32, i32
  }
  func.func @transform_9(%arg0: i32) -> (i32, i32) {
    %c0_i32 = arith.constant 0 : i32
    %c0_i32_0 = arith.constant 0 : i32
    %c0_i32_1 = arith.constant 0 : i32
    return %c0_i32, %c0_i32_0 : i32, i32
  }
  func.func @transform_10(%arg0: i32) -> (i32, i32) {
    %c0_i32 = arith.constant 0 : i32
    %c0_i32_0 = arith.constant 0 : i32
    %c0_i32_1 = arith.constant 0 : i32
    return %c0_i32, %c0_i32_0 : i32, i32
  }
}

</mosaic_0001>

<sc_bundles>
// kernel: kernel.12.cloned.1.call-start
scs
__scs_entry_jumppad:
0x0: {  	(pc) =	sbr.rel $0x88, $3  }
0x1: {  	(tag) =	ssettag $0x0;
	lr =	simm.s32 $0x1  }
0x2: {  	[smem:$0x3F8A] =	sst lr;
	_ =	strace $0xD0000000  }
0x3: {  	_ = 	snop  }
0x4: {  	_ = 	snop  }
0x5: {  	_ = 	snop  }
0x6: {  	_ = 	snop  }
0x7: {  	_ = 	snop  }
__scs_overlays_trampoline_lowered:
0x8: {  	[smem:$0x3F99] =	sst s0  }
0x9: {  	[smem:$0x3F9A] =	sst s1  }
0xa: {  	[smem:$0x3F9B] =	sst s2  }
0xb: {  	[smem:$0x3F9C] =	sst s3  }
0xc: {  	[smem:$0x3F9D] =	sst s4  }
0xd: {  	[smem:$0x3F9E] =	sst s5  }
0xe: {  	[smem:$0x3F9F] =	sst s6  }
0xf: {  	[smem:$0x3FA0] =	sst s7  }
0x10: {  	[smem:$0x3FA1] =	sst s8  }
0x11: {  	[smem:$0x3FA2] =	sst s9;
	s0 =	simm.s32 @!p0 $0x0  }
0x12: {  	s1 =	sld [smem:$0x3F88];
	s0 =	simm.s32 @p0 $0x1  }
0x13: {  	[smem:$0x3FA3] =	sst s0;
	s0 =	simm.s32 @!p1 $0x0  }
0x14: {  	s2 =	sld [smem:$0x3F87];
	s0 =	simm.s32 @p1 $0x1  }
0x15: {  	[smem:$0x3FA4] =	sst s0;
	s0 =	simm.s32 @!p2 $0x0  }
0x16: {  	s3 =	sld [smem:$0x3FDB];
	s0 =	simm.s32 @p2 $0x1  }
0x17: {  	s4 =	simm.s32 $0x1BF5;
	[smem:$0x3FA6] =	sst s0  }
0x18: {  	s0 =	sld [smem:$0x3F89];
	_ =	swait.ge [sflag:s4], $0x0  }
0x19: {  	s7 =	sld [smem:$0x3F8A]  }
0x1a: {  	s8 =	sadd.s32 $0xFFFFE003, lr  }
0x1b: {  	s9 =	sadd.s32 $0xFFFFFEF7, lr;
	s5 =	simm.s32 $0xFFFFFFFF;
	p2 =	slt.u32 s8, $0xFFFFF086  }
0x1c: {  	p1 =	slt.u32 s9, $0xF7A;
	s5 =	simm.s32 @!p2 $0x0  }
0x1d: {  	s5 =	simm.s32 @p1 $0x1;
	p0 =	seq.s32 s7, s2  }
0x1e: {  	s7 =	smul.u32 @!p0 $0xF7A, s2;
	p2 =	seq.s32 @!p0 s5, $0x0  }
0x1f: {  	s9 =	smul.u32 $0xF7A, s1;
	s8 =	simm.s32 @!p0 $0x1BF5;
	p2 =	por !p2, p0  }
0x20: {  	[sflag:s8] =	ssyncset.s32 @!p0 $0xFFFFF086;
	s6 =	sadd.s32 @!p0 s3, s7;
	s7 =	simm.s32 @!p0 $0x108  }
0x21: {  	s3 =	sadd.s32 s3, s9;
	s6 =	sadd.s32 @!p0 $0x88, s6;
	s7 =	simm.s32 @p2 $0x1082  }
0x22: {  	[simem:s7], [sflag:s8] =	dma.local @!p0 [hbm:s6], $0xF7A  }
0x23: {  	s9 =	sor.u32 $0xD0000000, s2;
	s6 =	simm.s32 $0x108;
	_ =	swait.ge @!p0 [sflag:s8], $0x0  }
0x24: {  	s3 =	sadd.s32 $0x88, s3;
	s6 =	simm.s32 @!p1 $0x1082;
	[sflag:s4] =	ssyncset.s32 $0xFFFFF086  }
0x25: {  	[simem:s6], [sflag:s4] =	dma.local [hbm:s3], $0xF7A  }
0x26: {  	[smem:$0x3F8A] =	sst s1;
	(tag) =	ssettag s2;
	_ =	strace s9  }
0x27: {  	s1 =	sld [smem:$0x3F9A]  }
0x28: {  	s2 =	sld [smem:$0x3F9B]  }
0x29: {  	s4 =	sld [smem:$0x3F9D]  }
0x2a: {  	p0 =	seq.s32 s5, $0x0;
	s5 =	sld [smem:$0x3F9E]  }
0x2b: {  	s6 =	sld [smem:$0x3F9F]  }
0x2c: {  	s7 =	sld [smem:$0x3FA0]  }
0x2d: {  	s3 =	simm.s32 $0x108;
	s8 =	sld [smem:$0x3FA1]  }
0x2e: {  	s3 =	simm.s32 @!p0 $0x1082;
	s9 =	sld [smem:$0x3FA2]  }
0x2f: {  	lr =	sadd.s32 s0, s3;
	s0 =	sld [smem:$0x3F99]  }
0x30: {  	s3 =	sld [smem:$0x3F9C]  }
0x31: {  	[smem:$0x3FA5] =	sst s10  }
0x32: {  	s10 =	sld [smem:$0x3FA3];
	_ =	sdelay $0x3  }
0x33: {  	p0 =	seq.s32 s10, $0x1;
	s10 =	sld [smem:$0x3FA5];
	_ =	sdelay $0x3  }
0x34: {  	[smem:$0x3FA5] =	sst s10  }
0x35: {  	s10 =	sld [smem:$0x3FA4];
	_ =	sdelay $0x3  }
0x36: {  	p1 =	seq.s32 s10, $0x1;
	s10 =	sld [smem:$0x3FA5];
	_ =	sdelay $0x3  }
0x37: {  	[smem:$0x3FA5] =	sst s10  }
0x38: {  	s10 =	sld [smem:$0x3FA6]  }
0x39: {  	_ = 	snop;
	(pc) =	sbr.ind lr, $3  }
0x3a: {  	_ = 	snop  }
0x3b: {  	_ = 	snop  }
0x3c: {  	p2 =	seq.s32 s10, $0x1;
	s10 =	sld [smem:$0x3FA5]  }
0x3d: {  	_ =	shalt  }
0x3e: {  	_ =	shalt  }
0x3f: {  	_ =	shalt  }
0x40: {  	_ =	shalt  }
0x41: {  	_ =	shalt  }
0x42: {  	_ =	shalt  }
0x43: {  	_ =	shalt  }
0x44: {  	_ =	shalt  }
0x45: {  	_ =	shalt  }
0x46: {  	_ =	shalt  }
0x47: {  	_ =	shalt  }
0x48: {  	_ =	shalt  }
0x49: {  	_ =	shalt  }
0x4a: {  	_ =	shalt  }
0x4b: {  	_ =	shalt  }
0x4c: {  	_ =	shalt  }
0x4d: {  	_ =	shalt  }
0x4e: {  	_ =	shalt  }
0x4f: {  	_ =	shalt  }
0x50: {  	_ =	shalt  }
0x51: {  	_ =	shalt  }
0x52: {  	_ =	shalt  }
0x53: {  	_ =	shalt  }
0x54: {  	_ =	shalt  }
0x55: {  	_ =	shalt  }
0x56: {  	_ =	shalt  }
0x57: {  	_ =	shalt  }
0x58: {  	_ =	shalt  }
0x59: {  	_ =	shalt  }
0x5a: {  	_ =	shalt  }
0x5b: {  	_ =	shalt  }
0x5c: {  	_ =	shalt  }
0x5d: {  	_ =	shalt  }
0x5e: {  	_ =	shalt  }
0x5f: {  	_ =	shalt  }
0x60: {  	_ =	shalt  }
0x61: {  	_ =	shalt  }
0x62: {  	_ =	shalt  }
0x63: {  	_ =	shalt  }
0x64: {  	_ =	shalt  }
0x65: {  	_ =	shalt  }
0x66: {  	_ =	shalt  }
0x67: {  	_ =	shalt  }
0x68: {  	_ =	shalt  }
0x69: {  	_ =	shalt  }
0x6a: {  	_ =	shalt  }
0x6b: {  	_ =	shalt  }
0x6c: {  	_ =	shalt  }
0x6d: {  	_ =	shalt  }
0x6e: {  	_ =	shalt  }
0x6f: {  	_ =	shalt  }
0x70: {  	_ =	shalt  }
0x71: {  	_ =	shalt  }
0x72: {  	_ =	shalt  }
0x73: {  	_ =	shalt  }
0x74: {  	_ =	shalt  }
0x75: {  	_ =	shalt  }
0x76: {  	_ =	shalt  }
0x77: {  	_ =	shalt  }
0x78: {  	_ =	shalt  }
0x79: {  	_ =	shalt  }
0x7a: {  	_ =	shalt  }
0x7b: {  	_ =	shalt  }
0x7c: {  	_ =	shalt  }
0x7d: {  	_ =	shalt  }
0x7e: {  	_ =	shalt  }
0x7f: {  	_ =	shalt  }
0x80: {  	_ =	shalt  }
0x81: {  	_ =	shalt  }
0x82: {  	_ =	shalt  }
0x83: {  	_ =	shalt  }
0x84: {  	_ =	shalt  }
0x85: {  	_ =	shalt  }
0x86: {  	_ =	shalt  }
0x87: {  	_ =	shalt  }
.Lfunc_end0:
.L_simem_size_0:
called_computation.1_lowered:
.L_overlay_start_0:
0x88: {  	s2 =	sld [smem:$0x3FD9]  }
0x89: {  	s3 =	sld [smem:$0x3FFE];
	_ =	sdelay $0x1  }
0x8a: {  	s1 =	srdreg.scid  }
0x8b: {  	s0 =	sand.u32 $0x1, s1  }
0x8c: {  	s16 =	sshll.u32 s0, $0xA;
	s2 =	sadd.s32 s3, s2  }
0x8d: {  	s2 =	sadd.s32 s2, s16  }
0x8e: {  	[smem:$0x3FB1] =	sst s2  }
0x8f: {  	_ = 	snop  }
0x90: {  	(tm) =	ssettm $0x1  }
0x91: {  	s17 =	sld [smem:$0x3FFB];
	_ =	sdelay $0x3  }
0x92: {  	_ =	strace s17  }
0x93: {  	s2 =	sld [smem:$0x3FFC];
	_ =	sdelay $0x3  }
0x94: {  	_ =	strace s2  }
0x95: {  	s2 =	sld [smem:$0x3FFD];
	_ =	sdelay $0x3  }
0x96: {  	_ =	strace s2  }
0x97: {  	_ =	strace $0x8FFFFFFF  }
0x98: {  	s18 =	sld [smem:$0x3FDB];
	_ =	sdelay $0x1  }
0x99: {  	s19 =	simm.s32 $_scs_section_size  }
0x9a: {  	s4 =	simm.s32 $_size__tile_overlayer_lowered;
	s5 =	simm.s32 $_tile_overlayer_lowered  }
0x9b: {  	s22 =	simm.s32 $0x1BFF;
	s21 =	sshll.u32 s5, $0x1;
	s2 =	sadd.s32 s19, s18  }
0x9c: {  	s6 =	simm.s32 $0x0;
	s20 =	sshll.u32 s4, $0x1;
	s4 =	sadd.s32 s21, s2  }
0x9d: {  	[timem:s6], [sflag:s22] =	dma.local [hbm:s4], s20  }
0x9e: {  	_ =	swait.ge [sflag:s22], s20  }
0x9f: {  	s3 =	ssub.s32 $0x0, s20;
	[sflag:s22] =	ssyncset.done $0x0  }
0xa0: {  	[sflag:s22] =	ssyncadd.s32 s3;
	_ =	sdelay $0x1  }
0xa1: {  	s23 =	simm.s32 $0x1B8B  }
0xa2: {  	_ =	swait.ge [sflag:s23], $0x1  }
0xa3: {  	[sflag:s23] =	ssyncset.done $0x0  }
0xa4: {  	s25 =	simm.s32 $0x1B8E;
	s24 =	sld [smem:$0x3FFE];
	[sflag:s23] =	ssyncadd.s32 $0xFFFFFFFF  }
0xa5: {  	s26 =	simm.s32 $execute0_lowered;
	[smem:$0x3FD2] =	sst s25  }
0xa6: {  	s4 =	sshll.u32 s26, $0x1;
	_ =	strace $0x80000049;
	[dreg:$0x1] =	wrdreg $0xFFFFFFFF  }
0xa7: {  	s28 =	simm.s32 $_size_execute0_lowered;
	s2 =	sadd.s32 s2, s4;
	[dreg:$0x0] =	wrdreg $0x0  }
0xa8: {  	s4 =	sshll.u32 s28, $0x1;
	[dreg:$0x2] =	wrdreg s2  }
0xa9: {  	[dreg:$0x3] =	wrdreg s4  }
0xaa: {  	[dreg:$0x4] =	wrdreg $0xC0  }
0xab: {  	_ =	task [dreg:s6], $0x5FFFF  }
0xac: {  	[dreg:$0x1] =	wrdreg $0xFFFFFFFF  }
0xad: {  	[dreg:$0x0] =	wrdreg $0x60  }
0xae: {  	[dreg:$0x2] =	wrdreg s24  }
0xaf: {  	[dreg:$0x3] =	wrdreg $0x41000  }
0xb0: {  	[dreg:$0x4] =	wrdreg $0x9  }
0xb1: {  	_ =	task.clear_ibuf [dreg:s6], $0x5FFFF;
	_ =	strace $0x90000049  }
0xb2: {  	s29 =	simm.s32 $0x9;
	_ =	strace $0x8000004B  }
0xb3: {  	_ =	swait.ge [sflag:s29], $0x1  }
0xb4: {  	[sflag:s29] =	ssyncadd.s32 $0xFFFFFFFF  }
0xb5: {  	_ =	strace $0x9000004B  }
0xb6: {  	_ =	sfence  }
0xb7: {  	s30 =	sld [smem:$0x0];
	_ =	sdelay $0x2  }
0xb8: {  	s31 =	sshll.u32 s1, $0xD;
	s1 =	sshrl.u32 s1, $0x2  }
0xb9: {  	s3 =	sand.u32 $0x4000, s31;
	s1 =	sadd.s32 s1, s30  }
0xba: {  	s0 =	sor.u32 s3, s0;
	s1 =	sshll.u32 s1, $0x11  }
0xbb: {  	s0 =	sor.u32 s1, s0  }
0xbc: {  	s0 =	sadd.s32 $0x8F2B, s0  }
0xbd: {  	[sflag:s0] =	ssyncadd.remote.s32 $0x1  }
0xbe: {  	_ =	sfence.sel $0xFFFF  }
0xbf: {  	[dreg:$0x0] =	wrdreg $0xFFFFFFFF;
	(pc) =	sbr.abs _section_cstart, $3  }
0xc0: {  	[dreg:$0x1] =	wrdreg $0xFFFFFFFF  }
0xc1: {  	_ =	task.clear_ibuf [dreg:s6], $0x2FFFF;
	_ =	strace $0x9FFFFFFF  }
0xc2: {  	(tm) =	ssettm $0x7FFFFFFF  }
0xc3: {  	_ =	shalt  }
tec
execute0_lowered:
.L_overlay_start_1:
0x0: {  	(tag) =	ssettag $0x1  }
0x1: {  	s6 =	rddreg [dreg:$0x0]  }
0x2: {  	s2 =	rddreg [dreg:$0x1]  }
0x3: {  	s0 =	rddreg [dreg:$0x2];
	s1 =	stileid.u32;
	s3 =	simm.s32 $0x0  }
0x4: {  	s4 =	srdreg.scid;
	s14 =	simm.s32 $0x80;
	s15 =	simm.s32 $0x100  }
0x5: {  	s16 =	simm.s32 $0x1;
	s17 =	simm.s32 $0x0;
	s5 =	smul.u32 $0x5D, s1  }
0x6: {  	[smem:$0x7FF] =	sst s3;
	s7 =	sand.u32 $0x1, s4;
	s9 =	smul.u32 $0x2800, s1  }
0x7: {  	s8 =	sshll.u32 s1, $0x6;
	s12 =	smul.u32 $0x50000, s1;
	p0 =	seq.s32 s7, $0x0  }
0x8: {  	_ =	strace $0x8000004A;
	s10 =	smul.u32 $0x28000, s7;
	s7 =	ssub.s32 $0x2, s7  }
0x9: {  	s4 =	sadd.s32 $0x400, s5;
	s5 =	sadd.s32 $0x3F000, s6;
	s29 =	sshrl.u32 s7, $0x1  }
0xa: {  	s30 =	sshrl.u32 s12, $0x2;
	s4 =	smov.u32 @p0 s8;
	s9 =	sadd.s32 s9, s10  }
0xb: {  	s31 =	ssub.s32 s7, s29;
	s13 =	sadd.s32 s30, s2;
	s7 =	sor.u32 $0x1C02, s8  }
0xc: {  	s28 =	sshll.u32 s4, $0x4;
	s4 =	sadd.s32 $0x17E00, s6;
	s9 =	sadd.s32 s9, s6  }
0xd: {  	s12 =	sshrl.u32 s13, $0x3;
	s13 =	simm.s32 $0x2;
	s11 =	sadd.s32 s28, s6  }
0xe: {  	s6 =	simm.s32 $0x40;
	s8 =	sadd.s32 $0x41800, s9;
	s9 =	smax.u32 s31, $0x1  }
0xf: {  	s6 =	simm.s32 @!p0 $0x5D;
	s10 =	sadd.s32 $0x4200, s11;
	s11 =	sadd.s32 $0xE000, s11  }
.LBB2_1:
0x10: {  	[spmem:s12], [sflag:s7] =	dma.local [hbm:s5], $0x2800  }
0x11: {  	_ =	swait.ge [sflag:s13], $0x2800  }
0x12: {  	[sflag:s13] =	ssyncset.done $0x0  }
0x13: {  	[sflag:s13] =	ssyncadd.s32 $0xFFFFD800  }
0x14: {  	[bflag:$0x0] =	sbarrier.arrive $0xFFFF  }
0x15: {  	[tilespmem:s3], [sflag:$0x2] =	stream.linear.gather [hbm4b:s11+s3], $0x80, $0x38;
	[tilespmem:$0x18100] =	vst v63  }
0x16: {  	_ =	swait.ge [sflag:s13], $0x80  }
0x17: {  	[sflag:s13] =	ssyncset.done $0x0  }
0x18: {  	[sflag:s13] =	ssyncadd.s32 $0xFFFFFF80  }
0x19: {  	[tilespmem:s14], [sflag:$0x2] =	stream.linear.gather [hbm4b:s10+s3], $0x80, $0x38;
	[tilespmem:$0x18100] =	vst v63  }
0x1a: {  	_ =	swait.ge [sflag:s13], $0x80  }
0x1b: {  	[sflag:s13] =	ssyncset.done $0x0  }
0x1c: {  	[sflag:s13] =	ssyncadd.s32 $0xFFFFFF80  }
0x1d: {  	v0 =	vld [tilespmem:$0xE0]  }
0x1e: {  	v1 =	vld [tilespmem:$0xD0]  }
0x1f: {  	v3 =	vld [tilespmem:$0xB0]  }
0x20: {  	v11 =	vld [tilespmem:$0xA0]  }
0x21: {  	v8 =	vld [tilespmem:$0x30]  }
0x22: {  	v5 =	vld [tilespmem:$0x50]  }
0x23: {  	v2 =	vld [tilespmem:$0x20]  }
0x24: {  	p0 =	sne.s32 s6, $0x1;
	v4 =	vld [tilespmem:$0xC0]  }
.Ltmp0:
0x25: {  	v7 =	vld [tilespmem:$0x0];
	(pc) =	sbr.rel @!p0 .LBB2_3-.Ltmp0, $4  }
0x26: {  	v10 =	vld [tilespmem:$0x40]  }
0x27: {  	v6 =	vld [tilespmem:$0x80]  }
0x28: {  	v9 =	vld [tilespmem:$0x60];
	vm0 =	veq.s32 v2, v11  }
0x29: {  	s18 =	sadd.s32 $0xFFFFFFFF, s6;
	s19 =	smov.u32 s10;
	s20 =	smov.u32 s11;
	v2 =	vld [tilespmem:$0x90];
	v11 =	vsel vm0, $0x2710, v11  }
.LBB2_2:
0x2a: {  	p0 =	sne.s32 s18, $0x1;
	v12 =	vld [tilespmem:$0xF0];
	s19 =	sadd.s32 $0x10, s19;
	s20 =	sadd.s32 $0x10, s20  }
0x2b: {  	s18 =	sadd.s32 $0xFFFFFFFF, s18;
	vm0 =	veq.s32 v8, v3;
	[tilespmem:$0xA0] =	vst v11;
	vm1 =	veq.s32 v10, v4;
	v8 =	vld [tilespmem:$0x70]  }
0x2c: {  	v3 =	vsel vm0, $0x2710, v3;
	vm0 =	veq.s32 v5, v1;
	vm2 =	veq.s32 v7, v6;
	v7 =	vld [tilespmem:$0x10]  }
0x2d: {  	v5 =	vsel vm2, $0x2710, v6;
	[tilespmem:$0xB0] =	vst v3;
	v3 =	vsel vm1, $0x2710, v4;
	vm1 =	veq.s32 v9, v0  }
0x2e: {  	v1 =	vsel vm0, $0x2710, v1;
	[tilespmem:$0xC0] =	vst v3;
	v0 =	vsel vm1, $0x2710, v0  }
0x2f: {  	[tilespmem:$0xD0] =	vst v1  }
0x30: {  	[tilespmem:$0xE0] =	vst v0;
	vm0 =	veq.s32 v8, v12  }
0x31: {  	[tilespmem:$0x80] =	vst v5;
	vm1 =	veq.s32 v7, v2;
	v0 =	vsel vm0, $0x2710, v12  }
0x32: {  	v1 =	vsel vm1, $0x2710, v2;
	[tilespmem:$0xF0] =	vst v0  }
0x33: {  	[tilespmem:$0x90] =	vst v1  }
0x34: {  	[tilespmem:s15], [sflag:$0x1] =	stream.indirect.gather [hbm4b:s4+s14], $0x80, s3, s14, $0xb8;
	[tilespmem:$0x18100] =	vst v63  }
0x35: {  	_ =	swait.ge [sflag:s16], $0x4000  }
0x36: {  	[sflag:s16] =	ssyncset.done $0x0  }
0x37: {  	[sflag:s16] =	ssyncadd.s32 $0xFFFFC000  }
0x38: {  	[spmem:s2] =	stream.indirect.scatter.add.f32 [tilespmem:s15], [sflag:$0x2], $0x80, s14, s14, $0xb8;
	[tilespmem:$0x18100] =	vst v63  }
0x39: {  	_ =	swait.ge [sflag:s13], $0x4000  }
0x3a: {  	[sflag:s13] =	ssyncset.done $0x0  }
0x3b: {  	[sflag:s13] =	ssyncadd.s32 $0xFFFFC000  }
0x3c: {  	[tilespmem:s3], [sflag:$0x2] =	stream.linear.gather [hbm4b:s20+s3], $0x80, $0x38;
	[tilespmem:$0x18100] =	vst v63  }
0x3d: {  	_ =	swait.ge [sflag:s13], $0x80  }
0x3e: {  	[sflag:s13] =	ssyncset.done $0x0  }
0x3f: {  	[sflag:s13] =	ssyncadd.s32 $0xFFFFFF80  }
0x40: {  	[tilespmem:s14], [sflag:$0x2] =	stream.linear.gather [hbm4b:s19+s3], $0x80, $0x38;
	[tilespmem:$0x18100] =	vst v63  }
0x41: {  	_ =	swait.ge [sflag:s13], $0x80  }
0x42: {  	[sflag:s13] =	ssyncset.done $0x0  }
0x43: {  	[sflag:s13] =	ssyncadd.s32 $0xFFFFFF80  }
0x44: {  	v0 =	vld [tilespmem:$0xE0]  }
0x45: {  	v1 =	vld [tilespmem:$0xD0]  }
0x46: {  	v3 =	vld [tilespmem:$0xB0]  }
0x47: {  	v11 =	vld [tilespmem:$0xA0]  }
0x48: {  	v8 =	vld [tilespmem:$0x30]  }
0x49: {  	v5 =	vld [tilespmem:$0x50]  }
0x4a: {  	v2 =	vld [tilespmem:$0x20]  }
0x4b: {  	v4 =	vld [tilespmem:$0xC0]  }
.Ltmp1:
0x4c: {  	v7 =	vld [tilespmem:$0x0];
	(pc) =	sbr.rel @p0 .LBB2_2-.Ltmp1, $4  }
0x4d: {  	v10 =	vld [tilespmem:$0x40]  }
0x4e: {  	v6 =	vld [tilespmem:$0x80]  }
0x4f: {  	vm0 =	veq.s32 v2, v11;
	v9 =	vld [tilespmem:$0x60]  }
0x50: {  	v2 =	vld [tilespmem:$0x90];
	v11 =	vsel vm0, $0x2710, v11  }
.LBB2_3:
0x51: {  	v12 =	vld [tilespmem:$0xF0]  }
0x52: {  	vm0 =	veq.s32 v8, v3;
	v58 =	vld [tilespmem:$0x70]  }
0x53: {  	[tilespmem:$0xA0] =	vst v11;
	v59 =	vld [tilespmem:$0x10];
	vm11 =	veq.s32 v5, v1;
	v3 =	vsel vm0, $0x2710, v3  }
0x54: {  	vm1 =	veq.s32 v10, v4;
	v1 =	vsel vm11, $0x2710, v1;
	[tilespmem:$0xB0] =	vst v3  }
0x55: {  	v60 =	vsel vm1, $0x2710, v4;
	vm13 =	veq.s32 v7, v6;
	[tilespmem:$0xD0] =	vst v1  }
0x56: {  	vm12 =	veq.s32 v9, v0;
	[tilespmem:$0xC0] =	vst v60;
	v61 =	vsel vm13, $0x2710, v6  }
0x57: {  	v0 =	vsel vm12, $0x2710, v0;
	[tilespmem:$0x80] =	vst v61;
	vm14 =	veq.s32 v58, v12  }
0x58: {  	[tilespmem:$0xE0] =	vst v0;
	vm15 =	veq.s32 v59, v2;
	v62 =	vsel vm14, $0x2710, v12  }
0x59: {  	v63 =	vsel vm15, $0x2710, v2;
	[tilespmem:$0xF0] =	vst v62  }
0x5a: {  	[tilespmem:$0x90] =	vst v63  }
0x5b: {  	[tilespmem:s15], [sflag:$0x1] =	stream.indirect.gather [hbm4b:s4+s14], $0x80, s3, s14, $0xb8;
	[tilespmem:$0x18100] =	vst v63  }
0x5c: {  	_ =	swait.ge [sflag:s16], $0x4000  }
0x5d: {  	[sflag:s16] =	ssyncset.done $0x0  }
0x5e: {  	[sflag:s16] =	ssyncadd.s32 $0xFFFFC000  }
0x5f: {  	[spmem:s2] =	stream.indirect.scatter.add.f32 [tilespmem:s15], [sflag:$0x2], $0x80, s14, s14, $0xb8;
	[tilespmem:$0x18100] =	vst v63  }
0x60: {  	_ =	swait.ge [sflag:s13], $0x4000  }
0x61: {  	s17 =	sadd.s32 $0x1, s17;
	[sflag:s13] =	ssyncset.done $0x0  }
0x62: {  	p0 =	sne.s32 s17, s9;
	[sflag:s13] =	ssyncadd.s32 $0xFFFFC000  }
.Ltmp2:
0x63: {  	[bflag:$0x0] =	sbarrier.arrive $0xFFFF;
	(pc) =	sbr.rel @p0 .LBB2_1-.Ltmp2, $4  }
0x64: {  	[hbm:s8], [sflag:s7] =	dma.local [spmem:s12], $0x2800  }
0x65: {  	_ =	swait.ge [sflag:s13], $0x2800  }
0x66: {  	[sflag:s13] =	ssyncset.done $0x0  }
0x67: {  	[sflag:s13] =	ssyncadd.s32 $0xFFFFD800  }
0x68: {  	_ =	sfence.sel $0x180000  }
0x69: {  	[bflag:$0x0] =	sbarrier.arrive $0xFFFF  }
0x6a: {  	p0 =	sne.s32 s1, $0x0;
	_ =	strace $0x9000004A  }
0x6b: {  	s0 =	sadd.s32 @!p0 $0x100000, s0;
	[bflag:$0x2] =	sbarrier.arrive $0xFFFF  }
0x6c: {  	[sflag:s0] =	ssyncadd.tile.s32 @!p0 $0x1;
	_ =	shalt  }
.Lfunc_end2:
_tile_overlayer_lowered:
.L_overlay_start_2:
0x6d: {  	(tag) =	ssettag $0x2  }
0x6e: {  	s0 =	rddreg [dreg:$0x0];
	s2 =	stileid.u32  }
0x6f: {  	s1 =	rddreg [dreg:$0x1];
	p0 =	sne.s32 s2, $0x0  }
0x70: {  	s3 =	rddreg [dreg:$0x2];
	[bflag:$0x3] =	sbarrier.arrive $0xFFFF;
	s2 =	simm.s32 @!p0 $0x1C02  }
0x71: {  	[timem:s3], [sflag:s2] =	dma.local @!p0 [hbm:s0], s1  }
0x72: {  	s0 =	simm.s32 @!p0 $0x2  }
0x73: {  	_ =	swait.ge @!p0 [sflag:s0], s1  }
0x74: {  	s1 =	ssub.s32 @!p0 $0x0, s1;
	[sflag:s0] =	ssyncset.done @!p0 $0x0  }
0x75: {  	[sflag:s0] =	ssyncadd.s32 @!p0 s1  }
0x76: {  	[bflag:$0x3] =	sbarrier.arrive $0xFFFF  }
0x77: {  	_ =	shalt  }

// kernel: kernel.15.cloned.1.call-start
scs
__scs_entry_jumppad:
0x0: {  	(pc) =	sbr.rel $0x88, $3  }
0x1: {  	(tag) =	ssettag $0x0;
	lr =	simm.s32 $0x1  }
0x2: {  	[smem:$0x3F8A] =	sst lr;
	_ =	strace $0xD0000000  }
0x3: {  	_ = 	snop  }
0x4: {  	_ = 	snop  }
0x5: {  	_ = 	snop  }
0x6: {  	_ = 	snop  }
0x7: {  	_ = 	snop  }
__scs_overlays_trampoline_lowered:
0x8: {  	[smem:$0x3F99] =	sst s0  }
0x9: {  	[smem:$0x3F9A] =	sst s1  }
0xa: {  	[smem:$0x3F9B] =	sst s2  }
0xb: {  	[smem:$0x3F9C] =	sst s3  }
0xc: {  	[smem:$0x3F9D] =	sst s4  }
0xd: {  	[smem:$0x3F9E] =	sst s5  }
0xe: {  	[smem:$0x3F9F] =	sst s6  }
0xf: {  	[smem:$0x3FA0] =	sst s7  }
0x10: {  	[smem:$0x3FA1] =	sst s8  }
0x11: {  	[smem:$0x3FA2] =	sst s9;
	s0 =	simm.s32 @!p0 $0x0  }
0x12: {  	s1 =	sld [smem:$0x3F88];
	s0 =	simm.s32 @p0 $0x1  }
0x13: {  	[smem:$0x3FA3] =	sst s0;
	s0 =	simm.s32 @!p1 $0x0  }
0x14: {  	s2 =	sld [smem:$0x3F87];
	s0 =	simm.s32 @p1 $0x1  }
0x15: {  	[smem:$0x3FA4] =	sst s0;
	s0 =	simm.s32 @!p2 $0x0  }
0x16: {  	s3 =	sld [smem:$0x3FDB];
	s0 =	simm.s32 @p2 $0x1  }
0x17: {  	s4 =	simm.s32 $0x1BF5;
	[smem:$0x3FA6] =	sst s0  }
0x18: {  	s0 =	sld [smem:$0x3F89];
	_ =	swait.ge [sflag:s4], $0x0  }
0x19: {  	s7 =	sld [smem:$0x3F8A]  }
0x1a: {  	s8 =	sadd.s32 $0xFFFFE003, lr  }
0x1b: {  	s9 =	sadd.s32 $0xFFFFFEF7, lr;
	s5 =	simm.s32 $0xFFFFFFFF;
	p2 =	slt.u32 s8, $0xFFFFF086  }
0x1c: {  	p1 =	slt.u32 s9, $0xF7A;
	s5 =	simm.s32 @!p2 $0x0  }
0x1d: {  	s5 =	simm.s32 @p1 $0x1;
	p0 =	seq.s32 s7, s2  }
0x1e: {  	s7 =	smul.u32 @!p0 $0xF7A, s2;
	p2 =	seq.s32 @!p0 s5, $0x0  }
0x1f: {  	s9 =	smul.u32 $0xF7A, s1;
	s8 =	simm.s32 @!p0 $0x1BF5;
	p2 =	por !p2, p0  }
0x20: {  	[sflag:s8] =	ssyncset.s32 @!p0 $0xFFFFF086;
	s6 =	sadd.s32 @!p0 s3, s7;
	s7 =	simm.s32 @!p0 $0x108  }
0x21: {  	s3 =	sadd.s32 s3, s9;
	s6 =	sadd.s32 @!p0 $0x88, s6;
	s7 =	simm.s32 @p2 $0x1082  }
0x22: {  	[simem:s7], [sflag:s8] =	dma.local @!p0 [hbm:s6], $0xF7A  }
0x23: {  	s9 =	sor.u32 $0xD0000000, s2;
	s6 =	simm.s32 $0x108;
	_ =	swait.ge @!p0 [sflag:s8], $0x0  }
0x24: {  	s3 =	sadd.s32 $0x88, s3;
	s6 =	simm.s32 @!p1 $0x1082;
	[sflag:s4] =	ssyncset.s32 $0xFFFFF086  }
0x25: {  	[simem:s6], [sflag:s4] =	dma.local [hbm:s3], $0xF7A  }
0x26: {  	[smem:$0x3F8A] =	sst s1;
	(tag) =	ssettag s2;
	_ =	strace s9  }
0x27: {  	s1 =	sld [smem:$0x3F9A]  }
0x28: {  	s2 =	sld [smem:$0x3F9B]  }
0x29: {  	s4 =	sld [smem:$0x3F9D]  }
0x2a: {  	p0 =	seq.s32 s5, $0x0;
	s5 =	sld [smem:$0x3F9E]  }
0x2b: {  	s6 =	sld [smem:$0x3F9F]  }
0x2c: {  	s7 =	sld [smem:$0x3FA0]  }
0x2d: {  	s3 =	simm.s32 $0x108;
	s8 =	sld [smem:$0x3FA1]  }
0x2e: {  	s3 =	simm.s32 @!p0 $0x1082;
	s9 =	sld [smem:$0x3FA2]  }
0x2f: {  	lr =	sadd.s32 s0, s3;
	s0 =	sld [smem:$0x3F99]  }
0x30: {  	s3 =	sld [smem:$0x3F9C]  }
0x31: {  	[smem:$0x3FA5] =	sst s10  }
0x32: {  	s10 =	sld [smem:$0x3FA3];
	_ =	sdelay $0x3  }
0x33: {  	p0 =	seq.s32 s10, $0x1;
	s10 =	sld [smem:$0x3FA5];
	_ =	sdelay $0x3  }
0x34: {  	[smem:$0x3FA5] =	sst s10  }
0x35: {  	s10 =	sld [smem:$0x3FA4];
	_ =	sdelay $0x3  }
0x36: {  	p1 =	seq.s32 s10, $0x1;
	s10 =	sld [smem:$0x3FA5];
	_ =	sdelay $0x3  }
0x37: {  	[smem:$0x3FA5] =	sst s10  }
0x38: {  	s10 =	sld [smem:$0x3FA6]  }
0x39: {  	_ = 	snop;
	(pc) =	sbr.ind lr, $3  }
0x3a: {  	_ = 	snop  }
0x3b: {  	_ = 	snop  }
0x3c: {  	p2 =	seq.s32 s10, $0x1;
	s10 =	sld [smem:$0x3FA5]  }
0x3d: {  	_ =	shalt  }
0x3e: {  	_ =	shalt  }
0x3f: {  	_ =	shalt  }
0x40: {  	_ =	shalt  }
0x41: {  	_ =	shalt  }
0x42: {  	_ =	shalt  }
0x43: {  	_ =	shalt  }
0x44: {  	_ =	shalt  }
0x45: {  	_ =	shalt  }
0x46: {  	_ =	shalt  }
0x47: {  	_ =	shalt  }
0x48: {  	_ =	shalt  }
0x49: {  	_ =	shalt  }
0x4a: {  	_ =	shalt  }
0x4b: {  	_ =	shalt  }
0x4c: {  	_ =	shalt  }
0x4d: {  	_ =	shalt  }
0x4e: {  	_ =	shalt  }
0x4f: {  	_ =	shalt  }
0x50: {  	_ =	shalt  }
0x51: {  	_ =	shalt  }
0x52: {  	_ =	shalt  }
0x53: {  	_ =	shalt  }
0x54: {  	_ =	shalt  }
0x55: {  	_ =	shalt  }
0x56: {  	_ =	shalt  }
0x57: {  	_ =	shalt  }
0x58: {  	_ =	shalt  }
0x59: {  	_ =	shalt  }
0x5a: {  	_ =	shalt  }
0x5b: {  	_ =	shalt  }
0x5c: {  	_ =	shalt  }
0x5d: {  	_ =	shalt  }
0x5e: {  	_ =	shalt  }
0x5f: {  	_ =	shalt  }
0x60: {  	_ =	shalt  }
0x61: {  	_ =	shalt  }
0x62: {  	_ =	shalt  }
0x63: {  	_ =	shalt  }
0x64: {  	_ =	shalt  }
0x65: {  	_ =	shalt  }
0x66: {  	_ =	shalt  }
0x67: {  	_ =	shalt  }
0x68: {  	_ =	shalt  }
0x69: {  	_ =	shalt  }
0x6a: {  	_ =	shalt  }
0x6b: {  	_ =	shalt  }
0x6c: {  	_ =	shalt  }
0x6d: {  	_ =	shalt  }
0x6e: {  	_ =	shalt  }
0x6f: {  	_ =	shalt  }
0x70: {  	_ =	shalt  }
0x71: {  	_ =	shalt  }
0x72: {  	_ =	shalt  }
0x73: {  	_ =	shalt  }
0x74: {  	_ =	shalt  }
0x75: {  	_ =	shalt  }
0x76: {  	_ =	shalt  }
0x77: {  	_ =	shalt  }
0x78: {  	_ =	shalt  }
0x79: {  	_ =	shalt  }
0x7a: {  	_ =	shalt  }
0x7b: {  	_ =	shalt  }
0x7c: {  	_ =	shalt  }
0x7d: {  	_ =	shalt  }
0x7e: {  	_ =	shalt  }
0x7f: {  	_ =	shalt  }
0x80: {  	_ =	shalt  }
0x81: {  	_ =	shalt  }
0x82: {  	_ =	shalt  }
0x83: {  	_ =	shalt  }
0x84: {  	_ =	shalt  }
0x85: {  	_ =	shalt  }
0x86: {  	_ =	shalt  }
0x87: {  	_ =	shalt  }
.Lfunc_end0:
.L_simem_size_0:
called_computation.2_lowered:
.L_overlay_start_0:
0x88: {  	s2 =	sld [smem:$0x3FD9]  }
0x89: {  	s3 =	sld [smem:$0x3FFE];
	_ =	sdelay $0x1  }
0x8a: {  	s1 =	srdreg.scid  }
0x8b: {  	s0 =	sand.u32 $0x1, s1  }
0x8c: {  	s16 =	sshll.u32 s0, $0xA;
	s2 =	sadd.s32 s3, s2  }
0x8d: {  	s2 =	sadd.s32 s2, s16  }
0x8e: {  	[smem:$0x3FB1] =	sst s2  }
0x8f: {  	_ = 	snop  }
0x90: {  	(tm) =	ssettm $0x1  }
0x91: {  	s17 =	sld [smem:$0x3FFB];
	_ =	sdelay $0x3  }
0x92: {  	_ =	strace s17  }
0x93: {  	s2 =	sld [smem:$0x3FFC];
	_ =	sdelay $0x3  }
0x94: {  	_ =	strace s2  }
0x95: {  	s2 =	sld [smem:$0x3FFD];
	_ =	sdelay $0x3  }
0x96: {  	_ =	strace s2  }
0x97: {  	_ =	strace $0x8FFFFFFF  }
0x98: {  	s18 =	sld [smem:$0x3FDB];
	_ =	sdelay $0x1  }
0x99: {  	s19 =	simm.s32 $_scs_section_size  }
0x9a: {  	s4 =	simm.s32 $_size__tile_overlayer_lowered;
	s5 =	simm.s32 $_tile_overlayer_lowered  }
0x9b: {  	s22 =	simm.s32 $0x1BFF;
	s21 =	sshll.u32 s5, $0x1;
	s2 =	sadd.s32 s19, s18  }
0x9c: {  	s6 =	simm.s32 $0x0;
	s20 =	sshll.u32 s4, $0x1;
	s4 =	sadd.s32 s21, s2  }
0x9d: {  	[timem:s6], [sflag:s22] =	dma.local [hbm:s4], s20  }
0x9e: {  	_ =	swait.ge [sflag:s22], s20  }
0x9f: {  	s3 =	ssub.s32 $0x0, s20;
	[sflag:s22] =	ssyncset.done $0x0  }
0xa0: {  	[sflag:s22] =	ssyncadd.s32 s3;
	_ =	sdelay $0x1  }
0xa1: {  	s23 =	simm.s32 $0x1B8B  }
0xa2: {  	_ =	swait.ge [sflag:s23], $0x1  }
0xa3: {  	[sflag:s23] =	ssyncset.done $0x0  }
0xa4: {  	s25 =	simm.s32 $0x1B8E;
	s24 =	sld [smem:$0x3FFE];
	[sflag:s23] =	ssyncadd.s32 $0xFFFFFFFF  }
0xa5: {  	s26 =	simm.s32 $execute0_lowered;
	[smem:$0x3FD2] =	sst s25  }
0xa6: {  	s4 =	sshll.u32 s26, $0x1;
	_ =	strace $0x8000004C;
	[dreg:$0x1] =	wrdreg $0xFFFFFFFF  }
0xa7: {  	s28 =	simm.s32 $_size_execute0_lowered;
	s2 =	sadd.s32 s2, s4;
	[dreg:$0x0] =	wrdreg $0x0  }
0xa8: {  	s4 =	sshll.u32 s28, $0x1;
	[dreg:$0x2] =	wrdreg s2  }
0xa9: {  	[dreg:$0x3] =	wrdreg s4  }
0xaa: {  	[dreg:$0x4] =	wrdreg $0xC0  }
0xab: {  	_ =	task [dreg:s6], $0x5FFFF  }
0xac: {  	[dreg:$0x1] =	wrdreg $0xFFFFFFFF  }
0xad: {  	[dreg:$0x0] =	wrdreg $0x60  }
0xae: {  	[dreg:$0x2] =	wrdreg s24  }
0xaf: {  	[dreg:$0x3] =	wrdreg $0x41000  }
0xb0: {  	[dreg:$0x4] =	wrdreg $0x9  }
0xb1: {  	_ =	task.clear_ibuf [dreg:s6], $0x5FFFF;
	_ =	strace $0x9000004C  }
0xb2: {  	s29 =	simm.s32 $0x9;
	_ =	strace $0x8000004E  }
0xb3: {  	_ =	swait.ge [sflag:s29], $0x1  }
0xb4: {  	[sflag:s29] =	ssyncadd.s32 $0xFFFFFFFF  }
0xb5: {  	_ =	strace $0x9000004E  }
0xb6: {  	_ =	sfence  }
0xb7: {  	s30 =	sld [smem:$0x0];
	_ =	sdelay $0x2  }
0xb8: {  	s31 =	sshll.u32 s1, $0xD;
	s1 =	sshrl.u32 s1, $0x2  }
0xb9: {  	s3 =	sand.u32 $0x4000, s31;
	s1 =	sadd.s32 s1, s30  }
0xba: {  	s0 =	sor.u32 s3, s0;
	s1 =	sshll.u32 s1, $0x11  }
0xbb: {  	s0 =	sor.u32 s1, s0  }
0xbc: {  	s0 =	sadd.s32 $0x8F2B, s0  }
0xbd: {  	[sflag:s0] =	ssyncadd.remote.s32 $0x1  }
0xbe: {  	_ =	sfence.sel $0xFFFF  }
0xbf: {  	[dreg:$0x0] =	wrdreg $0xFFFFFFFF;
	(pc) =	sbr.abs _section_cstart, $3  }
0xc0: {  	[dreg:$0x1] =	wrdreg $0xFFFFFFFF  }
0xc1: {  	_ =	task.clear_ibuf [dreg:s6], $0x2FFFF;
	_ =	strace $0x9FFFFFFF  }
0xc2: {  	(tm) =	ssettm $0x7FFFFFFF  }
0xc3: {  	_ =	shalt  }
tec
execute0_lowered:
.L_overlay_start_1:
0x0: {  	(tag) =	ssettag $0x1  }
0x1: {  	s6 =	rddreg [dreg:$0x0]  }
0x2: {  	s2 =	rddreg [dreg:$0x1]  }
0x3: {  	s0 =	rddreg [dreg:$0x2];
	s1 =	stileid.u32;
	s3 =	simm.s32 $0x0  }
0x4: {  	s4 =	srdreg.scid;
	s14 =	simm.s32 $0x80;
	s15 =	simm.s32 $0x100  }
0x5: {  	s16 =	simm.s32 $0x1;
	s17 =	simm.s32 $0x0;
	s5 =	smul.u32 $0x5D, s1  }
0x6: {  	[smem:$0x7FF] =	sst s3;
	s7 =	sand.u32 $0x1, s4;
	s9 =	smul.u32 $0x2800, s1  }
0x7: {  	s8 =	sshll.u32 s1, $0x6;
	s12 =	smul.u32 $0x50000, s1;
	p0 =	seq.s32 s7, $0x0  }
0x8: {  	_ =	strace $0x8000004D;
	s10 =	smul.u32 $0x28000, s7;
	s7 =	ssub.s32 $0x2, s7  }
0x9: {  	s4 =	sadd.s32 $0x400, s5;
	s5 =	sadd.s32 $0x3F000, s6;
	s29 =	sshrl.u32 s7, $0x1  }
0xa: {  	s30 =	sshrl.u32 s12, $0x2;
	s4 =	smov.u32 @p0 s8;
	s9 =	sadd.s32 s9, s10  }
0xb: {  	s31 =	ssub.s32 s7, s29;
	s13 =	sadd.s32 s30, s2;
	s7 =	sor.u32 $0x1C02, s8  }
0xc: {  	s28 =	sshll.u32 s4, $0x4;
	s4 =	sadd.s32 $0x17E00, s6;
	s9 =	sadd.s32 s9, s6  }
0xd: {  	s12 =	sshrl.u32 s13, $0x3;
	s13 =	simm.s32 $0x2;
	s11 =	sadd.s32 s28, s6  }
0xe: {  	s6 =	simm.s32 $0x40;
	s8 =	sadd.s32 $0x41800, s9;
	s9 =	smax.u32 s31, $0x1  }
0xf: {  	s6 =	simm.s32 @!p0 $0x5D;
	s10 =	sadd.s32 $0x4200, s11;
	s11 =	sadd.s32 $0xE000, s11  }
.LBB2_1:
0x10: {  	[spmem:s12], [sflag:s7] =	dma.local [hbm:s5], $0x2800  }
0x11: {  	_ =	swait.ge [sflag:s13], $0x2800  }
0x12: {  	[sflag:s13] =	ssyncset.done $0x0  }
0x13: {  	[sflag:s13] =	ssyncadd.s32 $0xFFFFD800  }
0x14: {  	[bflag:$0x0] =	sbarrier.arrive $0xFFFF  }
0x15: {  	[tilespmem:s3], [sflag:$0x2] =	stream.linear.gather [hbm4b:s11+s3], $0x80, $0x38;
	[tilespmem:$0x18100] =	vst v63  }
0x16: {  	_ =	swait.ge [sflag:s13], $0x80  }
0x17: {  	[sflag:s13] =	ssyncset.done $0x0  }
0x18: {  	[sflag:s13] =	ssyncadd.s32 $0xFFFFFF80  }
0x19: {  	[tilespmem:s14], [sflag:$0x2] =	stream.linear.gather [hbm4b:s10+s3], $0x80, $0x38;
	[tilespmem:$0x18100] =	vst v63  }
0x1a: {  	_ =	swait.ge [sflag:s13], $0x80  }
0x1b: {  	[sflag:s13] =	ssyncset.done $0x0  }
0x1c: {  	[sflag:s13] =	ssyncadd.s32 $0xFFFFFF80  }
0x1d: {  	v0 =	vld [tilespmem:$0xE0]  }
0x1e: {  	v1 =	vld [tilespmem:$0xD0]  }
0x1f: {  	v3 =	vld [tilespmem:$0xB0]  }
0x20: {  	v11 =	vld [tilespmem:$0xA0]  }
0x21: {  	v8 =	vld [tilespmem:$0x30]  }
0x22: {  	v5 =	vld [tilespmem:$0x50]  }
0x23: {  	v2 =	vld [tilespmem:$0x20]  }
0x24: {  	p0 =	sne.s32 s6, $0x1;
	v4 =	vld [tilespmem:$0xC0]  }
.Ltmp0:
0x25: {  	v7 =	vld [tilespmem:$0x0];
	(pc) =	sbr.rel @!p0 .LBB2_3-.Ltmp0, $4  }
0x26: {  	v10 =	vld [tilespmem:$0x40]  }
0x27: {  	v6 =	vld [tilespmem:$0x80]  }
0x28: {  	v9 =	vld [tilespmem:$0x60];
	vm0 =	veq.s32 v2, v11  }
0x29: {  	s18 =	sadd.s32 $0xFFFFFFFF, s6;
	s19 =	smov.u32 s10;
	s20 =	smov.u32 s11;
	v2 =	vld [tilespmem:$0x90];
	v11 =	vsel vm0, $0x2710, v11  }
.LBB2_2:
0x2a: {  	p0 =	sne.s32 s18, $0x1;
	v12 =	vld [tilespmem:$0xF0];
	s19 =	sadd.s32 $0x10, s19;
	s20 =	sadd.s32 $0x10, s20  }
0x2b: {  	s18 =	sadd.s32 $0xFFFFFFFF, s18;
	vm0 =	veq.s32 v8, v3;
	[tilespmem:$0xA0] =	vst v11;
	vm1 =	veq.s32 v10, v4;
	v8 =	vld [tilespmem:$0x70]  }
0x2c: {  	v3 =	vsel vm0, $0x2710, v3;
	vm0 =	veq.s32 v5, v1;
	vm2 =	veq.s32 v7, v6;
	v7 =	vld [tilespmem:$0x10]  }
0x2d: {  	v5 =	vsel vm2, $0x2710, v6;
	[tilespmem:$0xB0] =	vst v3;
	v3 =	vsel vm1, $0x2710, v4;
	vm1 =	veq.s32 v9, v0  }
0x2e: {  	v1 =	vsel vm0, $0x2710, v1;
	[tilespmem:$0xC0] =	vst v3;
	v0 =	vsel vm1, $0x2710, v0  }
0x2f: {  	[tilespmem:$0xD0] =	vst v1  }
0x30: {  	[tilespmem:$0xE0] =	vst v0;
	vm0 =	veq.s32 v8, v12  }
0x31: {  	[tilespmem:$0x80] =	vst v5;
	vm1 =	veq.s32 v7, v2;
	v0 =	vsel vm0, $0x2710, v12  }
0x32: {  	v1 =	vsel vm1, $0x2710, v2;
	[tilespmem:$0xF0] =	vst v0  }
0x33: {  	[tilespmem:$0x90] =	vst v1  }
0x34: {  	[tilespmem:s15], [sflag:$0x1] =	stream.indirect.gather [hbm4b:s4+s14], $0x80, s3, s14, $0xb8;
	[tilespmem:$0x18100] =	vst v63  }
0x35: {  	_ =	swait.ge [sflag:s16], $0x4000  }
0x36: {  	[sflag:s16] =	ssyncset.done $0x0  }
0x37: {  	[sflag:s16] =	ssyncadd.s32 $0xFFFFC000  }
0x38: {  	[spmem:s2] =	stream.indirect.scatter.add.f32 [tilespmem:s15], [sflag:$0x2], $0x80, s14, s14, $0xb8;
	[tilespmem:$0x18100] =	vst v63  }
0x39: {  	_ =	swait.ge [sflag:s13], $0x4000  }
0x3a: {  	[sflag:s13] =	ssyncset.done $0x0  }
0x3b: {  	[sflag:s13] =	ssyncadd.s32 $0xFFFFC000  }
0x3c: {  	[tilespmem:s3], [sflag:$0x2] =	stream.linear.gather [hbm4b:s20+s3], $0x80, $0x38;
	[tilespmem:$0x18100] =	vst v63  }
0x3d: {  	_ =	swait.ge [sflag:s13], $0x80  }
0x3e: {  	[sflag:s13] =	ssyncset.done $0x0  }
0x3f: {  	[sflag:s13] =	ssyncadd.s32 $0xFFFFFF80  }
0x40: {  	[tilespmem:s14], [sflag:$0x2] =	stream.linear.gather [hbm4b:s19+s3], $0x80, $0x38;
	[tilespmem:$0x18100] =	vst v63  }
0x41: {  	_ =	swait.ge [sflag:s13], $0x80  }
0x42: {  	[sflag:s13] =	ssyncset.done $0x0  }
0x43: {  	[sflag:s13] =	ssyncadd.s32 $0xFFFFFF80  }
0x44: {  	v0 =	vld [tilespmem:$0xE0]  }
0x45: {  	v1 =	vld [tilespmem:$0xD0]  }
0x46: {  	v3 =	vld [tilespmem:$0xB0]  }
0x47: {  	v11 =	vld [tilespmem:$0xA0]  }
0x48: {  	v8 =	vld [tilespmem:$0x30]  }
0x49: {  	v5 =	vld [tilespmem:$0x50]  }
0x4a: {  	v2 =	vld [tilespmem:$0x20]  }
0x4b: {  	v4 =	vld [tilespmem:$0xC0]  }
.Ltmp1:
0x4c: {  	v7 =	vld [tilespmem:$0x0];
	(pc) =	sbr.rel @p0 .LBB2_2-.Ltmp1, $4  }
0x4d: {  	v10 =	vld [tilespmem:$0x40]  }
0x4e: {  	v6 =	vld [tilespmem:$0x80]  }
0x4f: {  	vm0 =	veq.s32 v2, v11;
	v9 =	vld [tilespmem:$0x60]  }
0x50: {  	v2 =	vld [tilespmem:$0x90];
	v11 =	vsel vm0, $0x2710, v11  }
.LBB2_3:
0x51: {  	v12 =	vld [tilespmem:$0xF0]  }
0x52: {  	vm0 =	veq.s32 v8, v3;
	v58 =	vld [tilespmem:$0x70]  }
0x53: {  	[tilespmem:$0xA0] =	vst v11;
	v59 =	vld [tilespmem:$0x10];
	vm11 =	veq.s32 v5, v1;
	v3 =	vsel vm0, $0x2710, v3  }
0x54: {  	vm1 =	veq.s32 v10, v4;
	v1 =	vsel vm11, $0x2710, v1;
	[tilespmem:$0xB0] =	vst v3  }
0x55: {  	v60 =	vsel vm1, $0x2710, v4;
	vm13 =	veq.s32 v7, v6;
	[tilespmem:$0xD0] =	vst v1  }
0x56: {  	vm12 =	veq.s32 v9, v0;
	[tilespmem:$0xC0] =	vst v60;
	v61 =	vsel vm13, $0x2710, v6  }
0x57: {  	v0 =	vsel vm12, $0x2710, v0;
	[tilespmem:$0x80] =	vst v61;
	vm14 =	veq.s32 v58, v12  }
0x58: {  	[tilespmem:$0xE0] =	vst v0;
	vm15 =	veq.s32 v59, v2;
	v62 =	vsel vm14, $0x2710, v12  }
0x59: {  	v63 =	vsel vm15, $0x2710, v2;
	[tilespmem:$0xF0] =	vst v62  }
0x5a: {  	[tilespmem:$0x90] =	vst v63  }
0x5b: {  	[tilespmem:s15], [sflag:$0x1] =	stream.indirect.gather [hbm4b:s4+s14], $0x80, s3, s14, $0xb8;
	[tilespmem:$0x18100] =	vst v63  }
0x5c: {  	_ =	swait.ge [sflag:s16], $0x4000  }
0x5d: {  	[sflag:s16] =	ssyncset.done $0x0  }
0x5e: {  	[sflag:s16] =	ssyncadd.s32 $0xFFFFC000  }
0x5f: {  	[spmem:s2] =	stream.indirect.scatter.add.f32 [tilespmem:s15], [sflag:$0x2], $0x80, s14, s14, $0xb8;
	[tilespmem:$0x18100] =	vst v63  }
0x60: {  	_ =	swait.ge [sflag:s13], $0x4000  }
0x61: {  	s17 =	sadd.s32 $0x1, s17;
	[sflag:s13] =	ssyncset.done $0x0  }
0x62: {  	p0 =	sne.s32 s17, s9;
	[sflag:s13] =	ssyncadd.s32 $0xFFFFC000  }
.Ltmp2:
0x63: {  	[bflag:$0x0] =	sbarrier.arrive $0xFFFF;
	(pc) =	sbr.rel @p0 .LBB2_1-.Ltmp2, $4  }
0x64: {  	[hbm:s8], [sflag:s7] =	dma.local [spmem:s12], $0x2800  }
0x65: {  	_ =	swait.ge [sflag:s13], $0x2800  }
0x66: {  	[sflag:s13] =	ssyncset.done $0x0  }
0x67: {  	[sflag:s13] =	ssyncadd.s32 $0xFFFFD800  }
0x68: {  	_ =	sfence.sel $0x180000  }
0x69: {  	[bflag:$0x0] =	sbarrier.arrive $0xFFFF  }
0x6a: {  	p0 =	sne.s32 s1, $0x0;
	_ =	strace $0x9000004D  }
0x6b: {  	s0 =	sadd.s32 @!p0 $0x100000, s0;
	[bflag:$0x2] =	sbarrier.arrive $0xFFFF  }
0x6c: {  	[sflag:s0] =	ssyncadd.tile.s32 @!p0 $0x1;
	_ =	shalt  }
.Lfunc_end2:
_tile_overlayer_lowered:
.L_overlay_start_2:
0x6d: {  	(tag) =	ssettag $0x2  }
0x6e: {  	s0 =	rddreg [dreg:$0x0];
	s2 =	stileid.u32  }
0x6f: {  	s1 =	rddreg [dreg:$0x1];
	p0 =	sne.s32 s2, $0x0  }
0x70: {  	s3 =	rddreg [dreg:$0x2];
	[bflag:$0x3] =	sbarrier.arrive $0xFFFF;
	s2 =	simm.s32 @!p0 $0x1C02  }
0x71: {  	[timem:s3], [sflag:s2] =	dma.local @!p0 [hbm:s0], s1  }
0x72: {  	s0 =	simm.s32 @!p0 $0x2  }
0x73: {  	_ =	swait.ge @!p0 [sflag:s0], s1  }
0x74: {  	s1 =	ssub.s32 @!p0 $0x0, s1;
	[sflag:s0] =	ssyncset.done @!p0 $0x0  }
0x75: {  	[sflag:s0] =	ssyncadd.s32 @!p0 s1  }
0x76: {  	[bflag:$0x3] =	sbarrier.arrive $0xFFFF  }
0x77: {  	_ =	shalt  }

// kernel: kernel.9.cloned.1.call-start
scs
__scs_entry_jumppad:
0x0: {  	(pc) =	sbr.rel $0x88, $3  }
0x1: {  	(tag) =	ssettag $0x0;
	lr =	simm.s32 $0x1  }
0x2: {  	[smem:$0x3F8A] =	sst lr;
	_ =	strace $0xD0000000  }
0x3: {  	_ = 	snop  }
0x4: {  	_ = 	snop  }
0x5: {  	_ = 	snop  }
0x6: {  	_ = 	snop  }
0x7: {  	_ = 	snop  }
__scs_overlays_trampoline_lowered:
0x8: {  	[smem:$0x3F99] =	sst s0  }
0x9: {  	[smem:$0x3F9A] =	sst s1  }
0xa: {  	[smem:$0x3F9B] =	sst s2  }
0xb: {  	[smem:$0x3F9C] =	sst s3  }
0xc: {  	[smem:$0x3F9D] =	sst s4  }
0xd: {  	[smem:$0x3F9E] =	sst s5  }
0xe: {  	[smem:$0x3F9F] =	sst s6  }
0xf: {  	[smem:$0x3FA0] =	sst s7  }
0x10: {  	[smem:$0x3FA1] =	sst s8  }
0x11: {  	[smem:$0x3FA2] =	sst s9;
	s0 =	simm.s32 @!p0 $0x0  }
0x12: {  	s1 =	sld [smem:$0x3F88];
	s0 =	simm.s32 @p0 $0x1  }
0x13: {  	[smem:$0x3FA3] =	sst s0;
	s0 =	simm.s32 @!p1 $0x0  }
0x14: {  	s2 =	sld [smem:$0x3F87];
	s0 =	simm.s32 @p1 $0x1  }
0x15: {  	[smem:$0x3FA4] =	sst s0;
	s0 =	simm.s32 @!p2 $0x0  }
0x16: {  	s3 =	sld [smem:$0x3FDB];
	s0 =	simm.s32 @p2 $0x1  }
0x17: {  	s4 =	simm.s32 $0x1BF5;
	[smem:$0x3FA6] =	sst s0  }
0x18: {  	s0 =	sld [smem:$0x3F89];
	_ =	swait.ge [sflag:s4], $0x0  }
0x19: {  	s7 =	sld [smem:$0x3F8A]  }
0x1a: {  	s8 =	sadd.s32 $0xFFFFE003, lr  }
0x1b: {  	s9 =	sadd.s32 $0xFFFFFEF7, lr;
	s5 =	simm.s32 $0xFFFFFFFF;
	p2 =	slt.u32 s8, $0xFFFFF086  }
0x1c: {  	p1 =	slt.u32 s9, $0xF7A;
	s5 =	simm.s32 @!p2 $0x0  }
0x1d: {  	s5 =	simm.s32 @p1 $0x1;
	p0 =	seq.s32 s7, s2  }
0x1e: {  	s7 =	smul.u32 @!p0 $0xF7A, s2;
	p2 =	seq.s32 @!p0 s5, $0x0  }
0x1f: {  	s9 =	smul.u32 $0xF7A, s1;
	s8 =	simm.s32 @!p0 $0x1BF5;
	p2 =	por !p2, p0  }
0x20: {  	[sflag:s8] =	ssyncset.s32 @!p0 $0xFFFFF086;
	s6 =	sadd.s32 @!p0 s3, s7;
	s7 =	simm.s32 @!p0 $0x108  }
0x21: {  	s3 =	sadd.s32 s3, s9;
	s6 =	sadd.s32 @!p0 $0x88, s6;
	s7 =	simm.s32 @p2 $0x1082  }
0x22: {  	[simem:s7], [sflag:s8] =	dma.local @!p0 [hbm:s6], $0xF7A  }
0x23: {  	s9 =	sor.u32 $0xD0000000, s2;
	s6 =	simm.s32 $0x108;
	_ =	swait.ge @!p0 [sflag:s8], $0x0  }
0x24: {  	s3 =	sadd.s32 $0x88, s3;
	s6 =	simm.s32 @!p1 $0x1082;
	[sflag:s4] =	ssyncset.s32 $0xFFFFF086  }
0x25: {  	[simem:s6], [sflag:s4] =	dma.local [hbm:s3], $0xF7A  }
0x26: {  	[smem:$0x3F8A] =	sst s1;
	(tag) =	ssettag s2;
	_ =	strace s9  }
0x27: {  	s1 =	sld [smem:$0x3F9A]  }
0x28: {  	s2 =	sld [smem:$0x3F9B]  }
0x29: {  	s4 =	sld [smem:$0x3F9D]  }
0x2a: {  	p0 =	seq.s32 s5, $0x0;
	s5 =	sld [smem:$0x3F9E]  }
0x2b: {  	s6 =	sld [smem:$0x3F9F]  }
0x2c: {  	s7 =	sld [smem:$0x3FA0]  }
0x2d: {  	s3 =	simm.s32 $0x108;
	s8 =	sld [smem:$0x3FA1]  }
0x2e: {  	s3 =	simm.s32 @!p0 $0x1082;
	s9 =	sld [smem:$0x3FA2]  }
0x2f: {  	lr =	sadd.s32 s0, s3;
	s0 =	sld [smem:$0x3F99]  }
0x30: {  	s3 =	sld [smem:$0x3F9C]  }
0x31: {  	[smem:$0x3FA5] =	sst s10  }
0x32: {  	s10 =	sld [smem:$0x3FA3];
	_ =	sdelay $0x3  }
0x33: {  	p0 =	seq.s32 s10, $0x1;
	s10 =	sld [smem:$0x3FA5];
	_ =	sdelay $0x3  }
0x34: {  	[smem:$0x3FA5] =	sst s10  }
0x35: {  	s10 =	sld [smem:$0x3FA4];
	_ =	sdelay $0x3  }
0x36: {  	p1 =	seq.s32 s10, $0x1;
	s10 =	sld [smem:$0x3FA5];
	_ =	sdelay $0x3  }
0x37: {  	[smem:$0x3FA5] =	sst s10  }
0x38: {  	s10 =	sld [smem:$0x3FA6]  }
0x39: {  	_ = 	snop;
	(pc) =	sbr.ind lr, $3  }
0x3a: {  	_ = 	snop  }
0x3b: {  	_ = 	snop  }
0x3c: {  	p2 =	seq.s32 s10, $0x1;
	s10 =	sld [smem:$0x3FA5]  }
0x3d: {  	_ =	shalt  }
0x3e: {  	_ =	shalt  }
0x3f: {  	_ =	shalt  }
0x40: {  	_ =	shalt  }
0x41: {  	_ =	shalt  }
0x42: {  	_ =	shalt  }
0x43: {  	_ =	shalt  }
0x44: {  	_ =	shalt  }
0x45: {  	_ =	shalt  }
0x46: {  	_ =	shalt  }
0x47: {  	_ =	shalt  }
0x48: {  	_ =	shalt  }
0x49: {  	_ =	shalt  }
0x4a: {  	_ =	shalt  }
0x4b: {  	_ =	shalt  }
0x4c: {  	_ =	shalt  }
0x4d: {  	_ =	shalt  }
0x4e: {  	_ =	shalt  }
0x4f: {  	_ =	shalt  }
0x50: {  	_ =	shalt  }
0x51: {  	_ =	shalt  }
0x52: {  	_ =	shalt  }
0x53: {  	_ =	shalt  }
0x54: {  	_ =	shalt  }
0x55: {  	_ =	shalt  }
0x56: {  	_ =	shalt  }
0x57: {  	_ =	shalt  }
0x58: {  	_ =	shalt  }
0x59: {  	_ =	shalt  }
0x5a: {  	_ =	shalt  }
0x5b: {  	_ =	shalt  }
0x5c: {  	_ =	shalt  }
0x5d: {  	_ =	shalt  }
0x5e: {  	_ =	shalt  }
0x5f: {  	_ =	shalt  }
0x60: {  	_ =	shalt  }
0x61: {  	_ =	shalt  }
0x62: {  	_ =	shalt  }
0x63: {  	_ =	shalt  }
0x64: {  	_ =	shalt  }
0x65: {  	_ =	shalt  }
0x66: {  	_ =	shalt  }
0x67: {  	_ =	shalt  }
0x68: {  	_ =	shalt  }
0x69: {  	_ =	shalt  }
0x6a: {  	_ =	shalt  }
0x6b: {  	_ =	shalt  }
0x6c: {  	_ =	shalt  }
0x6d: {  	_ =	shalt  }
0x6e: {  	_ =	shalt  }
0x6f: {  	_ =	shalt  }
0x70: {  	_ =	shalt  }
0x71: {  	_ =	shalt  }
0x72: {  	_ =	shalt  }
0x73: {  	_ =	shalt  }
0x74: {  	_ =	shalt  }
0x75: {  	_ =	shalt  }
0x76: {  	_ =	shalt  }
0x77: {  	_ =	shalt  }
0x78: {  	_ =	shalt  }
0x79: {  	_ =	shalt  }
0x7a: {  	_ =	shalt  }
0x7b: {  	_ =	shalt  }
0x7c: {  	_ =	shalt  }
0x7d: {  	_ =	shalt  }
0x7e: {  	_ =	shalt  }
0x7f: {  	_ =	shalt  }
0x80: {  	_ =	shalt  }
0x81: {  	_ =	shalt  }
0x82: {  	_ =	shalt  }
0x83: {  	_ =	shalt  }
0x84: {  	_ =	shalt  }
0x85: {  	_ =	shalt  }
0x86: {  	_ =	shalt  }
0x87: {  	_ =	shalt  }
.Lfunc_end0:
.L_simem_size_0:
called_computation_lowered:
.L_overlay_start_0:
0x88: {  	s2 =	sld [smem:$0x3FD9]  }
0x89: {  	s3 =	sld [smem:$0x3FFE];
	_ =	sdelay $0x1  }
0x8a: {  	s1 =	srdreg.scid  }
0x8b: {  	s0 =	sand.u32 $0x1, s1  }
0x8c: {  	s16 =	sshll.u32 s0, $0xA;
	s2 =	sadd.s32 s3, s2  }
0x8d: {  	s2 =	sadd.s32 s2, s16  }
0x8e: {  	[smem:$0x3FB1] =	sst s2  }
0x8f: {  	_ = 	snop  }
0x90: {  	(tm) =	ssettm $0x1  }
0x91: {  	s17 =	sld [smem:$0x3FFB];
	_ =	sdelay $0x3  }
0x92: {  	_ =	strace s17  }
0x93: {  	s2 =	sld [smem:$0x3FFC];
	_ =	sdelay $0x3  }
0x94: {  	_ =	strace s2  }
0x95: {  	s2 =	sld [smem:$0x3FFD];
	_ =	sdelay $0x3  }
0x96: {  	_ =	strace s2  }
0x97: {  	_ =	strace $0x8FFFFFFF  }
0x98: {  	s18 =	sld [smem:$0x3FDB];
	_ =	sdelay $0x1  }
0x99: {  	s19 =	simm.s32 $_scs_section_size  }
0x9a: {  	s4 =	simm.s32 $_size__tile_overlayer_lowered;
	s5 =	simm.s32 $_tile_overlayer_lowered  }
0x9b: {  	s22 =	simm.s32 $0x1BFF;
	s21 =	sshll.u32 s5, $0x1;
	s2 =	sadd.s32 s19, s18  }
0x9c: {  	s6 =	simm.s32 $0x0;
	s20 =	sshll.u32 s4, $0x1;
	s4 =	sadd.s32 s21, s2  }
0x9d: {  	[timem:s6], [sflag:s22] =	dma.local [hbm:s4], s20  }
0x9e: {  	_ =	swait.ge [sflag:s22], s20  }
0x9f: {  	s3 =	ssub.s32 $0x0, s20;
	[sflag:s22] =	ssyncset.done $0x0  }
0xa0: {  	[sflag:s22] =	ssyncadd.s32 s3;
	_ =	sdelay $0x1  }
0xa1: {  	s23 =	simm.s32 $0x1B8B  }
0xa2: {  	_ =	swait.ge [sflag:s23], $0x1  }
0xa3: {  	[sflag:s23] =	ssyncset.done $0x0  }
0xa4: {  	s25 =	simm.s32 $0x1B8E;
	s24 =	sld [smem:$0x3FFE];
	[sflag:s23] =	ssyncadd.s32 $0xFFFFFFFF  }
0xa5: {  	s26 =	simm.s32 $execute0_lowered;
	[smem:$0x3FD2] =	sst s25  }
0xa6: {  	s4 =	sshll.u32 s26, $0x1;
	_ =	strace $0x80000046;
	[dreg:$0x1] =	wrdreg $0xFFFFFFFF  }
0xa7: {  	s28 =	simm.s32 $_size_execute0_lowered;
	s2 =	sadd.s32 s2, s4;
	[dreg:$0x0] =	wrdreg $0x0  }
0xa8: {  	s4 =	sshll.u32 s28, $0x1;
	[dreg:$0x2] =	wrdreg s2  }
0xa9: {  	[dreg:$0x3] =	wrdreg s4  }
0xaa: {  	[dreg:$0x4] =	wrdreg $0xC0  }
0xab: {  	_ =	task [dreg:s6], $0x5FFFF  }
0xac: {  	[dreg:$0x1] =	wrdreg $0xFFFFFFFF  }
0xad: {  	[dreg:$0x0] =	wrdreg $0x60  }
0xae: {  	[dreg:$0x2] =	wrdreg s24  }
0xaf: {  	[dreg:$0x3] =	wrdreg $0x41000  }
0xb0: {  	[dreg:$0x4] =	wrdreg $0x9  }
0xb1: {  	_ =	task.clear_ibuf [dreg:s6], $0x5FFFF;
	_ =	strace $0x90000046  }
0xb2: {  	s29 =	simm.s32 $0x9;
	_ =	strace $0x80000048  }
0xb3: {  	_ =	swait.ge [sflag:s29], $0x1  }
0xb4: {  	[sflag:s29] =	ssyncadd.s32 $0xFFFFFFFF  }
0xb5: {  	_ =	strace $0x90000048  }
0xb6: {  	_ =	sfence  }
0xb7: {  	s30 =	sld [smem:$0x0];
	_ =	sdelay $0x2  }
0xb8: {  	s31 =	sshll.u32 s1, $0xD;
	s1 =	sshrl.u32 s1, $0x2  }
0xb9: {  	s3 =	sand.u32 $0x4000, s31;
	s1 =	sadd.s32 s1, s30  }
0xba: {  	s0 =	sor.u32 s3, s0;
	s1 =	sshll.u32 s1, $0x11  }
0xbb: {  	s0 =	sor.u32 s1, s0  }
0xbc: {  	s0 =	sadd.s32 $0x8F2B, s0  }
0xbd: {  	[sflag:s0] =	ssyncadd.remote.s32 $0x1  }
0xbe: {  	_ =	sfence.sel $0xFFFF  }
0xbf: {  	[dreg:$0x0] =	wrdreg $0xFFFFFFFF;
	(pc) =	sbr.abs _section_cstart, $3  }
0xc0: {  	[dreg:$0x1] =	wrdreg $0xFFFFFFFF  }
0xc1: {  	_ =	task.clear_ibuf [dreg:s6], $0x2FFFF;
	_ =	strace $0x9FFFFFFF  }
0xc2: {  	(tm) =	ssettm $0x7FFFFFFF  }
0xc3: {  	_ =	shalt  }
tec
execute0_lowered:
.L_overlay_start_1:
0x0: {  	(tag) =	ssettag $0x1  }
0x1: {  	s6 =	rddreg [dreg:$0x0]  }
0x2: {  	s2 =	rddreg [dreg:$0x1]  }
0x3: {  	s0 =	rddreg [dreg:$0x2];
	s1 =	stileid.u32;
	s3 =	simm.s32 $0x0  }
0x4: {  	s4 =	srdreg.scid;
	s14 =	simm.s32 $0x80;
	s15 =	simm.s32 $0x100  }
0x5: {  	s16 =	simm.s32 $0x1;
	s17 =	simm.s32 $0x0;
	s5 =	smul.u32 $0x5D, s1  }
0x6: {  	[smem:$0x7FF] =	sst s3;
	s7 =	sand.u32 $0x1, s4;
	s9 =	smul.u32 $0x2800, s1  }
0x7: {  	s8 =	sshll.u32 s1, $0x6;
	s12 =	smul.u32 $0x50000, s1;
	p0 =	seq.s32 s7, $0x0  }
0x8: {  	_ =	strace $0x80000047;
	s10 =	smul.u32 $0x28000, s7;
	s7 =	ssub.s32 $0x2, s7  }
0x9: {  	s4 =	sadd.s32 $0x400, s5;
	s5 =	sadd.s32 $0x3F000, s6;
	s29 =	sshrl.u32 s7, $0x1  }
0xa: {  	s30 =	sshrl.u32 s12, $0x2;
	s4 =	smov.u32 @p0 s8;
	s9 =	sadd.s32 s9, s10  }
0xb: {  	s31 =	ssub.s32 s7, s29;
	s13 =	sadd.s32 s30, s2;
	s7 =	sor.u32 $0x1C02, s8  }
0xc: {  	s28 =	sshll.u32 s4, $0x4;
	s4 =	sadd.s32 $0x17E00, s6;
	s9 =	sadd.s32 s9, s6  }
0xd: {  	s12 =	sshrl.u32 s13, $0x3;
	s13 =	simm.s32 $0x2;
	s11 =	sadd.s32 s28, s6  }
0xe: {  	s6 =	simm.s32 $0x40;
	s8 =	sadd.s32 $0x41800, s9;
	s9 =	smax.u32 s31, $0x1  }
0xf: {  	s6 =	simm.s32 @!p0 $0x5D;
	s10 =	sadd.s32 $0x4200, s11;
	s11 =	sadd.s32 $0xE000, s11  }
.LBB2_1:
0x10: {  	[spmem:s12], [sflag:s7] =	dma.local [hbm:s5], $0x2800  }
0x11: {  	_ =	swait.ge [sflag:s13], $0x2800  }
0x12: {  	[sflag:s13] =	ssyncset.done $0x0  }
0x13: {  	[sflag:s13] =	ssyncadd.s32 $0xFFFFD800  }
0x14: {  	[bflag:$0x0] =	sbarrier.arrive $0xFFFF  }
0x15: {  	[tilespmem:s3], [sflag:$0x2] =	stream.linear.gather [hbm4b:s11+s3], $0x80, $0x38;
	[tilespmem:$0x18100] =	vst v63  }
0x16: {  	_ =	swait.ge [sflag:s13], $0x80  }
0x17: {  	[sflag:s13] =	ssyncset.done $0x0  }
0x18: {  	[sflag:s13] =	ssyncadd.s32 $0xFFFFFF80  }
0x19: {  	[tilespmem:s14], [sflag:$0x2] =	stream.linear.gather [hbm4b:s10+s3], $0x80, $0x38;
	[tilespmem:$0x18100] =	vst v63  }
0x1a: {  	_ =	swait.ge [sflag:s13], $0x80  }
0x1b: {  	[sflag:s13] =	ssyncset.done $0x0  }
0x1c: {  	[sflag:s13] =	ssyncadd.s32 $0xFFFFFF80  }
0x1d: {  	v0 =	vld [tilespmem:$0xE0]  }
0x1e: {  	v1 =	vld [tilespmem:$0xD0]  }
0x1f: {  	v3 =	vld [tilespmem:$0xB0]  }
0x20: {  	v11 =	vld [tilespmem:$0xA0]  }
0x21: {  	v8 =	vld [tilespmem:$0x30]  }
0x22: {  	v5 =	vld [tilespmem:$0x50]  }
0x23: {  	v2 =	vld [tilespmem:$0x20]  }
0x24: {  	p0 =	sne.s32 s6, $0x1;
	v4 =	vld [tilespmem:$0xC0]  }
.Ltmp0:
0x25: {  	v7 =	vld [tilespmem:$0x0];
	(pc) =	sbr.rel @!p0 .LBB2_3-.Ltmp0, $4  }
0x26: {  	v10 =	vld [tilespmem:$0x40]  }
0x27: {  	v6 =	vld [tilespmem:$0x80]  }
0x28: {  	v9 =	vld [tilespmem:$0x60];
	vm0 =	veq.s32 v2, v11  }
0x29: {  	s18 =	sadd.s32 $0xFFFFFFFF, s6;
	s19 =	smov.u32 s10;
	s20 =	smov.u32 s11;
	v2 =	vld [tilespmem:$0x90];
	v11 =	vsel vm0, $0x2710, v11  }
.LBB2_2:
0x2a: {  	p0 =	sne.s32 s18, $0x1;
	v12 =	vld [tilespmem:$0xF0];
	s19 =	sadd.s32 $0x10, s19;
	s20 =	sadd.s32 $0x10, s20  }
0x2b: {  	s18 =	sadd.s32 $0xFFFFFFFF, s18;
	vm0 =	veq.s32 v8, v3;
	[tilespmem:$0xA0] =	vst v11;
	vm1 =	veq.s32 v10, v4;
	v8 =	vld [tilespmem:$0x70]  }
0x2c: {  	v3 =	vsel vm0, $0x2710, v3;
	vm0 =	veq.s32 v5, v1;
	vm2 =	veq.s32 v7, v6;
	v7 =	vld [tilespmem:$0x10]  }
0x2d: {  	v5 =	vsel vm2, $0x2710, v6;
	[tilespmem:$0xB0] =	vst v3;
	v3 =	vsel vm1, $0x2710, v4;
	vm1 =	veq.s32 v9, v0  }
0x2e: {  	v1 =	vsel vm0, $0x2710, v1;
	[tilespmem:$0xC0] =	vst v3;
	v0 =	vsel vm1, $0x2710, v0  }
0x2f: {  	[tilespmem:$0xD0] =	vst v1  }
0x30: {  	[tilespmem:$0xE0] =	vst v0;
	vm0 =	veq.s32 v8, v12  }
0x31: {  	[tilespmem:$0x80] =	vst v5;
	vm1 =	veq.s32 v7, v2;
	v0 =	vsel vm0, $0x2710, v12  }
0x32: {  	v1 =	vsel vm1, $0x2710, v2;
	[tilespmem:$0xF0] =	vst v0  }
0x33: {  	[tilespmem:$0x90] =	vst v1  }
0x34: {  	[tilespmem:s15], [sflag:$0x1] =	stream.indirect.gather [hbm4b:s4+s14], $0x80, s3, s14, $0xb8;
	[tilespmem:$0x18100] =	vst v63  }
0x35: {  	_ =	swait.ge [sflag:s16], $0x4000  }
0x36: {  	[sflag:s16] =	ssyncset.done $0x0  }
0x37: {  	[sflag:s16] =	ssyncadd.s32 $0xFFFFC000  }
0x38: {  	[spmem:s2] =	stream.indirect.scatter.add.f32 [tilespmem:s15], [sflag:$0x2], $0x80, s14, s14, $0xb8;
	[tilespmem:$0x18100] =	vst v63  }
0x39: {  	_ =	swait.ge [sflag:s13], $0x4000  }
0x3a: {  	[sflag:s13] =	ssyncset.done $0x0  }
0x3b: {  	[sflag:s13] =	ssyncadd.s32 $0xFFFFC000  }
0x3c: {  	[tilespmem:s3], [sflag:$0x2] =	stream.linear.gather [hbm4b:s20+s3], $0x80, $0x38;
	[tilespmem:$0x18100] =	vst v63  }
0x3d: {  	_ =	swait.ge [sflag:s13], $0x80  }
0x3e: {  	[sflag:s13] =	ssyncset.done $0x0  }
0x3f: {  	[sflag:s13] =	ssyncadd.s32 $0xFFFFFF80  }
0x40: {  	[tilespmem:s14], [sflag:$0x2] =	stream.linear.gather [hbm4b:s19+s3], $0x80, $0x38;
	[tilespmem:$0x18100] =	vst v63  }
0x41: {  	_ =	swait.ge [sflag:s13], $0x80  }
0x42: {  	[sflag:s13] =	ssyncset.done $0x0  }
0x43: {  	[sflag:s13] =	ssyncadd.s32 $0xFFFFFF80  }
0x44: {  	v0 =	vld [tilespmem:$0xE0]  }
0x45: {  	v1 =	vld [tilespmem:$0xD0]  }
0x46: {  	v3 =	vld [tilespmem:$0xB0]  }
0x47: {  	v11 =	vld [tilespmem:$0xA0]  }
0x48: {  	v8 =	vld [tilespmem:$0x30]  }
0x49: {  	v5 =	vld [tilespmem:$0x50]  }
0x4a: {  	v2 =	vld [tilespmem:$0x20]  }
0x4b: {  	v4 =	vld [tilespmem:$0xC0]  }
.Ltmp1:
0x4c: {  	v7 =	vld [tilespmem:$0x0];
	(pc) =	sbr.rel @p0 .LBB2_2-.Ltmp1, $4  }
0x4d: {  	v10 =	vld [tilespmem:$0x40]  }
0x4e: {  	v6 =	vld [tilespmem:$0x80]  }
0x4f: {  	vm0 =	veq.s32 v2, v11;
	v9 =	vld [tilespmem:$0x60]  }
0x50: {  	v2 =	vld [tilespmem:$0x90];
	v11 =	vsel vm0, $0x2710, v11  }
.LBB2_3:
0x51: {  	v12 =	vld [tilespmem:$0xF0]  }
0x52: {  	vm0 =	veq.s32 v8, v3;
	v58 =	vld [tilespmem:$0x70]  }
0x53: {  	[tilespmem:$0xA0] =	vst v11;
	v59 =	vld [tilespmem:$0x10];
	vm11 =	veq.s32 v5, v1;
	v3 =	vsel vm0, $0x2710, v3  }
0x54: {  	vm1 =	veq.s32 v10, v4;
	v1 =	vsel vm11, $0x2710, v1;
	[tilespmem:$0xB0] =	vst v3  }
0x55: {  	v60 =	vsel vm1, $0x2710, v4;
	vm13 =	veq.s32 v7, v6;
	[tilespmem:$0xD0] =	vst v1  }
0x56: {  	vm12 =	veq.s32 v9, v0;
	[tilespmem:$0xC0] =	vst v60;
	v61 =	vsel vm13, $0x2710, v6  }
0x57: {  	v0 =	vsel vm12, $0x2710, v0;
	[tilespmem:$0x80] =	vst v61;
	vm14 =	veq.s32 v58, v12  }
0x58: {  	[tilespmem:$0xE0] =	vst v0;
	vm15 =	veq.s32 v59, v2;
	v62 =	vsel vm14, $0x2710, v12  }
0x59: {  	v63 =	vsel vm15, $0x2710, v2;
	[tilespmem:$0xF0] =	vst v62  }
0x5a: {  	[tilespmem:$0x90] =	vst v63  }
0x5b: {  	[tilespmem:s15], [sflag:$0x1] =	stream.indirect.gather [hbm4b:s4+s14], $0x80, s3, s14, $0xb8;
	[tilespmem:$0x18100] =	vst v63  }
0x5c: {  	_ =	swait.ge [sflag:s16], $0x4000  }
0x5d: {  	[sflag:s16] =	ssyncset.done $0x0  }
0x5e: {  	[sflag:s16] =	ssyncadd.s32 $0xFFFFC000  }
0x5f: {  	[spmem:s2] =	stream.indirect.scatter.add.f32 [tilespmem:s15], [sflag:$0x2], $0x80, s14, s14, $0xb8;
	[tilespmem:$0x18100] =	vst v63  }
0x60: {  	_ =	swait.ge [sflag:s13], $0x4000  }
0x61: {  	s17 =	sadd.s32 $0x1, s17;
	[sflag:s13] =	ssyncset.done $0x0  }
0x62: {  	p0 =	sne.s32 s17, s9;
	[sflag:s13] =	ssyncadd.s32 $0xFFFFC000  }
.Ltmp2:
0x63: {  	[bflag:$0x0] =	sbarrier.arrive $0xFFFF;
	(pc) =	sbr.rel @p0 .LBB2_1-.Ltmp2, $4  }
0x64: {  	[hbm:s8], [sflag:s7] =	dma.local [spmem:s12], $0x2800  }
0x65: {  	_ =	swait.ge [sflag:s13], $0x2800  }
0x66: {  	[sflag:s13] =	ssyncset.done $0x0  }
0x67: {  	[sflag:s13] =	ssyncadd.s32 $0xFFFFD800  }
0x68: {  	_ =	sfence.sel $0x180000  }
0x69: {  	[bflag:$0x0] =	sbarrier.arrive $0xFFFF  }
0x6a: {  	p0 =	sne.s32 s1, $0x0;
	_ =	strace $0x90000047  }
0x6b: {  	s0 =	sadd.s32 @!p0 $0x100000, s0;
	[bflag:$0x2] =	sbarrier.arrive $0xFFFF  }
0x6c: {  	[sflag:s0] =	ssyncadd.tile.s32 @!p0 $0x1;
	_ =	shalt  }
.Lfunc_end2:
_tile_overlayer_lowered:
.L_overlay_start_2:
0x6d: {  	(tag) =	ssettag $0x2  }
0x6e: {  	s0 =	rddreg [dreg:$0x0];
	s2 =	stileid.u32  }
0x6f: {  	s1 =	rddreg [dreg:$0x1];
	p0 =	sne.s32 s2, $0x0  }
0x70: {  	s3 =	rddreg [dreg:$0x2];
	[bflag:$0x3] =	sbarrier.arrive $0xFFFF;
	s2 =	simm.s32 @!p0 $0x1C02  }
0x71: {  	[timem:s3], [sflag:s2] =	dma.local @!p0 [hbm:s0], s1  }
0x72: {  	s0 =	simm.s32 @!p0 $0x2  }
0x73: {  	_ =	swait.ge @!p0 [sflag:s0], s1  }
0x74: {  	s1 =	ssub.s32 @!p0 $0x0, s1;
	[sflag:s0] =	ssyncset.done @!p0 $0x0  }
0x75: {  	[sflag:s0] =	ssyncadd.s32 @!p0 s1  }
0x76: {  	[bflag:$0x3] =	sbarrier.arrive $0xFFFF  }
0x77: {  	_ =	shalt  }

</sc_bundles>
